<compile_context>
chip_gen: v7x
topology: tpu7x:2x2x1
jax: 0.10.2.dev20260603
libtpu: 0.0.44.dev20260713+nightly
codegen_flags: <defaults>
</compile_context>

<pallas_src>
import functools

import jax
import jax.numpy as jnp
from jax import lax
from jax.experimental import pallas as pl
from jax.experimental.pallas import tpu as pltpu
from jax.experimental.pallas import tpu_sc as plsc

N = 1048576
BLK = 4096
G = N // BLK
R2 = BLK // 16
SLAB = 1024
LADDER = (16384, 16384, 8192, 4096, 2048, 1024, 512, 256, 128)


def _k1_body(x_ref, pref_ref, thr_ref, acc_ref):
    pid = pl.program_id(0)

    @pl.when(pid == 0)
    def _():
        acc_ref[0] = 0
        acc_ref[1] = 0

    lanes = lax.broadcasted_iota(jnp.int32, (R2, 128), 1)
    qm = (lanes & 7) == 2
    xb = x_ref[...]
    n1 = jnp.sum(((xb == 1.0) & qm).astype(jnp.int32))
    n2 = jnp.sum(((xb == 2.0) & qm).astype(jnp.int32))
    a1 = acc_ref[0]
    a2 = acc_ref[1]

    c16 = lax.broadcasted_iota(jnp.int32, (1, 16), 1)
    pref_ref[...] = jnp.where(c16 == 0, a1,
                              jnp.where(c16 == 1, a2, 0))[None]

    a1n = a1 + n1
    a2n = a2 + n2
    c0 = N - a1n - a2n
    thr_ref[...] = jnp.where(c16 == 0, c0,
                             jnp.where(c16 == 1, c0 + a1n, 0))
    acc_ref[0] = a1n
    acc_ref[1] = a2n


def _k1(x2d):
    return pl.pallas_call(
        _k1_body,
        grid=(G,),
        in_specs=[pl.BlockSpec((R2, 128), lambda i: (i, 0))],
        out_specs=[
            pl.BlockSpec((1, 1, 16), lambda i: (i, 0, 0)),
            pl.BlockSpec((1, 16), lambda i: (0, 0)),
        ],
        out_shape=[
            jax.ShapeDtypeStruct((G, 1, 16), jnp.int32),
            jax.ShapeDtypeStruct((1, 16), jnp.int32),
        ],
        scratch_shapes=[pltpu.SMEM((2,), jnp.int32)],
        compiler_params=pltpu.CompilerParams(
            dimension_semantics=("arbitrary",)),
    )(x2d)


def _s2(x2d, pref, thr):
    info = plsc.get_sparse_core_info()
    nc, ns = info.num_cores, info.num_subcores
    nw = nc * ns
    m = N // nw
    rows2d = SLAB // 16
    nslab = m // SLAB
    bufsz = m + 256
    mesh = plsc.VectorSubcoreMesh(core_axis_name="c", subcore_axis_name="s")

    @functools.partial(
        pl.kernel,
        mesh=mesh,
        out_type=jax.ShapeDtypeStruct((N + 128,), jnp.float32),
        scratch_types=[
            pltpu.VMEM((rows2d, 128), jnp.float32),
            pltpu.VMEM((bufsz,), jnp.float32),
            pltpu.VMEM((bufsz,), jnp.float32),
            pltpu.VMEM((bufsz,), jnp.float32),
            pltpu.VMEM((6, 128), jnp.int32),
            pltpu.VMEM((16,), jnp.int32),
            pltpu.VMEM((16,), jnp.int32),
            pltpu.SemaphoreType.DMA,
        ],
        compiler_params=pltpu.CompilerParams(needs_layout_passes=False),
    )
    def s2(x_h, pref_h, thr_h, ws_h, xv, b0, b1, b2, idxb, prefv, thrv, sem):
        wid = lax.axis_index("s") * nc + lax.axis_index("c")
        lane = lax.iota(jnp.int32, 16)
        z = lane * 0

        pltpu.sync_copy(pref_h.at[(m // BLK) * wid], prefv)
        pltpu.sync_copy(thr_h.at[0], thrv)
        p = prefv[...]
        t = thrv[...]
        pre1 = jnp.sum(jnp.where(lane == 0, p, 0))
        pre2 = jnp.sum(jnp.where(lane == 1, p, 0))
        c0 = jnp.sum(jnp.where(lane == 0, t, 0))
        c01 = jnp.sum(jnp.where(lane == 1, t, 0))

        g0 = wid * m - pre1 - pre2
        g1 = c0 + pre1
        g2 = c01 + pre2
        bo0 = g0 & 127
        bo1 = g1 & 127
        bo2 = g2 & 127

        def slab_body(sidx, carry):
            p0, p1, p2 = carry
            row0 = pl.multiple_of((wid * m + sidx * SLAB) // 16, 8)
            pltpu.sync_copy(x_h.at[pl.ds(row0, rows2d)], xv)

            def grp_body(g, carry):
                p0, p1, p2 = carry
                col = lane * 8
                wf = plsc.load_gather(xv, [z + g, col])
                qf = plsc.load_gather(xv, [z + g, col + 2])
                m1 = qf == 1.0
                m2 = qf == 2.0
                m0 = qf == 0.0
                plsc.store_compressed(b0.at[pl.ds(p0, 16)], wf, mask=m0)
                plsc.store_compressed(b1.at[pl.ds(p1, 16)], wf, mask=m1)
                plsc.store_compressed(b2.at[pl.ds(p2, 16)], wf, mask=m2)
                d1 = jnp.sum(m1.astype(jnp.int32))
                d2 = jnp.sum(m2.astype(jnp.int32))
                return (p0 + (16 - d1 - d2), p1 + d1, p2 + d2)

            return lax.fori_loop(0, SLAB // 16, grp_body, (p0, p1, p2))

        p0, p1, p2 = lax.fori_loop(0, nslab, slab_body, (bo0, bo1, bo2))

        def flush(buf, bo, gk, pk, bslot):
            gk0 = gk - bo
            hhi = jnp.minimum(pk, 128)
            nbhi = pk >> 7
            tstart = nbhi * 128
            tlo = jnp.where(nbhi > 0, 0, 128)
            thi = jnp.where(nbhi > 0, pk - tstart, 0)

            def fill(slot, lo, hi, base):
                def u_body(u, _):
                    lv = u * 16 + lane
                    keep = (lv >= lo) & (lv < hi)
                    iv = jnp.where(keep, base + lv, N + lv)
                    plsc.store_scatter(idxb, [z + slot, lv], iv)
                    return 0
                lax.fori_loop(0, 8, u_body, 0)

            fill(2 * bslot, bo, hhi, gk0)
            fill(2 * bslot + 1, tlo, thi, gk0 + tstart)
            cp_h = pltpu.async_copy(buf.at[pl.ds(0, 128)],
                                    ws_h.at[idxb.at[2 * bslot]], sem)
            ts = pl.multiple_of(tstart, 8)
            cp_t = pltpu.async_copy(buf.at[pl.ds(ts, 128)],
                                    ws_h.at[idxb.at[2 * bslot + 1]], sem)
            cp_h.wait()
            cp_t.wait()

            rem = jnp.maximum(nbhi - 1, 0) * 128
            off = jnp.int32(128)
            for sz in LADDER:
                cond = rem >= sz

                @pl.when(cond)
                def _(off=off, sz=sz):
                    o = pl.multiple_of(off, 8)
                    d = pl.multiple_of(gk0 + o, 8)
                    pltpu.async_copy(buf.at[pl.ds(o, sz)],
                                     ws_h.at[pl.ds(d, sz)], sem).wait()

                off = jnp.where(cond, off + sz, off)
                rem = jnp.where(cond, rem - sz, rem)

        flush(b0, bo0, g0, p0, 0)
        flush(b1, bo1, g1, p1, 1)
        flush(b2, bo2, g2, p2, 2)

    return s2(x2d, pref, thr)


def _s3(x2d, ws, thr):
    info = plsc.get_sparse_core_info()
    nc, ns = info.num_cores, info.num_subcores
    nw = nc * ns
    m = N // nw
    rows2d = SLAB // 16
    nslab = m // SLAB
    mesh = plsc.VectorSubcoreMesh(core_axis_name="c", subcore_axis_name="s")

    @functools.partial(
        pl.kernel,
        mesh=mesh,
        out_type=jax.ShapeDtypeStruct((8 * N,), jnp.float32),
        scratch_types=[
            pltpu.VMEM((rows2d, 128), jnp.float32),
            pltpu.VMEM((SLAB,), jnp.float32),
            pltpu.VMEM((8 * SLAB,), jnp.float32),
            pltpu.VMEM((16,), jnp.int32),
            pltpu.SemaphoreType.DMA,
        ],
        compiler_params=pltpu.CompilerParams(needs_layout_passes=False),
    )
    def s3(x_h, ws_h, thr_h, o_h, xv, wsv, ov, thrv, sem):
        wid = lax.axis_index("s") * nc + lax.axis_index("c")
        lane = lax.iota(jnp.int32, 16)
        z = lane * 0

        pltpu.sync_copy(thr_h.at[0], thrv)
        t = thrv[...]
        c0 = jnp.sum(jnp.where(lane == 0, t, 0))
        c01 = jnp.sum(jnp.where(lane == 1, t, 0))

        def slab_body(sidx, _):
            base = wid * m + sidx * SLAB
            row0 = pl.multiple_of(base // 16, 8)
            pltpu.sync_copy(x_h.at[pl.ds(row0, rows2d)], xv)
            bws = pl.multiple_of(base, 8)
            pltpu.sync_copy(ws_h.at[pl.ds(bws, SLAB)], wsv)

            def grp_body(g, _):
                col = lane * 8
                wf = plsc.load_gather(xv, [z + g, col])
                wsg = wsv[pl.ds(g * 16, 16)]
                j = base + g * 16 + lane
                in0 = j < c0
                in1 = j < c01
                dw = jnp.where(in0, 0.0,
                               jnp.where(in1, 0.3465 * wsg, 0.5))
                dsv = jnp.where(in0, 0.0, wsg)
                flat = g * 128 + col
                plsc.store_scatter(ov, [flat], dw)
                plsc.store_scatter(ov, [flat + 1], dsv)
                plsc.store_scatter(ov, [flat + 2], z.astype(jnp.float32))
                plsc.store_scatter(ov, [flat + 3],
                                   z + jnp.float32(1.0 / 3))
                w20 = wf / 20
                w05 = 0.05 * wf
                plsc.store_scatter(ov, [flat + 4], w20)
                plsc.store_scatter(ov, [flat + 5], w05)
                plsc.store_scatter(ov, [flat + 6], w05)
                plsc.store_scatter(ov, [flat + 7], w20)
                return 0

            lax.fori_loop(0, SLAB // 16, grp_body, 0)
            ob = pl.multiple_of(base * 8, 8)
            pltpu.sync_copy(ov, o_h.at[pl.ds(ob, 8 * SLAB)])
            return 0

        lax.fori_loop(0, nslab, slab_body, 0)

    return s3(x2d, ws, thr)


def kernel(t, x):
    x2d = jnp.reshape(x, (N // 16, 128))
    pref, thr = _k1(x2d)
    ws = _s2(x2d, jnp.reshape(pref, (G, 16)), thr)
    out = _s3(x2d, ws, thr)
    return jnp.reshape(out, (N, 8))

# --- scband reference (transcript-rebuilt; emitter-appended) ---
"""Pipeline reference for scband-tcpsimulator-26268019982989 (READ-ONLY COPY).

The authoritative reference and input builder live on the scoring server;
editing this copy changes nothing except your own understanding.
"""

import jax, jax.numpy as jnp
import numpy as np

N = 1048576

def setup_inputs(seed: int = 0) -> dict:
    key = jax.random.key(seed)
    x = jax.random.randint(key, (N, 8), 0, 3).astype(jnp.float32)
    return {"t": 0, "x": x}

def reference(t, x):
    w0e1 = 0.693
    tau_off = 3
    RTT = 1
    nack = 2
    pdrop = 0.05
    l2 = 0.693
    k = 20

    w = x[..., :1]
    s = x[..., 1:2]
    q = x[..., 2]

    m0 = q == 0
    m1 = q == 1
    m2 = q == 2

    q1_dw = l2 * w / (nack * RTT)
    q2_dw = jnp.ones_like(w) / (nack * RTT)
    dw = jnp.where(m1[..., None], q1_dw,
                   jnp.where(m2[..., None], q2_dw, jnp.zeros_like(w)))
    ds = jnp.where(m0[..., None], jnp.zeros_like(w), w / RTT)
    rows = jnp.concatenate([dw, ds], 1)
    perm = jnp.argsort(q, stable=True)
    dx = rows[perm]

    lam = x[..., 3:]
    dl1 = 1.0 / tau_off * jnp.ones_like(lam[..., :1])
    dl2 = w / (k * RTT)
    dl3 = pdrop * w / RTT
    dl4 = pdrop * w / RTT
    dl5 = w / (k * RTT)
    dl = jnp.concatenate([dl1, dl2, dl3, dl4, dl5], 1)

    return jnp.concatenate([dx, jnp.zeros_like(x[..., -1:]), dl], 1)

if __name__ == "__main__":
    import jax
    _d = setup_inputs()
    print(jax.jit(kernel)(*tuple(_d.values())))

</pallas_src>

<mosaic_0001>
#map = affine_map<(d0, d1) -> (0, 0)>
#map1 = affine_map<(d0, d1) -> (0)>
module attributes {stable_mosaic.version = 14 : i64} {
  func.func @s3(%arg0: i32, %arg1: i32, %arg2: memref<65536x128xf32, #tpu.memory_space<hbm>>, %arg3: memref<1048704xf32, #tpu.memory_space<hbm>>, %arg4: memref<1x16xi32, #tpu.memory_space<hbm>>, %arg5: memref<8388608xf32, #tpu.memory_space<hbm>>, %arg6: memref<64x128xf32, #tpu.memory_space<vmem>>, %arg7: memref<1024xf32, #tpu.memory_space<vmem>>, %arg8: memref<8192xf32, #tpu.memory_space<vmem>>, %arg9: memref<16xi32, #tpu.memory_space<vmem>>, %arg10: memref<!tpu.dma_semaphore, #tpu.memory_space<semaphore_mem>>) attributes {dimension_semantics = [#tpu.dimension_semantics<core_parallel>, #tpu.dimension_semantics<subcore_parallel>], iteration_bounds = array<i64: 2, 16>, scalar_prefetch = 0 : i64, scratch_operands = 5 : i64, tpu.core_type = #tpu.core_type<sc_vector_subcore>, window_params = [{transform_indices = #map}, {transform_indices = #map1}, {transform_indices = #map}, {transform_indices = #map1}]} {
    %mul3A = arith.constant 2 : i32
    %mul3A_0 = arith.muli %arg1, %mul3A : i32
    %add3A = arith.addi %mul3A_0, %arg0 : i32
    %iota3A = tpu.iota {dimensions = array<i32: 0>} : vector<16xi32>
    %mul3A_1 = arith.constant 0 : i32
    %mul3A_2 = vector.broadcast %mul3A_1 : i32 to vector<16xi32>
    %mul3A_3 = arith.muli %iota3A, %mul3A_2 : vector<16xi32>
    %run_scoped3A = arith.constant 0 : i32
    "tpu.region"() ({
      %run_scoped3A_26 = tpu.sem_alloc : memref<!tpu.dma_semaphore, #tpu.memory_space<semaphore_mem>>
      %dma_start3A = arith.constant 0 : i32
      %dma_start3A_27 = tpu.memref_slice %arg4[%run_scoped3A, %dma_start3A] : memref<1x16xi32, #tpu.memory_space<hbm>> -> memref<1x16xi32, #tpu.memory_space<hbm>>
      %dma_start3A_28 = tpu.memref_squeeze %dma_start3A_27 : memref<1x16xi32, #tpu.memory_space<hbm>> -> memref<16xi32, #tpu.memory_space<hbm>>
      %dma_start3A_29 = arith.constant 0 : i32
      %dma_start3A_30 = tpu.memref_slice %arg4[%run_scoped3A, %dma_start3A_29] : memref<1x16xi32, #tpu.memory_space<hbm>> -> memref<1x16xi32, #tpu.memory_space<hbm>>
      %dma_start3A_31 = tpu.memref_squeeze %dma_start3A_30 : memref<1x16xi32, #tpu.memory_space<hbm>> -> memref<16xi32, #tpu.memory_space<hbm>>
      tpu.enqueue_dma source(%dma_start3A_31 : memref<16xi32, #tpu.memory_space<hbm>>) target(%arg9 : memref<16xi32, #tpu.memory_space<vmem>>) target_semaphore(%run_scoped3A_26 : memref<!tpu.dma_semaphore, #tpu.memory_space<semaphore_mem>>)
      %dma_wait3A = arith.constant 0 : i32
      %dma_wait3A_32 = tpu.memref_slice %arg4[%run_scoped3A, %dma_wait3A] : memref<1x16xi32, #tpu.memory_space<hbm>> -> memref<1x16xi32, #tpu.memory_space<hbm>>
      %dma_wait3A_33 = tpu.memref_squeeze %dma_wait3A_32 : memref<1x16xi32, #tpu.memory_space<hbm>> -> memref<16xi32, #tpu.memory_space<hbm>>
      %dma_wait3A_34 = arith.constant 0 : i32
      %dma_wait3A_35 = tpu.memref_slice %arg4[%run_scoped3A, %dma_wait3A_34] : memref<1x16xi32, #tpu.memory_space<hbm>> -> memref<1x16xi32, #tpu.memory_space<hbm>>
      %dma_wait3A_36 = tpu.memref_squeeze %dma_wait3A_35 : memref<1x16xi32, #tpu.memory_space<hbm>> -> memref<16xi32, #tpu.memory_space<hbm>>
      tpu.wait_dma2 semaphore(%run_scoped3A_26 : memref<!tpu.dma_semaphore, #tpu.memory_space<semaphore_mem>>) src(%dma_wait3A_36 : memref<16xi32, #tpu.memory_space<hbm>>) dst(%arg9 : memref<16xi32, #tpu.memory_space<vmem>>)
      tpu.yield
    }) : () -> ()
    %get3A = arith.constant 0 : index
    %get3A_4 = tpu.vector_load %arg9[%get3A] {strides = array<i32>} : memref<16xi32, #tpu.memory_space<vmem>>, vector<16xi32>,
    %eq3A = arith.constant 0 : i32
    %eq3A_5 = vector.broadcast %eq3A : i32 to vector<16xi32>
    %eq3A_6 = arith.cmpi eq, %iota3A, %eq3A_5 : vector<16xi32>
    %jit3A = arith.constant 0 : i32
    %broadcast_in_dim3A = vector.broadcast %jit3A : i32 to vector<16xi32>
    %select_n3A = arith.select %eq3A_6, %get3A_4, %broadcast_in_dim3A : vector<16xi1>, vector<16xi32>
    %reduce_sum3A = arith.constant true
    %reduce_sum3A_7 = vector.broadcast %reduce_sum3A : i1 to vector<16xi1>
    %reduce_sum3A_8 = tpu.scan <sum>, %select_n3A masked %reduce_sum3A_7 : vector<16xi32>, vector<16xi1> -> vector<16xi32>
    %reduce_sum3A_9 = vector.extract %reduce_sum3A_8[15] : i32 from vector<16xi32>
    %eq3A_10 = arith.constant 1 : i32
    %eq3A_11 = vector.broadcast %eq3A_10 : i32 to vector<16xi32>
    %eq3A_12 = arith.cmpi eq, %iota3A, %eq3A_11 : vector<16xi32>
    %jit3A_13 = arith.constant 0 : i32
    %broadcast_in_dim3A_14 = vector.broadcast %jit3A_13 : i32 to vector<16xi32>
    %select_n3A_15 = arith.select %eq3A_12, %get3A_4, %broadcast_in_dim3A_14 : vector<16xi1>, vector<16xi32>
    %reduce_sum3A_16 = arith.constant true
    %reduce_sum3A_17 = vector.broadcast %reduce_sum3A_16 : i1 to vector<16xi1>
    %reduce_sum3A_18 = tpu.scan <sum>, %select_n3A_15 masked %reduce_sum3A_17 : vector<16xi32>, vector<16xi1> -> vector<16xi32>
    %reduce_sum3A_19 = vector.extract %reduce_sum3A_18[15] : i32 from vector<16xi32>
    %scan3A = arith.constant 0 : i32
    %scan3A_20 = arith.constant 0 : i32
    %scan3A_21 = arith.constant 32 : i32
    %scan3A_22 = arith.addi %scan3A_20, %scan3A_21 : i32
    %scan3A_23 = arith.constant 1 : i32
    %scan3A_24 = scf.for %scan3A_26 = %scan3A_20 to %scan3A_22 step %scan3A_23 iter_args(%scan3A_27 = %scan3A) -> (i32)  : i32 {
      %mul3A_28 = arith.constant 32768 : i32
      %mul3A_29 = arith.muli %add3A, %mul3A_28 : i32
      %mul3A_30 = arith.constant 1024 : i32
      %mul3A_31 = arith.muli %scan3A_26, %mul3A_30 : i32
      %add3A_32 = arith.addi %mul3A_29, %mul3A_31 : i32
      %jit3A_33 = arith.constant 16 : i32
      %div3A = arith.divsi %add3A_32, %jit3A_33 : i32
      %sign3A = arith.constant 0 : i32
      %sign3A_34 = arith.cmpi sgt, %add3A_32, %sign3A : i32
      %sign3A_35 = arith.extui %sign3A_34 : i1 to i32
      %sign3A_36 = arith.constant 0 : i32
      %sign3A_37 = arith.cmpi slt, %add3A_32, %sign3A_36 : i32
      %sign3A_38 = arith.extui %sign3A_37 : i1 to i32
      %sign3A_39 = arith.subi %sign3A_35, %sign3A_38 : i32
      %sign3A_40 = arith.constant 0 : i32
      %sign3A_41 = arith.cmpi sgt, %jit3A_33, %sign3A_40 : i32
      %sign3A_42 = arith.extui %sign3A_41 : i1 to i32
      %sign3A_43 = arith.constant 0 : i32
      %sign3A_44 = arith.cmpi slt, %jit3A_33, %sign3A_43 : i32
      %sign3A_45 = arith.extui %sign3A_44 : i1 to i32
      %sign3A_46 = arith.subi %sign3A_42, %sign3A_45 : i32
      %ne3A = arith.cmpi ne, %sign3A_39, %sign3A_46 : i32
      %rem3A = arith.remsi %add3A_32, %jit3A_33 : i32
      %ne3A_47 = arith.constant 0 : i32
      %ne3A_48 = arith.cmpi ne, %rem3A, %ne3A_47 : i32
      %and3A = arith.andi %ne3A, %ne3A_48 : i1
      %sub3A = arith.constant 1 : i32
      %sub3A_49 = arith.subi %div3A, %sub3A : i32
      %select_n3A_50 = arith.select %and3A, %sub3A_49, %div3A : i32
      %multiple_of3A = tpu.assume_multiple %select_n3A_50, 8 : i32
      "tpu.region"() ({
        %run_scoped3A_63 = tpu.sem_alloc : memref<!tpu.dma_semaphore, #tpu.memory_space<semaphore_mem>>
        %dma_start3A = arith.constant 0 : i32
        %dma_start3A_64 = tpu.memref_slice %arg2[%multiple_of3A, %dma_start3A] : memref<65536x128xf32, #tpu.memory_space<hbm>> -> memref<64x128xf32, #tpu.memory_space<hbm>>
        %dma_start3A_65 = arith.constant 0 : i32
        %dma_start3A_66 = tpu.memref_slice %arg2[%multiple_of3A, %dma_start3A_65] : memref<65536x128xf32, #tpu.memory_space<hbm>> -> memref<64x128xf32, #tpu.memory_space<hbm>>
        tpu.enqueue_dma source(%dma_start3A_66 : memref<64x128xf32, #tpu.memory_space<hbm>>) target(%arg6 : memref<64x128xf32, #tpu.memory_space<vmem>>) target_semaphore(%run_scoped3A_63 : memref<!tpu.dma_semaphore, #tpu.memory_space<semaphore_mem>>)
        %dma_wait3A = arith.constant 0 : i32
        %dma_wait3A_67 = tpu.memref_slice %arg2[%multiple_of3A, %dma_wait3A] : memref<65536x128xf32, #tpu.memory_space<hbm>> -> memref<64x128xf32, #tpu.memory_space<hbm>>
        %dma_wait3A_68 = arith.constant 0 : i32
        %dma_wait3A_69 = tpu.memref_slice %arg2[%multiple_of3A, %dma_wait3A_68] : memref<65536x128xf32, #tpu.memory_space<hbm>> -> memref<64x128xf32, #tpu.memory_space<hbm>>
        tpu.wait_dma2 semaphore(%run_scoped3A_63 : memref<!tpu.dma_semaphore, #tpu.memory_space<semaphore_mem>>) src(%dma_wait3A_69 : memref<64x128xf32, #tpu.memory_space<hbm>>) dst(%arg6 : memref<64x128xf32, #tpu.memory_space<vmem>>)
        tpu.yield
      }) : () -> ()
      %multiple_of3A_51 = tpu.assume_multiple %add3A_32, 8 : i32
      "tpu.region"() ({
        %run_scoped3A_63 = tpu.sem_alloc : memref<!tpu.dma_semaphore, #tpu.memory_space<semaphore_mem>>
        %dma_start3A = tpu.memref_slice %arg3[%multiple_of3A_51] : memref<1048704xf32, #tpu.memory_space<hbm>> -> memref<1024xf32, #tpu.memory_space<hbm>>
        %dma_start3A_64 = tpu.memref_slice %arg3[%multiple_of3A_51] : memref<1048704xf32, #tpu.memory_space<hbm>> -> memref<1024xf32, #tpu.memory_space<hbm>>
        tpu.enqueue_dma source(%dma_start3A_64 : memref<1024xf32, #tpu.memory_space<hbm>>) target(%arg7 : memref<1024xf32, #tpu.memory_space<vmem>>) target_semaphore(%run_scoped3A_63 : memref<!tpu.dma_semaphore, #tpu.memory_space<semaphore_mem>>)
        %dma_wait3A = tpu.memref_slice %arg3[%multiple_of3A_51] : memref<1048704xf32, #tpu.memory_space<hbm>> -> memref<1024xf32, #tpu.memory_space<hbm>>
        %dma_wait3A_65 = tpu.memref_slice %arg3[%multiple_of3A_51] : memref<1048704xf32, #tpu.memory_space<hbm>> -> memref<1024xf32, #tpu.memory_space<hbm>>
        tpu.wait_dma2 semaphore(%run_scoped3A_63 : memref<!tpu.dma_semaphore, #tpu.memory_space<semaphore_mem>>) src(%dma_wait3A_65 : memref<1024xf32, #tpu.memory_space<hbm>>) dst(%arg7 : memref<1024xf32, #tpu.memory_space<vmem>>)
        tpu.yield
      }) : () -> ()
      %scan3A_52 = arith.constant 0 : i32
      %scan3A_53 = arith.constant 0 : i32
      %scan3A_54 = arith.constant 64 : i32
      %scan3A_55 = arith.addi %scan3A_53, %scan3A_54 : i32
      %scan3A_56 = arith.constant 1 : i32
      %scan3A_57 = scf.for %scan3A_63 = %scan3A_53 to %scan3A_55 step %scan3A_56 iter_args(%scan3A_64 = %scan3A_52) -> (i32)  : i32 {
        %mul3A_65 = arith.constant 8 : i32
        %mul3A_66 = vector.broadcast %mul3A_65 : i32 to vector<16xi32>
        %mul3A_67 = arith.muli %iota3A, %mul3A_66 : vector<16xi32>
        %add3A_68 = vector.broadcast %scan3A_63 : i32 to vector<16xi32>
        %add3A_69 = arith.addi %mul3A_3, %add3A_68 : vector<16xi32>
        %gather3A = tpu.vector_load_idx %arg6[%add3A_69, %mul3A_67] : memref<64x128xf32, #tpu.memory_space<vmem>>[vector<16xi32>, vector<16xi32>], vector<16xf32>,
        %mul3A_70 = arith.constant 16 : i32
        %mul3A_71 = arith.muli %scan3A_63, %mul3A_70 : i32
        %get3A_72 = arith.index_cast %mul3A_71 : i32 to index
        %get3A_73 = tpu.vector_load %arg7[%get3A_72] {strides = array<i32>} : memref<1024xf32, #tpu.memory_space<vmem>>, vector<16xf32>,
        %mul3A_74 = arith.constant 16 : i32
        %mul3A_75 = arith.muli %scan3A_63, %mul3A_74 : i32
        %add3A_76 = arith.addi %add3A_32, %mul3A_75 : i32
        %add3A_77 = vector.broadcast %add3A_76 : i32 to vector<16xi32>
        %add3A_78 = arith.addi %add3A_77, %iota3A : vector<16xi32>
        %lt3A = vector.broadcast %reduce_sum3A_9 : i32 to vector<16xi32>
        %lt3A_79 = arith.cmpi slt, %add3A_78, %lt3A : vector<16xi32>
        %lt3A_80 = vector.broadcast %reduce_sum3A_19 : i32 to vector<16xi32>
        %lt3A_81 = arith.cmpi slt, %add3A_78, %lt3A_80 : vector<16xi32>
        %mul3A_82 = arith.constant 3.465000e-01 : f32
        %mul3A_83 = vector.broadcast %mul3A_82 : f32 to vector<16xf32>
        %mul3A_84 = arith.mulf %mul3A_83, %get3A_73 : vector<16xf32>
        %jit3A_85 = arith.constant 5.000000e-01 : f32
        %broadcast_in_dim3A_86 = vector.broadcast %jit3A_85 : f32 to vector<16xf32>
        %select_n3A_87 = arith.select %lt3A_81, %mul3A_84, %broadcast_in_dim3A_86 : vector<16xi1>, vector<16xf32>
        %jit3A_88 = arith.constant 0.000000e+00 : f32
        %broadcast_in_dim3A_89 = vector.broadcast %jit3A_88 : f32 to vector<16xf32>
        %select_n3A_90 = arith.select %lt3A_79, %broadcast_in_dim3A_89, %select_n3A_87 : vector<16xi1>, vector<16xf32>
        %jit3A_91 = arith.constant 0.000000e+00 : f32
        %broadcast_in_dim3A_92 = vector.broadcast %jit3A_91 : f32 to vector<16xf32>
        %select_n3A_93 = arith.select %lt3A_79, %broadcast_in_dim3A_92, %get3A_73 : vector<16xi1>, vector<16xf32>
        %mul3A_94 = arith.constant 128 : i32
        %mul3A_95 = arith.muli %scan3A_63, %mul3A_94 : i32
        %add3A_96 = vector.broadcast %mul3A_95 : i32 to vector<16xi32>
        %add3A_97 = arith.addi %add3A_96, %mul3A_67 : vector<16xi32>
        tpu.vector_store_idx %arg8[%add3A_97], %select_n3A_90 : memref<8192xf32, #tpu.memory_space<vmem>>[vector<16xi32>], vector<16xf32>,
        %add3A_98 = arith.constant 1 : i32
        %add3A_99 = vector.broadcast %add3A_98 : i32 to vector<16xi32>
        %add3A_100 = arith.addi %add3A_97, %add3A_99 : vector<16xi32>
        tpu.vector_store_idx %arg8[%add3A_100], %select_n3A_93 : memref<8192xf32, #tpu.memory_space<vmem>>[vector<16xi32>], vector<16xf32>,
        %add3A_101 = arith.constant 2 : i32
        %add3A_102 = vector.broadcast %add3A_101 : i32 to vector<16xi32>
        %add3A_103 = arith.addi %add3A_97, %add3A_102 : vector<16xi32>
        %convert_element_type3A = arith.sitofp %mul3A_3 : vector<16xi32> to vector<16xf32>
        tpu.vector_store_idx %arg8[%add3A_103], %convert_element_type3A : memref<8192xf32, #tpu.memory_space<vmem>>[vector<16xi32>], vector<16xf32>,
        %add3A_104 = arith.constant 3 : i32
        %add3A_105 = vector.broadcast %add3A_104 : i32 to vector<16xi32>
        %add3A_106 = arith.addi %add3A_97, %add3A_105 : vector<16xi32>
        %convert_element_type3A_107 = arith.sitofp %mul3A_3 : vector<16xi32> to vector<16xf32>
        %add3A_108 = arith.constant 0.333333343 : f32
        %add3A_109 = vector.broadcast %add3A_108 : f32 to vector<16xf32>
        %add3A_110 = arith.addf %convert_element_type3A_107, %add3A_109 : vector<16xf32>
        tpu.vector_store_idx %arg8[%add3A_106], %add3A_110 : memref<8192xf32, #tpu.memory_space<vmem>>[vector<16xi32>], vector<16xf32>,
        %div3A_111 = arith.constant 2.000000e+01 : f32
        %div3A_112 = vector.broadcast %div3A_111 : f32 to vector<16xf32>
        %div3A_113 = arith.divf %gather3A, %div3A_112 : vector<16xf32>
        %mul3A_114 = arith.constant 5.000000e-02 : f32
        %mul3A_115 = vector.broadcast %mul3A_114 : f32 to vector<16xf32>
        %mul3A_116 = arith.mulf %mul3A_115, %gather3A : vector<16xf32>
        %add3A_117 = arith.constant 4 : i32
        %add3A_118 = vector.broadcast %add3A_117 : i32 to vector<16xi32>
        %add3A_119 = arith.addi %add3A_97, %add3A_118 : vector<16xi32>
        tpu.vector_store_idx %arg8[%add3A_119], %div3A_113 : memref<8192xf32, #tpu.memory_space<vmem>>[vector<16xi32>], vector<16xf32>,
        %add3A_120 = arith.constant 5 : i32
        %add3A_121 = vector.broadcast %add3A_120 : i32 to vector<16xi32>
        %add3A_122 = arith.addi %add3A_97, %add3A_121 : vector<16xi32>
        tpu.vector_store_idx %arg8[%add3A_122], %mul3A_116 : memref<8192xf32, #tpu.memory_space<vmem>>[vector<16xi32>], vector<16xf32>,
        %add3A_123 = arith.constant 6 : i32
        %add3A_124 = vector.broadcast %add3A_123 : i32 to vector<16xi32>
        %add3A_125 = arith.addi %add3A_97, %add3A_124 : vector<16xi32>
        tpu.vector_store_idx %arg8[%add3A_125], %mul3A_116 : memref<8192xf32, #tpu.memory_space<vmem>>[vector<16xi32>], vector<16xf32>,
        %add3A_126 = arith.constant 7 : i32
        %add3A_127 = vector.broadcast %add3A_126 : i32 to vector<16xi32>
        %add3A_128 = arith.addi %add3A_97, %add3A_127 : vector<16xi32>
        tpu.vector_store_idx %arg8[%add3A_128], %div3A_113 : memref<8192xf32, #tpu.memory_space<vmem>>[vector<16xi32>], vector<16xf32>,
        %scan3A_129 = arith.constant 0 : i32
        scf.yield %scan3A_129 : i32
      }
      %scan3A_58 = arith.constant 64 : i32
      %mul3A_59 = arith.constant 8 : i32
      %mul3A_60 = arith.muli %add3A_32, %mul3A_59 : i32
      %multiple_of3A_61 = tpu.assume_multiple %mul3A_60, 8 : i32
      "tpu.region"() ({
        %run_scoped3A_63 = tpu.sem_alloc : memref<!tpu.dma_semaphore, #tpu.memory_space<semaphore_mem>>
        %dma_start3A = tpu.memref_slice %arg5[%multiple_of3A_61] : memref<8388608xf32, #tpu.memory_space<hbm>> -> memref<8192xf32, #tpu.memory_space<hbm>>
        %dma_start3A_64 = tpu.memref_slice %arg5[%multiple_of3A_61] : memref<8388608xf32, #tpu.memory_space<hbm>> -> memref<8192xf32, #tpu.memory_space<hbm>>
        tpu.enqueue_dma source(%arg8 : memref<8192xf32, #tpu.memory_space<vmem>>) target(%dma_start3A_64 : memref<8192xf32, #tpu.memory_space<hbm>>) target_semaphore(%run_scoped3A_63 : memref<!tpu.dma_semaphore, #tpu.memory_space<semaphore_mem>>)
        %dma_wait3A = tpu.memref_slice %arg5[%multiple_of3A_61] : memref<8388608xf32, #tpu.memory_space<hbm>> -> memref<8192xf32, #tpu.memory_space<hbm>>
        %dma_wait3A_65 = tpu.memref_slice %arg5[%multiple_of3A_61] : memref<8388608xf32, #tpu.memory_space<hbm>> -> memref<8192xf32, #tpu.memory_space<hbm>>
        tpu.wait_dma2 semaphore(%run_scoped3A_63 : memref<!tpu.dma_semaphore, #tpu.memory_space<semaphore_mem>>) src(%arg8 : memref<8192xf32, #tpu.memory_space<vmem>>) dst(%dma_wait3A_65 : memref<8192xf32, #tpu.memory_space<hbm>>)
        tpu.yield
      }) : () -> ()
      %scan3A_62 = arith.constant 0 : i32
      scf.yield %scan3A_62 : i32
    }
    %scan3A_25 = arith.constant 32 : i32
    return
  }
}

#map = affine_map<(d0, d1) -> (0, 0)>
#map1 = affine_map<(d0, d1) -> (0)>
module attributes {stable_mosaic.version = 14 : i64} {
  func.func @s2(%arg0: i32, %arg1: i32, %arg2: memref<65536x128xf32, #tpu.memory_space<hbm>>, %arg3: memref<256x16xi32, #tpu.memory_space<hbm>>, %arg4: memref<1x16xi32, #tpu.memory_space<hbm>>, %arg5: memref<1048704xf32, #tpu.memory_space<hbm>>, %arg6: memref<64x128xf32, #tpu.memory_space<vmem>>, %arg7: memref<33024xf32, #tpu.memory_space<vmem>>, %arg8: memref<33024xf32, #tpu.memory_space<vmem>>, %arg9: memref<33024xf32, #tpu.memory_space<vmem>>, %arg10: memref<6x128xi32, #tpu.memory_space<vmem>>, %arg11: memref<16xi32, #tpu.memory_space<vmem>>, %arg12: memref<16xi32, #tpu.memory_space<vmem>>, %arg13: memref<!tpu.dma_semaphore, #tpu.memory_space<semaphore_mem>>) attributes {dimension_semantics = [#tpu.dimension_semantics<core_parallel>, #tpu.dimension_semantics<subcore_parallel>], iteration_bounds = array<i64: 2, 16>, scalar_prefetch = 0 : i64, scratch_operands = 8 : i64, tpu.core_type = #tpu.core_type<sc_vector_subcore>, window_params = [{transform_indices = #map}, {transform_indices = #map}, {transform_indices = #map}, {transform_indices = #map1}]} {
    %mul3A = arith.constant 2 : i32
    %mul3A_0 = arith.muli %arg1, %mul3A : i32
    %add3A = arith.addi %mul3A_0, %arg0 : i32
    %iota3A = tpu.iota {dimensions = array<i32: 0>} : vector<16xi32>
    %mul3A_1 = arith.constant 0 : i32
    %mul3A_2 = vector.broadcast %mul3A_1 : i32 to vector<16xi32>
    %mul3A_3 = arith.muli %iota3A, %mul3A_2 : vector<16xi32>
    %mul3A_4 = arith.constant 8 : i32
    %mul3A_5 = arith.muli %mul3A_4, %add3A : i32
    "tpu.region"() ({
      %run_scoped3A_562 = tpu.sem_alloc : memref<!tpu.dma_semaphore, #tpu.memory_space<semaphore_mem>>
      %dma_start3A_563 = arith.constant 0 : i32
      %dma_start3A_564 = tpu.memref_slice %arg3[%mul3A_5, %dma_start3A_563] : memref<256x16xi32, #tpu.memory_space<hbm>> -> memref<1x16xi32, #tpu.memory_space<hbm>>
      %dma_start3A_565 = tpu.memref_squeeze %dma_start3A_564 : memref<1x16xi32, #tpu.memory_space<hbm>> -> memref<16xi32, #tpu.memory_space<hbm>>
      %dma_start3A_566 = arith.constant 0 : i32
      %dma_start3A_567 = tpu.memref_slice %arg3[%mul3A_5, %dma_start3A_566] : memref<256x16xi32, #tpu.memory_space<hbm>> -> memref<1x16xi32, #tpu.memory_space<hbm>>
      %dma_start3A_568 = tpu.memref_squeeze %dma_start3A_567 : memref<1x16xi32, #tpu.memory_space<hbm>> -> memref<16xi32, #tpu.memory_space<hbm>>
      tpu.enqueue_dma source(%dma_start3A_568 : memref<16xi32, #tpu.memory_space<hbm>>) target(%arg11 : memref<16xi32, #tpu.memory_space<vmem>>) target_semaphore(%run_scoped3A_562 : memref<!tpu.dma_semaphore, #tpu.memory_space<semaphore_mem>>)
      %dma_wait3A_569 = arith.constant 0 : i32
      %dma_wait3A_570 = tpu.memref_slice %arg3[%mul3A_5, %dma_wait3A_569] : memref<256x16xi32, #tpu.memory_space<hbm>> -> memref<1x16xi32, #tpu.memory_space<hbm>>
      %dma_wait3A_571 = tpu.memref_squeeze %dma_wait3A_570 : memref<1x16xi32, #tpu.memory_space<hbm>> -> memref<16xi32, #tpu.memory_space<hbm>>
      %dma_wait3A_572 = arith.constant 0 : i32
      %dma_wait3A_573 = tpu.memref_slice %arg3[%mul3A_5, %dma_wait3A_572] : memref<256x16xi32, #tpu.memory_space<hbm>> -> memref<1x16xi32, #tpu.memory_space<hbm>>
      %dma_wait3A_574 = tpu.memref_squeeze %dma_wait3A_573 : memref<1x16xi32, #tpu.memory_space<hbm>> -> memref<16xi32, #tpu.memory_space<hbm>>
      tpu.wait_dma2 semaphore(%run_scoped3A_562 : memref<!tpu.dma_semaphore, #tpu.memory_space<semaphore_mem>>) src(%dma_wait3A_574 : memref<16xi32, #tpu.memory_space<hbm>>) dst(%arg11 : memref<16xi32, #tpu.memory_space<vmem>>)
      tpu.yield
    }) : () -> ()
    %run_scoped3A = arith.constant 0 : i32
    "tpu.region"() ({
      %run_scoped3A_562 = tpu.sem_alloc : memref<!tpu.dma_semaphore, #tpu.memory_space<semaphore_mem>>
      %dma_start3A_563 = arith.constant 0 : i32
      %dma_start3A_564 = tpu.memref_slice %arg4[%run_scoped3A, %dma_start3A_563] : memref<1x16xi32, #tpu.memory_space<hbm>> -> memref<1x16xi32, #tpu.memory_space<hbm>>
      %dma_start3A_565 = tpu.memref_squeeze %dma_start3A_564 : memref<1x16xi32, #tpu.memory_space<hbm>> -> memref<16xi32, #tpu.memory_space<hbm>>
      %dma_start3A_566 = arith.constant 0 : i32
      %dma_start3A_567 = tpu.memref_slice %arg4[%run_scoped3A, %dma_start3A_566] : memref<1x16xi32, #tpu.memory_space<hbm>> -> memref<1x16xi32, #tpu.memory_space<hbm>>
      %dma_start3A_568 = tpu.memref_squeeze %dma_start3A_567 : memref<1x16xi32, #tpu.memory_space<hbm>> -> memref<16xi32, #tpu.memory_space<hbm>>
      tpu.enqueue_dma source(%dma_start3A_568 : memref<16xi32, #tpu.memory_space<hbm>>) target(%arg12 : memref<16xi32, #tpu.memory_space<vmem>>) target_semaphore(%run_scoped3A_562 : memref<!tpu.dma_semaphore, #tpu.memory_space<semaphore_mem>>)
      %dma_wait3A_569 = arith.constant 0 : i32
      %dma_wait3A_570 = tpu.memref_slice %arg4[%run_scoped3A, %dma_wait3A_569] : memref<1x16xi32, #tpu.memory_space<hbm>> -> memref<1x16xi32, #tpu.memory_space<hbm>>
      %dma_wait3A_571 = tpu.memref_squeeze %dma_wait3A_570 : memref<1x16xi32, #tpu.memory_space<hbm>> -> memref<16xi32, #tpu.memory_space<hbm>>
      %dma_wait3A_572 = arith.constant 0 : i32
      %dma_wait3A_573 = tpu.memref_slice %arg4[%run_scoped3A, %dma_wait3A_572] : memref<1x16xi32, #tpu.memory_space<hbm>> -> memref<1x16xi32, #tpu.memory_space<hbm>>
      %dma_wait3A_574 = tpu.memref_squeeze %dma_wait3A_573 : memref<1x16xi32, #tpu.memory_space<hbm>> -> memref<16xi32, #tpu.memory_space<hbm>>
      tpu.wait_dma2 semaphore(%run_scoped3A_562 : memref<!tpu.dma_semaphore, #tpu.memory_space<semaphore_mem>>) src(%dma_wait3A_574 : memref<16xi32, #tpu.memory_space<hbm>>) dst(%arg12 : memref<16xi32, #tpu.memory_space<vmem>>)
      tpu.yield
    }) : () -> ()
    %get3A = arith.constant 0 : index
    %get3A_6 = tpu.vector_load %arg11[%get3A] {strides = array<i32>} : memref<16xi32, #tpu.memory_space<vmem>>, vector<16xi32>,
    %get3A_7 = arith.constant 0 : index
    %get3A_8 = tpu.vector_load %arg12[%get3A_7] {strides = array<i32>} : memref<16xi32, #tpu.memory_space<vmem>>, vector<16xi32>,
    %eq3A = arith.constant 0 : i32
    %eq3A_9 = vector.broadcast %eq3A : i32 to vector<16xi32>
    %eq3A_10 = arith.cmpi eq, %iota3A, %eq3A_9 : vector<16xi32>
    %jit3A = arith.constant 0 : i32
    %broadcast_in_dim3A = vector.broadcast %jit3A : i32 to vector<16xi32>
    %select_n3A = arith.select %eq3A_10, %get3A_6, %broadcast_in_dim3A : vector<16xi1>, vector<16xi32>
    %reduce_sum3A = arith.constant true
    %reduce_sum3A_11 = vector.broadcast %reduce_sum3A : i1 to vector<16xi1>
    %reduce_sum3A_12 = tpu.scan <sum>, %select_n3A masked %reduce_sum3A_11 : vector<16xi32>, vector<16xi1> -> vector<16xi32>
    %reduce_sum3A_13 = vector.extract %reduce_sum3A_12[15] : i32 from vector<16xi32>
    %eq3A_14 = arith.constant 1 : i32
    %eq3A_15 = vector.broadcast %eq3A_14 : i32 to vector<16xi32>
    %eq3A_16 = arith.cmpi eq, %iota3A, %eq3A_15 : vector<16xi32>
    %jit3A_17 = arith.constant 0 : i32
    %broadcast_in_dim3A_18 = vector.broadcast %jit3A_17 : i32 to vector<16xi32>
    %select_n3A_19 = arith.select %eq3A_16, %get3A_6, %broadcast_in_dim3A_18 : vector<16xi1>, vector<16xi32>
    %reduce_sum3A_20 = arith.constant true
    %reduce_sum3A_21 = vector.broadcast %reduce_sum3A_20 : i1 to vector<16xi1>
    %reduce_sum3A_22 = tpu.scan <sum>, %select_n3A_19 masked %reduce_sum3A_21 : vector<16xi32>, vector<16xi1> -> vector<16xi32>
    %reduce_sum3A_23 = vector.extract %reduce_sum3A_22[15] : i32 from vector<16xi32>
    %eq3A_24 = arith.constant 0 : i32
    %eq3A_25 = vector.broadcast %eq3A_24 : i32 to vector<16xi32>
    %eq3A_26 = arith.cmpi eq, %iota3A, %eq3A_25 : vector<16xi32>
    %jit3A_27 = arith.constant 0 : i32
    %broadcast_in_dim3A_28 = vector.broadcast %jit3A_27 : i32 to vector<16xi32>
    %select_n3A_29 = arith.select %eq3A_26, %get3A_8, %broadcast_in_dim3A_28 : vector<16xi1>, vector<16xi32>
    %reduce_sum3A_30 = arith.constant true
    %reduce_sum3A_31 = vector.broadcast %reduce_sum3A_30 : i1 to vector<16xi1>
    %reduce_sum3A_32 = tpu.scan <sum>, %select_n3A_29 masked %reduce_sum3A_31 : vector<16xi32>, vector<16xi1> -> vector<16xi32>
    %reduce_sum3A_33 = vector.extract %reduce_sum3A_32[15] : i32 from vector<16xi32>
    %eq3A_34 = arith.constant 1 : i32
    %eq3A_35 = vector.broadcast %eq3A_34 : i32 to vector<16xi32>
    %eq3A_36 = arith.cmpi eq, %iota3A, %eq3A_35 : vector<16xi32>
    %jit3A_37 = arith.constant 0 : i32
    %broadcast_in_dim3A_38 = vector.broadcast %jit3A_37 : i32 to vector<16xi32>
    %select_n3A_39 = arith.select %eq3A_36, %get3A_8, %broadcast_in_dim3A_38 : vector<16xi1>, vector<16xi32>
    %reduce_sum3A_40 = arith.constant true
    %reduce_sum3A_41 = vector.broadcast %reduce_sum3A_40 : i1 to vector<16xi1>
    %reduce_sum3A_42 = tpu.scan <sum>, %select_n3A_39 masked %reduce_sum3A_41 : vector<16xi32>, vector<16xi1> -> vector<16xi32>
    %reduce_sum3A_43 = vector.extract %reduce_sum3A_42[15] : i32 from vector<16xi32>
    %mul3A_44 = arith.constant 32768 : i32
    %mul3A_45 = arith.muli %add3A, %mul3A_44 : i32
    %sub3A = arith.subi %mul3A_45, %reduce_sum3A_13 : i32
    %sub3A_46 = arith.subi %sub3A, %reduce_sum3A_23 : i32
    %add3A_47 = arith.addi %reduce_sum3A_33, %reduce_sum3A_13 : i32
    %add3A_48 = arith.addi %reduce_sum3A_43, %reduce_sum3A_23 : i32
    %and3A = arith.constant 127 : i32
    %and3A_49 = arith.andi %sub3A_46, %and3A : i32
    %and3A_50 = arith.constant 127 : i32
    %and3A_51 = arith.andi %add3A_47, %and3A_50 : i32
    %and3A_52 = arith.constant 127 : i32
    %and3A_53 = arith.andi %add3A_48, %and3A_52 : i32
    %scan3A = arith.constant 0 : i32
    %scan3A_54 = arith.constant 32 : i32
    %scan3A_55 = arith.addi %scan3A, %scan3A_54 : i32
    %scan3A_56 = arith.constant 1 : i32
    %scan3A_57:3 = scf.for %scan3A_562 = %scan3A to %scan3A_55 step %scan3A_56 iter_args(%scan3A_563 = %and3A_49, %scan3A_564 = %and3A_51, %scan3A_565 = %and3A_53) -> (i32, i32, i32)  : i32 {
      %mul3A_566 = arith.constant 32768 : i32
      %mul3A_567 = arith.muli %add3A, %mul3A_566 : i32
      %mul3A_568 = arith.constant 1024 : i32
      %mul3A_569 = arith.muli %scan3A_562, %mul3A_568 : i32
      %add3A_570 = arith.addi %mul3A_567, %mul3A_569 : i32
      %jit3A_571 = arith.constant 16 : i32
      %div3A = arith.divsi %add3A_570, %jit3A_571 : i32
      %sign3A = arith.constant 0 : i32
      %sign3A_572 = arith.cmpi sgt, %add3A_570, %sign3A : i32
      %sign3A_573 = arith.extui %sign3A_572 : i1 to i32
      %sign3A_574 = arith.constant 0 : i32
      %sign3A_575 = arith.cmpi slt, %add3A_570, %sign3A_574 : i32
      %sign3A_576 = arith.extui %sign3A_575 : i1 to i32
      %sign3A_577 = arith.subi %sign3A_573, %sign3A_576 : i32
      %sign3A_578 = arith.constant 0 : i32
      %sign3A_579 = arith.cmpi sgt, %jit3A_571, %sign3A_578 : i32
      %sign3A_580 = arith.extui %sign3A_579 : i1 to i32
      %sign3A_581 = arith.constant 0 : i32
      %sign3A_582 = arith.cmpi slt, %jit3A_571, %sign3A_581 : i32
      %sign3A_583 = arith.extui %sign3A_582 : i1 to i32
      %sign3A_584 = arith.subi %sign3A_580, %sign3A_583 : i32
      %ne3A = arith.cmpi ne, %sign3A_577, %sign3A_584 : i32
      %rem3A = arith.remsi %add3A_570, %jit3A_571 : i32
      %ne3A_585 = arith.constant 0 : i32
      %ne3A_586 = arith.cmpi ne, %rem3A, %ne3A_585 : i32
      %and3A_587 = arith.andi %ne3A, %ne3A_586 : i1
      %sub3A_588 = arith.constant 1 : i32
      %sub3A_589 = arith.subi %div3A, %sub3A_588 : i32
      %select_n3A_590 = arith.select %and3A_587, %sub3A_589, %div3A : i32
      %multiple_of3A_591 = tpu.assume_multiple %select_n3A_590, 8 : i32
      "tpu.region"() ({
        %run_scoped3A_598 = tpu.sem_alloc : memref<!tpu.dma_semaphore, #tpu.memory_space<semaphore_mem>>
        %dma_start3A_599 = arith.constant 0 : i32
        %dma_start3A_600 = tpu.memref_slice %arg2[%multiple_of3A_591, %dma_start3A_599] : memref<65536x128xf32, #tpu.memory_space<hbm>> -> memref<64x128xf32, #tpu.memory_space<hbm>>
        %dma_start3A_601 = arith.constant 0 : i32
        %dma_start3A_602 = tpu.memref_slice %arg2[%multiple_of3A_591, %dma_start3A_601] : memref<65536x128xf32, #tpu.memory_space<hbm>> -> memref<64x128xf32, #tpu.memory_space<hbm>>
        tpu.enqueue_dma source(%dma_start3A_602 : memref<64x128xf32, #tpu.memory_space<hbm>>) target(%arg6 : memref<64x128xf32, #tpu.memory_space<vmem>>) target_semaphore(%run_scoped3A_598 : memref<!tpu.dma_semaphore, #tpu.memory_space<semaphore_mem>>)
        %dma_wait3A_603 = arith.constant 0 : i32
        %dma_wait3A_604 = tpu.memref_slice %arg2[%multiple_of3A_591, %dma_wait3A_603] : memref<65536x128xf32, #tpu.memory_space<hbm>> -> memref<64x128xf32, #tpu.memory_space<hbm>>
        %dma_wait3A_605 = arith.constant 0 : i32
        %dma_wait3A_606 = tpu.memref_slice %arg2[%multiple_of3A_591, %dma_wait3A_605] : memref<65536x128xf32, #tpu.memory_space<hbm>> -> memref<64x128xf32, #tpu.memory_space<hbm>>
        tpu.wait_dma2 semaphore(%run_scoped3A_598 : memref<!tpu.dma_semaphore, #tpu.memory_space<semaphore_mem>>) src(%dma_wait3A_606 : memref<64x128xf32, #tpu.memory_space<hbm>>) dst(%arg6 : memref<64x128xf32, #tpu.memory_space<vmem>>)
        tpu.yield
      }) : () -> ()
      %scan3A_592 = arith.constant 0 : i32
      %scan3A_593 = arith.constant 64 : i32
      %scan3A_594 = arith.addi %scan3A_592, %scan3A_593 : i32
      %scan3A_595 = arith.constant 1 : i32
      %scan3A_596:3 = scf.for %scan3A_598 = %scan3A_592 to %scan3A_594 step %scan3A_595 iter_args(%scan3A_599 = %scan3A_563, %scan3A_600 = %scan3A_564, %scan3A_601 = %scan3A_565) -> (i32, i32, i32)  : i32 {
        %mul3A_602 = arith.constant 8 : i32
        %mul3A_603 = vector.broadcast %mul3A_602 : i32 to vector<16xi32>
        %mul3A_604 = arith.muli %iota3A, %mul3A_603 : vector<16xi32>
        %add3A_605 = vector.broadcast %scan3A_598 : i32 to vector<16xi32>
        %add3A_606 = arith.addi %mul3A_3, %add3A_605 : vector<16xi32>
        %gather3A = tpu.vector_load_idx %arg6[%add3A_606, %mul3A_604] : memref<64x128xf32, #tpu.memory_space<vmem>>[vector<16xi32>, vector<16xi32>], vector<16xf32>,
        %add3A_607 = vector.broadcast %scan3A_598 : i32 to vector<16xi32>
        %add3A_608 = arith.addi %mul3A_3, %add3A_607 : vector<16xi32>
        %add3A_609 = arith.constant 2 : i32
        %add3A_610 = vector.broadcast %add3A_609 : i32 to vector<16xi32>
        %add3A_611 = arith.addi %mul3A_604, %add3A_610 : vector<16xi32>
        %gather3A_612 = tpu.vector_load_idx %arg6[%add3A_608, %add3A_611] : memref<64x128xf32, #tpu.memory_space<vmem>>[vector<16xi32>, vector<16xi32>], vector<16xf32>,
        %eq3A_613 = arith.constant 1.000000e+00 : f32
        %eq3A_614 = vector.broadcast %eq3A_613 : f32 to vector<16xf32>
        %eq3A_615 = arith.cmpf oeq, %gather3A_612, %eq3A_614 : vector<16xf32>
        %eq3A_616 = arith.constant 2.000000e+00 : f32
        %eq3A_617 = vector.broadcast %eq3A_616 : f32 to vector<16xf32>
        %eq3A_618 = arith.cmpf oeq, %gather3A_612, %eq3A_617 : vector<16xf32>
        %eq3A_619 = arith.constant 0.000000e+00 : f32
        %eq3A_620 = vector.broadcast %eq3A_619 : f32 to vector<16xf32>
        %eq3A_621 = arith.cmpf oeq, %gather3A_612, %eq3A_620 : vector<16xf32>
        %swap3A = arith.index_cast %scan3A_599 : i32 to index
        %swap3A_622 = tpu.vector_load %arg7[%swap3A] masked %eq3A_621 {strides = array<i32>} : memref<33024xf32, #tpu.memory_space<vmem>>, vector<16xf32>, vector<16xi1>
        tpu.vector_store %arg7[%swap3A], %gather3A masked %eq3A_621 {strides = array<i32>} : memref<33024xf32, #tpu.memory_space<vmem>>, vector<16xf32>, vector<16xi1>
        %swap3A_623 = arith.index_cast %scan3A_600 : i32 to index
        %swap3A_624 = tpu.vector_load %arg8[%swap3A_623] masked %eq3A_615 {strides = array<i32>} : memref<33024xf32, #tpu.memory_space<vmem>>, vector<16xf32>, vector<16xi1>
        tpu.vector_store %arg8[%swap3A_623], %gather3A masked %eq3A_615 {strides = array<i32>} : memref<33024xf32, #tpu.memory_space<vmem>>, vector<16xf32>, vector<16xi1>
        %swap3A_625 = arith.index_cast %scan3A_601 : i32 to index
        %swap3A_626 = tpu.vector_load %arg9[%swap3A_625] masked %eq3A_618 {strides = array<i32>} : memref<33024xf32, #tpu.memory_space<vmem>>, vector<16xf32>, vector<16xi1>
        tpu.vector_store %arg9[%swap3A_625], %gather3A masked %eq3A_618 {strides = array<i32>} : memref<33024xf32, #tpu.memory_space<vmem>>, vector<16xf32>, vector<16xi1>
        %convert_element_type3A_627 = arith.extui %eq3A_615 : vector<16xi1> to vector<16xi32>
        %reduce_sum3A_628 = arith.constant true
        %reduce_sum3A_629 = vector.broadcast %reduce_sum3A_628 : i1 to vector<16xi1>
        %reduce_sum3A_630 = tpu.scan <sum>, %convert_element_type3A_627 masked %reduce_sum3A_629 : vector<16xi32>, vector<16xi1> -> vector<16xi32>
        %reduce_sum3A_631 = vector.extract %reduce_sum3A_630[15] : i32 from vector<16xi32>
        %convert_element_type3A_632 = arith.extui %eq3A_618 : vector<16xi1> to vector<16xi32>
        %reduce_sum3A_633 = arith.constant true
        %reduce_sum3A_634 = vector.broadcast %reduce_sum3A_633 : i1 to vector<16xi1>
        %reduce_sum3A_635 = tpu.scan <sum>, %convert_element_type3A_632 masked %reduce_sum3A_634 : vector<16xi32>, vector<16xi1> -> vector<16xi32>
        %reduce_sum3A_636 = vector.extract %reduce_sum3A_635[15] : i32 from vector<16xi32>
        %sub3A_637 = arith.constant 16 : i32
        %sub3A_638 = arith.subi %sub3A_637, %reduce_sum3A_631 : i32
        %sub3A_639 = arith.subi %sub3A_638, %reduce_sum3A_636 : i32
        %add3A_640 = arith.addi %scan3A_599, %sub3A_639 : i32
        %add3A_641 = arith.addi %scan3A_600, %reduce_sum3A_631 : i32
        %add3A_642 = arith.addi %scan3A_601, %reduce_sum3A_636 : i32
        scf.yield %add3A_640, %add3A_641, %add3A_642 : i32, i32, i32
      }
      %scan3A_597 = arith.constant 64 : i32
      scf.yield %scan3A_596#0, %scan3A_596#1, %scan3A_596#2 : i32, i32, i32
    }
    %scan3A_58 = arith.constant 32 : i32
    %sub3A_59 = arith.subi %sub3A_46, %and3A_49 : i32
    %min3A = arith.constant 128 : i32
    %min3A_60 = arith.minsi %scan3A_57#0, %min3A : i32
    %shift_right_arithmetic3A = arith.constant 7 : i32
    %shift_right_arithmetic3A_61 = arith.shrsi %scan3A_57#0, %shift_right_arithmetic3A : i32
    %mul3A_62 = arith.constant 128 : i32
    %mul3A_63 = arith.muli %shift_right_arithmetic3A_61, %mul3A_62 : i32
    %gt3A = arith.constant 0 : i32
    %gt3A_64 = arith.cmpi sgt, %shift_right_arithmetic3A_61, %gt3A : i32
    %jit3A_65 = arith.constant 0 : i32
    %jit3A_66 = arith.constant 128 : i32
    %select_n3A_67 = arith.select %gt3A_64, %jit3A_65, %jit3A_66 : i32
    %gt3A_68 = arith.constant 0 : i32
    %gt3A_69 = arith.cmpi sgt, %shift_right_arithmetic3A_61, %gt3A_68 : i32
    %sub3A_70 = arith.subi %scan3A_57#0, %mul3A_63 : i32
    %jit3A_71 = arith.constant 0 : i32
    %select_n3A_72 = arith.select %gt3A_69, %sub3A_70, %jit3A_71 : i32
    %scan3A_73 = arith.constant 0 : i32
    %scan3A_74 = arith.constant 0 : i32
    %scan3A_75 = arith.constant 8 : i32
    %scan3A_76 = arith.addi %scan3A_74, %scan3A_75 : i32
    %scan3A_77 = arith.constant 1 : i32
    %scan3A_78 = scf.for %scan3A_562 = %scan3A_74 to %scan3A_76 step %scan3A_77 iter_args(%scan3A_563 = %scan3A_73) -> (i32)  : i32 {
      %mul3A_564 = arith.constant 16 : i32
      %mul3A_565 = arith.muli %scan3A_562, %mul3A_564 : i32
      %add3A_566 = vector.broadcast %mul3A_565 : i32 to vector<16xi32>
      %add3A_567 = arith.addi %add3A_566, %iota3A : vector<16xi32>
      %ge3A_568 = vector.broadcast %and3A_49 : i32 to vector<16xi32>
      %ge3A_569 = arith.cmpi sge, %add3A_567, %ge3A_568 : vector<16xi32>
      %lt3A = vector.broadcast %min3A_60 : i32 to vector<16xi32>
      %lt3A_570 = arith.cmpi slt, %add3A_567, %lt3A : vector<16xi32>
      %and3A_571 = arith.andi %ge3A_569, %lt3A_570 : vector<16xi1>
      %add3A_572 = vector.broadcast %sub3A_59 : i32 to vector<16xi32>
      %add3A_573 = arith.addi %add3A_572, %add3A_567 : vector<16xi32>
      %add3A_574 = arith.constant 1048576 : i32
      %add3A_575 = vector.broadcast %add3A_574 : i32 to vector<16xi32>
      %add3A_576 = arith.addi %add3A_575, %add3A_567 : vector<16xi32>
      %select_n3A_577 = arith.select %and3A_571, %add3A_573, %add3A_576 : vector<16xi1>, vector<16xi32>
      %add3A_578 = arith.constant 0 : i32
      %add3A_579 = vector.broadcast %add3A_578 : i32 to vector<16xi32>
      %add3A_580 = arith.addi %mul3A_3, %add3A_579 : vector<16xi32>
      tpu.vector_store_idx %arg10[%add3A_580, %add3A_567], %select_n3A_577 : memref<6x128xi32, #tpu.memory_space<vmem>>[vector<16xi32>, vector<16xi32>], vector<16xi32>,
      %scan3A_581 = arith.constant 0 : i32
      scf.yield %scan3A_581 : i32
    }
    %scan3A_79 = arith.constant 8 : i32
    %add3A_80 = arith.addi %sub3A_59, %mul3A_63 : i32
    %scan3A_81 = arith.constant 0 : i32
    %scan3A_82 = arith.constant 0 : i32
    %scan3A_83 = arith.constant 8 : i32
    %scan3A_84 = arith.addi %scan3A_82, %scan3A_83 : i32
    %scan3A_85 = arith.constant 1 : i32
    %scan3A_86 = scf.for %scan3A_562 = %scan3A_82 to %scan3A_84 step %scan3A_85 iter_args(%scan3A_563 = %scan3A_81) -> (i32)  : i32 {
      %mul3A_564 = arith.constant 16 : i32
      %mul3A_565 = arith.muli %scan3A_562, %mul3A_564 : i32
      %add3A_566 = vector.broadcast %mul3A_565 : i32 to vector<16xi32>
      %add3A_567 = arith.addi %add3A_566, %iota3A : vector<16xi32>
      %ge3A_568 = vector.broadcast %select_n3A_67 : i32 to vector<16xi32>
      %ge3A_569 = arith.cmpi sge, %add3A_567, %ge3A_568 : vector<16xi32>
      %lt3A = vector.broadcast %select_n3A_72 : i32 to vector<16xi32>
      %lt3A_570 = arith.cmpi slt, %add3A_567, %lt3A : vector<16xi32>
      %and3A_571 = arith.andi %ge3A_569, %lt3A_570 : vector<16xi1>
      %add3A_572 = vector.broadcast %add3A_80 : i32 to vector<16xi32>
      %add3A_573 = arith.addi %add3A_572, %add3A_567 : vector<16xi32>
      %add3A_574 = arith.constant 1048576 : i32
      %add3A_575 = vector.broadcast %add3A_574 : i32 to vector<16xi32>
      %add3A_576 = arith.addi %add3A_575, %add3A_567 : vector<16xi32>
      %select_n3A_577 = arith.select %and3A_571, %add3A_573, %add3A_576 : vector<16xi1>, vector<16xi32>
      %add3A_578 = arith.constant 1 : i32
      %add3A_579 = vector.broadcast %add3A_578 : i32 to vector<16xi32>
      %add3A_580 = arith.addi %mul3A_3, %add3A_579 : vector<16xi32>
      tpu.vector_store_idx %arg10[%add3A_580, %add3A_567], %select_n3A_577 : memref<6x128xi32, #tpu.memory_space<vmem>>[vector<16xi32>, vector<16xi32>], vector<16xi32>,
      %scan3A_581 = arith.constant 0 : i32
      scf.yield %scan3A_581 : i32
    }
    %scan3A_87 = arith.constant 8 : i32
    %dma_start3A = arith.constant 0 : i32
    %dma_start3A_88 = arith.constant 0 : i32
    %dma_start3A_89 = tpu.memref_slice %arg7[%dma_start3A_88] : memref<33024xf32, #tpu.memory_space<vmem>> -> memref<128xf32, #tpu.memory_space<vmem>>
    %dma_start3A_90 = arith.constant 0 : i32
    %dma_start3A_91 = tpu.memref_slice %arg10[%dma_start3A, %dma_start3A_90] : memref<6x128xi32, #tpu.memory_space<vmem>> -> memref<1x128xi32, #tpu.memory_space<vmem>>
    %dma_start3A_92 = tpu.memref_squeeze %dma_start3A_91 : memref<1x128xi32, #tpu.memory_space<vmem>> -> memref<128xi32, #tpu.memory_space<vmem>>
    %dma_start3A_93 = arith.constant 0 : i32
    %dma_start3A_94 = tpu.memref_slice %arg5[%dma_start3A_93] : memref<1048704xf32, #tpu.memory_space<hbm>> -> memref<1048704xf32, #tpu.memory_space<hbm>>
    tpu.enqueue_indirect_dma source(%dma_start3A_89 : memref<128xf32, #tpu.memory_space<vmem>>) target(%dma_start3A_94 : memref<1048704xf32, #tpu.memory_space<hbm>>) offsets(%dma_start3A_92 : memref<128xi32, #tpu.memory_space<vmem>>) semaphore(%arg13 : memref<!tpu.dma_semaphore, #tpu.memory_space<semaphore_mem>>)
    %multiple_of3A = tpu.assume_multiple %mul3A_63, 8 : i32
    %dma_start3A_95 = arith.constant 1 : i32
    %dma_start3A_96 = tpu.memref_slice %arg7[%multiple_of3A] : memref<33024xf32, #tpu.memory_space<vmem>> -> memref<128xf32, #tpu.memory_space<vmem>>
    %dma_start3A_97 = arith.constant 0 : i32
    %dma_start3A_98 = tpu.memref_slice %arg10[%dma_start3A_95, %dma_start3A_97] : memref<6x128xi32, #tpu.memory_space<vmem>> -> memref<1x128xi32, #tpu.memory_space<vmem>>
    %dma_start3A_99 = tpu.memref_squeeze %dma_start3A_98 : memref<1x128xi32, #tpu.memory_space<vmem>> -> memref<128xi32, #tpu.memory_space<vmem>>
    %dma_start3A_100 = arith.constant 0 : i32
    %dma_start3A_101 = tpu.memref_slice %arg5[%dma_start3A_100] : memref<1048704xf32, #tpu.memory_space<hbm>> -> memref<1048704xf32, #tpu.memory_space<hbm>>
    tpu.enqueue_indirect_dma source(%dma_start3A_96 : memref<128xf32, #tpu.memory_space<vmem>>) target(%dma_start3A_101 : memref<1048704xf32, #tpu.memory_space<hbm>>) offsets(%dma_start3A_99 : memref<128xi32, #tpu.memory_space<vmem>>) semaphore(%arg13 : memref<!tpu.dma_semaphore, #tpu.memory_space<semaphore_mem>>)
    %dma_wait3A = arith.constant 0 : i32
    %dma_wait3A_102 = arith.constant 0 : i32
    %dma_wait3A_103 = tpu.memref_slice %arg7[%dma_wait3A_102] : memref<33024xf32, #tpu.memory_space<vmem>> -> memref<128xf32, #tpu.memory_space<vmem>>
    %dma_wait3A_104 = arith.constant 0 : i32
    %dma_wait3A_105 = tpu.memref_slice %arg10[%dma_wait3A, %dma_wait3A_104] : memref<6x128xi32, #tpu.memory_space<vmem>> -> memref<1x128xi32, #tpu.memory_space<vmem>>
    %dma_wait3A_106 = tpu.memref_squeeze %dma_wait3A_105 : memref<1x128xi32, #tpu.memory_space<vmem>> -> memref<128xi32, #tpu.memory_space<vmem>>
    %dma_wait3A_107 = arith.constant 0 : i32
    %dma_wait3A_108 = tpu.memref_slice %arg5[%dma_wait3A_107] : memref<1048704xf32, #tpu.memory_space<hbm>> -> memref<1048704xf32, #tpu.memory_space<hbm>>
    tpu.wait_indirect_dma semaphore(%arg13 : memref<!tpu.dma_semaphore, #tpu.memory_space<semaphore_mem>>) src(%dma_wait3A_103 : memref<128xf32, #tpu.memory_space<vmem>>) dst(%dma_wait3A_108 : memref<1048704xf32, #tpu.memory_space<hbm>>)
    %dma_wait3A_109 = arith.constant 1 : i32
    %dma_wait3A_110 = tpu.memref_slice %arg7[%multiple_of3A] : memref<33024xf32, #tpu.memory_space<vmem>> -> memref<128xf32, #tpu.memory_space<vmem>>
    %dma_wait3A_111 = arith.constant 0 : i32
    %dma_wait3A_112 = tpu.memref_slice %arg10[%dma_wait3A_109, %dma_wait3A_111] : memref<6x128xi32, #tpu.memory_space<vmem>> -> memref<1x128xi32, #tpu.memory_space<vmem>>
    %dma_wait3A_113 = tpu.memref_squeeze %dma_wait3A_112 : memref<1x128xi32, #tpu.memory_space<vmem>> -> memref<128xi32, #tpu.memory_space<vmem>>
    %dma_wait3A_114 = arith.constant 0 : i32
    %dma_wait3A_115 = tpu.memref_slice %arg5[%dma_wait3A_114] : memref<1048704xf32, #tpu.memory_space<hbm>> -> memref<1048704xf32, #tpu.memory_space<hbm>>
    tpu.wait_indirect_dma semaphore(%arg13 : memref<!tpu.dma_semaphore, #tpu.memory_space<semaphore_mem>>) src(%dma_wait3A_110 : memref<128xf32, #tpu.memory_space<vmem>>) dst(%dma_wait3A_115 : memref<1048704xf32, #tpu.memory_space<hbm>>)
    %sub3A_116 = arith.constant 1 : i32
    %sub3A_117 = arith.subi %shift_right_arithmetic3A_61, %sub3A_116 : i32
    %max3A = arith.constant 0 : i32
    %max3A_118 = arith.maxsi %sub3A_117, %max3A : i32
    %mul3A_119 = arith.constant 128 : i32
    %mul3A_120 = arith.muli %max3A_118, %mul3A_119 : i32
    %ge3A = arith.constant 16384 : i32
    %ge3A_121 = arith.cmpi sge, %mul3A_120, %ge3A : i32
    %convert_element_type3A = arith.extui %ge3A_121 : i1 to i32
    %cond3A = arith.constant 128 : i32
    %cond3A_122 = arith.constant 0 : i32
    %cond3A_123 = arith.cmpi ne, %convert_element_type3A, %cond3A_122 : i32
    scf.if %cond3A_123 {
      %multiple_of3A_562 = tpu.assume_multiple %cond3A, 8 : i32
      %add3A_563 = arith.addi %sub3A_59, %multiple_of3A_562 : i32
      %multiple_of3A_564 = tpu.assume_multiple %add3A_563, 8 : i32
      %dma_start3A_565 = tpu.memref_slice %arg7[%multiple_of3A_562] : memref<33024xf32, #tpu.memory_space<vmem>> -> memref<16384xf32, #tpu.memory_space<vmem>>
      %dma_start3A_566 = tpu.memref_slice %arg5[%multiple_of3A_564] : memref<1048704xf32, #tpu.memory_space<hbm>> -> memref<16384xf32, #tpu.memory_space<hbm>>
      %dma_start3A_567 = tpu.memref_slice %arg5[%multiple_of3A_564] : memref<1048704xf32, #tpu.memory_space<hbm>> -> memref<16384xf32, #tpu.memory_space<hbm>>
      %dma_start3A_568 = tpu.memref_slice %arg7[%multiple_of3A_562] : memref<33024xf32, #tpu.memory_space<vmem>> -> memref<16384xf32, #tpu.memory_space<vmem>>
      tpu.enqueue_dma source(%dma_start3A_568 : memref<16384xf32, #tpu.memory_space<vmem>>) target(%dma_start3A_567 : memref<16384xf32, #tpu.memory_space<hbm>>) target_semaphore(%arg13 : memref<!tpu.dma_semaphore, #tpu.memory_space<semaphore_mem>>)
      %dma_wait3A_569 = tpu.memref_slice %arg7[%multiple_of3A_562] : memref<33024xf32, #tpu.memory_space<vmem>> -> memref<16384xf32, #tpu.memory_space<vmem>>
      %dma_wait3A_570 = tpu.memref_slice %arg5[%multiple_of3A_564] : memref<1048704xf32, #tpu.memory_space<hbm>> -> memref<16384xf32, #tpu.memory_space<hbm>>
      %dma_wait3A_571 = tpu.memref_slice %arg5[%multiple_of3A_564] : memref<1048704xf32, #tpu.memory_space<hbm>> -> memref<16384xf32, #tpu.memory_space<hbm>>
      %dma_wait3A_572 = tpu.memref_slice %arg7[%multiple_of3A_562] : memref<33024xf32, #tpu.memory_space<vmem>> -> memref<16384xf32, #tpu.memory_space<vmem>>
      tpu.wait_dma2 semaphore(%arg13 : memref<!tpu.dma_semaphore, #tpu.memory_space<semaphore_mem>>) src(%dma_wait3A_572 : memref<16384xf32, #tpu.memory_space<vmem>>) dst(%dma_wait3A_571 : memref<16384xf32, #tpu.memory_space<hbm>>)
    } else {
    }
    %add3A_124 = arith.constant 128 : i32
    %add3A_125 = arith.constant 16384 : i32
    %add3A_126 = arith.addi %add3A_124, %add3A_125 : i32
    %jit3A_127 = arith.constant 128 : i32
    %select_n3A_128 = arith.select %ge3A_121, %add3A_126, %jit3A_127 : i32
    %sub3A_129 = arith.constant 16384 : i32
    %sub3A_130 = arith.subi %mul3A_120, %sub3A_129 : i32
    %select_n3A_131 = arith.select %ge3A_121, %sub3A_130, %mul3A_120 : i32
    %ge3A_132 = arith.constant 16384 : i32
    %ge3A_133 = arith.cmpi sge, %select_n3A_131, %ge3A_132 : i32
    %convert_element_type3A_134 = arith.extui %ge3A_133 : i1 to i32
    %cond3A_135 = arith.constant 0 : i32
    %cond3A_136 = arith.cmpi ne, %convert_element_type3A_134, %cond3A_135 : i32
    scf.if %cond3A_136 {
      %multiple_of3A_562 = tpu.assume_multiple %select_n3A_128, 8 : i32
      %add3A_563 = arith.addi %sub3A_59, %multiple_of3A_562 : i32
      %multiple_of3A_564 = tpu.assume_multiple %add3A_563, 8 : i32
      %dma_start3A_565 = tpu.memref_slice %arg7[%multiple_of3A_562] : memref<33024xf32, #tpu.memory_space<vmem>> -> memref<16384xf32, #tpu.memory_space<vmem>>
      %dma_start3A_566 = tpu.memref_slice %arg5[%multiple_of3A_564] : memref<1048704xf32, #tpu.memory_space<hbm>> -> memref<16384xf32, #tpu.memory_space<hbm>>
      %dma_start3A_567 = tpu.memref_slice %arg5[%multiple_of3A_564] : memref<1048704xf32, #tpu.memory_space<hbm>> -> memref<16384xf32, #tpu.memory_space<hbm>>
      %dma_start3A_568 = tpu.memref_slice %arg7[%multiple_of3A_562] : memref<33024xf32, #tpu.memory_space<vmem>> -> memref<16384xf32, #tpu.memory_space<vmem>>
      tpu.enqueue_dma source(%dma_start3A_568 : memref<16384xf32, #tpu.memory_space<vmem>>) target(%dma_start3A_567 : memref<16384xf32, #tpu.memory_space<hbm>>) target_semaphore(%arg13 : memref<!tpu.dma_semaphore, #tpu.memory_space<semaphore_mem>>)
      %dma_wait3A_569 = tpu.memref_slice %arg7[%multiple_of3A_562] : memref<33024xf32, #tpu.memory_space<vmem>> -> memref<16384xf32, #tpu.memory_space<vmem>>
      %dma_wait3A_570 = tpu.memref_slice %arg5[%multiple_of3A_564] : memref<1048704xf32, #tpu.memory_space<hbm>> -> memref<16384xf32, #tpu.memory_space<hbm>>
      %dma_wait3A_571 = tpu.memref_slice %arg5[%multiple_of3A_564] : memref<1048704xf32, #tpu.memory_space<hbm>> -> memref<16384xf32, #tpu.memory_space<hbm>>
      %dma_wait3A_572 = tpu.memref_slice %arg7[%multiple_of3A_562] : memref<33024xf32, #tpu.memory_space<vmem>> -> memref<16384xf32, #tpu.memory_space<vmem>>
      tpu.wait_dma2 semaphore(%arg13 : memref<!tpu.dma_semaphore, #tpu.memory_space<semaphore_mem>>) src(%dma_wait3A_572 : memref<16384xf32, #tpu.memory_space<vmem>>) dst(%dma_wait3A_571 : memref<16384xf32, #tpu.memory_space<hbm>>)
    } else {
    }
    %add3A_137 = arith.constant 16384 : i32
    %add3A_138 = arith.addi %select_n3A_128, %add3A_137 : i32
    %select_n3A_139 = arith.select %ge3A_133, %add3A_138, %select_n3A_128 : i32
    %sub3A_140 = arith.constant 16384 : i32
    %sub3A_141 = arith.subi %select_n3A_131, %sub3A_140 : i32
    %select_n3A_142 = arith.select %ge3A_133, %sub3A_141, %select_n3A_131 : i32
    %ge3A_143 = arith.constant 8192 : i32
    %ge3A_144 = arith.cmpi sge, %select_n3A_142, %ge3A_143 : i32
    %convert_element_type3A_145 = arith.extui %ge3A_144 : i1 to i32
    %cond3A_146 = arith.constant 0 : i32
    %cond3A_147 = arith.cmpi ne, %convert_element_type3A_145, %cond3A_146 : i32
    scf.if %cond3A_147 {
      %multiple_of3A_562 = tpu.assume_multiple %select_n3A_139, 8 : i32
      %add3A_563 = arith.addi %sub3A_59, %multiple_of3A_562 : i32
      %multiple_of3A_564 = tpu.assume_multiple %add3A_563, 8 : i32
      %dma_start3A_565 = tpu.memref_slice %arg7[%multiple_of3A_562] : memref<33024xf32, #tpu.memory_space<vmem>> -> memref<8192xf32, #tpu.memory_space<vmem>>
      %dma_start3A_566 = tpu.memref_slice %arg5[%multiple_of3A_564] : memref<1048704xf32, #tpu.memory_space<hbm>> -> memref<8192xf32, #tpu.memory_space<hbm>>
      %dma_start3A_567 = tpu.memref_slice %arg5[%multiple_of3A_564] : memref<1048704xf32, #tpu.memory_space<hbm>> -> memref<8192xf32, #tpu.memory_space<hbm>>
      %dma_start3A_568 = tpu.memref_slice %arg7[%multiple_of3A_562] : memref<33024xf32, #tpu.memory_space<vmem>> -> memref<8192xf32, #tpu.memory_space<vmem>>
      tpu.enqueue_dma source(%dma_start3A_568 : memref<8192xf32, #tpu.memory_space<vmem>>) target(%dma_start3A_567 : memref<8192xf32, #tpu.memory_space<hbm>>) target_semaphore(%arg13 : memref<!tpu.dma_semaphore, #tpu.memory_space<semaphore_mem>>)
      %dma_wait3A_569 = tpu.memref_slice %arg7[%multiple_of3A_562] : memref<33024xf32, #tpu.memory_space<vmem>> -> memref<8192xf32, #tpu.memory_space<vmem>>
      %dma_wait3A_570 = tpu.memref_slice %arg5[%multiple_of3A_564] : memref<1048704xf32, #tpu.memory_space<hbm>> -> memref<8192xf32, #tpu.memory_space<hbm>>
      %dma_wait3A_571 = tpu.memref_slice %arg5[%multiple_of3A_564] : memref<1048704xf32, #tpu.memory_space<hbm>> -> memref<8192xf32, #tpu.memory_space<hbm>>
      %dma_wait3A_572 = tpu.memref_slice %arg7[%multiple_of3A_562] : memref<33024xf32, #tpu.memory_space<vmem>> -> memref<8192xf32, #tpu.memory_space<vmem>>
      tpu.wait_dma2 semaphore(%arg13 : memref<!tpu.dma_semaphore, #tpu.memory_space<semaphore_mem>>) src(%dma_wait3A_572 : memref<8192xf32, #tpu.memory_space<vmem>>) dst(%dma_wait3A_571 : memref<8192xf32, #tpu.memory_space<hbm>>)
    } else {
    }
    %add3A_148 = arith.constant 8192 : i32
    %add3A_149 = arith.addi %select_n3A_139, %add3A_148 : i32
    %select_n3A_150 = arith.select %ge3A_144, %add3A_149, %select_n3A_139 : i32
    %sub3A_151 = arith.constant 8192 : i32
    %sub3A_152 = arith.subi %select_n3A_142, %sub3A_151 : i32
    %select_n3A_153 = arith.select %ge3A_144, %sub3A_152, %select_n3A_142 : i32
    %ge3A_154 = arith.constant 4096 : i32
    %ge3A_155 = arith.cmpi sge, %select_n3A_153, %ge3A_154 : i32
    %convert_element_type3A_156 = arith.extui %ge3A_155 : i1 to i32
    %cond3A_157 = arith.constant 0 : i32
    %cond3A_158 = arith.cmpi ne, %convert_element_type3A_156, %cond3A_157 : i32
    scf.if %cond3A_158 {
      %multiple_of3A_562 = tpu.assume_multiple %select_n3A_150, 8 : i32
      %add3A_563 = arith.addi %sub3A_59, %multiple_of3A_562 : i32
      %multiple_of3A_564 = tpu.assume_multiple %add3A_563, 8 : i32
      %dma_start3A_565 = tpu.memref_slice %arg7[%multiple_of3A_562] : memref<33024xf32, #tpu.memory_space<vmem>> -> memref<4096xf32, #tpu.memory_space<vmem>>
      %dma_start3A_566 = tpu.memref_slice %arg5[%multiple_of3A_564] : memref<1048704xf32, #tpu.memory_space<hbm>> -> memref<4096xf32, #tpu.memory_space<hbm>>
      %dma_start3A_567 = tpu.memref_slice %arg5[%multiple_of3A_564] : memref<1048704xf32, #tpu.memory_space<hbm>> -> memref<4096xf32, #tpu.memory_space<hbm>>
      %dma_start3A_568 = tpu.memref_slice %arg7[%multiple_of3A_562] : memref<33024xf32, #tpu.memory_space<vmem>> -> memref<4096xf32, #tpu.memory_space<vmem>>
      tpu.enqueue_dma source(%dma_start3A_568 : memref<4096xf32, #tpu.memory_space<vmem>>) target(%dma_start3A_567 : memref<4096xf32, #tpu.memory_space<hbm>>) target_semaphore(%arg13 : memref<!tpu.dma_semaphore, #tpu.memory_space<semaphore_mem>>)
      %dma_wait3A_569 = tpu.memref_slice %arg7[%multiple_of3A_562] : memref<33024xf32, #tpu.memory_space<vmem>> -> memref<4096xf32, #tpu.memory_space<vmem>>
      %dma_wait3A_570 = tpu.memref_slice %arg5[%multiple_of3A_564] : memref<1048704xf32, #tpu.memory_space<hbm>> -> memref<4096xf32, #tpu.memory_space<hbm>>
      %dma_wait3A_571 = tpu.memref_slice %arg5[%multiple_of3A_564] : memref<1048704xf32, #tpu.memory_space<hbm>> -> memref<4096xf32, #tpu.memory_space<hbm>>
      %dma_wait3A_572 = tpu.memref_slice %arg7[%multiple_of3A_562] : memref<33024xf32, #tpu.memory_space<vmem>> -> memref<4096xf32, #tpu.memory_space<vmem>>
      tpu.wait_dma2 semaphore(%arg13 : memref<!tpu.dma_semaphore, #tpu.memory_space<semaphore_mem>>) src(%dma_wait3A_572 : memref<4096xf32, #tpu.memory_space<vmem>>) dst(%dma_wait3A_571 : memref<4096xf32, #tpu.memory_space<hbm>>)
    } else {
    }
    %add3A_159 = arith.constant 4096 : i32
    %add3A_160 = arith.addi %select_n3A_150, %add3A_159 : i32
    %select_n3A_161 = arith.select %ge3A_155, %add3A_160, %select_n3A_150 : i32
    %sub3A_162 = arith.constant 4096 : i32
    %sub3A_163 = arith.subi %select_n3A_153, %sub3A_162 : i32
    %select_n3A_164 = arith.select %ge3A_155, %sub3A_163, %select_n3A_153 : i32
    %ge3A_165 = arith.constant 2048 : i32
    %ge3A_166 = arith.cmpi sge, %select_n3A_164, %ge3A_165 : i32
    %convert_element_type3A_167 = arith.extui %ge3A_166 : i1 to i32
    %cond3A_168 = arith.constant 0 : i32
    %cond3A_169 = arith.cmpi ne, %convert_element_type3A_167, %cond3A_168 : i32
    scf.if %cond3A_169 {
      %multiple_of3A_562 = tpu.assume_multiple %select_n3A_161, 8 : i32
      %add3A_563 = arith.addi %sub3A_59, %multiple_of3A_562 : i32
      %multiple_of3A_564 = tpu.assume_multiple %add3A_563, 8 : i32
      %dma_start3A_565 = tpu.memref_slice %arg7[%multiple_of3A_562] : memref<33024xf32, #tpu.memory_space<vmem>> -> memref<2048xf32, #tpu.memory_space<vmem>>
      %dma_start3A_566 = tpu.memref_slice %arg5[%multiple_of3A_564] : memref<1048704xf32, #tpu.memory_space<hbm>> -> memref<2048xf32, #tpu.memory_space<hbm>>
      %dma_start3A_567 = tpu.memref_slice %arg5[%multiple_of3A_564] : memref<1048704xf32, #tpu.memory_space<hbm>> -> memref<2048xf32, #tpu.memory_space<hbm>>
      %dma_start3A_568 = tpu.memref_slice %arg7[%multiple_of3A_562] : memref<33024xf32, #tpu.memory_space<vmem>> -> memref<2048xf32, #tpu.memory_space<vmem>>
      tpu.enqueue_dma source(%dma_start3A_568 : memref<2048xf32, #tpu.memory_space<vmem>>) target(%dma_start3A_567 : memref<2048xf32, #tpu.memory_space<hbm>>) target_semaphore(%arg13 : memref<!tpu.dma_semaphore, #tpu.memory_space<semaphore_mem>>)
      %dma_wait3A_569 = tpu.memref_slice %arg7[%multiple_of3A_562] : memref<33024xf32, #tpu.memory_space<vmem>> -> memref<2048xf32, #tpu.memory_space<vmem>>
      %dma_wait3A_570 = tpu.memref_slice %arg5[%multiple_of3A_564] : memref<1048704xf32, #tpu.memory_space<hbm>> -> memref<2048xf32, #tpu.memory_space<hbm>>
      %dma_wait3A_571 = tpu.memref_slice %arg5[%multiple_of3A_564] : memref<1048704xf32, #tpu.memory_space<hbm>> -> memref<2048xf32, #tpu.memory_space<hbm>>
      %dma_wait3A_572 = tpu.memref_slice %arg7[%multiple_of3A_562] : memref<33024xf32, #tpu.memory_space<vmem>> -> memref<2048xf32, #tpu.memory_space<vmem>>
      tpu.wait_dma2 semaphore(%arg13 : memref<!tpu.dma_semaphore, #tpu.memory_space<semaphore_mem>>) src(%dma_wait3A_572 : memref<2048xf32, #tpu.memory_space<vmem>>) dst(%dma_wait3A_571 : memref<2048xf32, #tpu.memory_space<hbm>>)
    } else {
    }
    %add3A_170 = arith.constant 2048 : i32
    %add3A_171 = arith.addi %select_n3A_161, %add3A_170 : i32
    %select_n3A_172 = arith.select %ge3A_166, %add3A_171, %select_n3A_161 : i32
    %sub3A_173 = arith.constant 2048 : i32
    %sub3A_174 = arith.subi %select_n3A_164, %sub3A_173 : i32
    %select_n3A_175 = arith.select %ge3A_166, %sub3A_174, %select_n3A_164 : i32
    %ge3A_176 = arith.constant 1024 : i32
    %ge3A_177 = arith.cmpi sge, %select_n3A_175, %ge3A_176 : i32
    %convert_element_type3A_178 = arith.extui %ge3A_177 : i1 to i32
    %cond3A_179 = arith.constant 0 : i32
    %cond3A_180 = arith.cmpi ne, %convert_element_type3A_178, %cond3A_179 : i32
    scf.if %cond3A_180 {
      %multiple_of3A_562 = tpu.assume_multiple %select_n3A_172, 8 : i32
      %add3A_563 = arith.addi %sub3A_59, %multiple_of3A_562 : i32
      %multiple_of3A_564 = tpu.assume_multiple %add3A_563, 8 : i32
      %dma_start3A_565 = tpu.memref_slice %arg7[%multiple_of3A_562] : memref<33024xf32, #tpu.memory_space<vmem>> -> memref<1024xf32, #tpu.memory_space<vmem>>
      %dma_start3A_566 = tpu.memref_slice %arg5[%multiple_of3A_564] : memref<1048704xf32, #tpu.memory_space<hbm>> -> memref<1024xf32, #tpu.memory_space<hbm>>
      %dma_start3A_567 = tpu.memref_slice %arg5[%multiple_of3A_564] : memref<1048704xf32, #tpu.memory_space<hbm>> -> memref<1024xf32, #tpu.memory_space<hbm>>
      %dma_start3A_568 = tpu.memref_slice %arg7[%multiple_of3A_562] : memref<33024xf32, #tpu.memory_space<vmem>> -> memref<1024xf32, #tpu.memory_space<vmem>>
      tpu.enqueue_dma source(%dma_start3A_568 : memref<1024xf32, #tpu.memory_space<vmem>>) target(%dma_start3A_567 : memref<1024xf32, #tpu.memory_space<hbm>>) target_semaphore(%arg13 : memref<!tpu.dma_semaphore, #tpu.memory_space<semaphore_mem>>)
      %dma_wait3A_569 = tpu.memref_slice %arg7[%multiple_of3A_562] : memref<33024xf32, #tpu.memory_space<vmem>> -> memref<1024xf32, #tpu.memory_space<vmem>>
      %dma_wait3A_570 = tpu.memref_slice %arg5[%multiple_of3A_564] : memref<1048704xf32, #tpu.memory_space<hbm>> -> memref<1024xf32, #tpu.memory_space<hbm>>
      %dma_wait3A_571 = tpu.memref_slice %arg5[%multiple_of3A_564] : memref<1048704xf32, #tpu.memory_space<hbm>> -> memref<1024xf32, #tpu.memory_space<hbm>>
      %dma_wait3A_572 = tpu.memref_slice %arg7[%multiple_of3A_562] : memref<33024xf32, #tpu.memory_space<vmem>> -> memref<1024xf32, #tpu.memory_space<vmem>>
      tpu.wait_dma2 semaphore(%arg13 : memref<!tpu.dma_semaphore, #tpu.memory_space<semaphore_mem>>) src(%dma_wait3A_572 : memref<1024xf32, #tpu.memory_space<vmem>>) dst(%dma_wait3A_571 : memref<1024xf32, #tpu.memory_space<hbm>>)
    } else {
    }
    %add3A_181 = arith.constant 1024 : i32
    %add3A_182 = arith.addi %select_n3A_172, %add3A_181 : i32
    %select_n3A_183 = arith.select %ge3A_177, %add3A_182, %select_n3A_172 : i32
    %sub3A_184 = arith.constant 1024 : i32
    %sub3A_185 = arith.subi %select_n3A_175, %sub3A_184 : i32
    %select_n3A_186 = arith.select %ge3A_177, %sub3A_185, %select_n3A_175 : i32
    %ge3A_187 = arith.constant 512 : i32
    %ge3A_188 = arith.cmpi sge, %select_n3A_186, %ge3A_187 : i32
    %convert_element_type3A_189 = arith.extui %ge3A_188 : i1 to i32
    %cond3A_190 = arith.constant 0 : i32
    %cond3A_191 = arith.cmpi ne, %convert_element_type3A_189, %cond3A_190 : i32
    scf.if %cond3A_191 {
      %multiple_of3A_562 = tpu.assume_multiple %select_n3A_183, 8 : i32
      %add3A_563 = arith.addi %sub3A_59, %multiple_of3A_562 : i32
      %multiple_of3A_564 = tpu.assume_multiple %add3A_563, 8 : i32
      %dma_start3A_565 = tpu.memref_slice %arg7[%multiple_of3A_562] : memref<33024xf32, #tpu.memory_space<vmem>> -> memref<512xf32, #tpu.memory_space<vmem>>
      %dma_start3A_566 = tpu.memref_slice %arg5[%multiple_of3A_564] : memref<1048704xf32, #tpu.memory_space<hbm>> -> memref<512xf32, #tpu.memory_space<hbm>>
      %dma_start3A_567 = tpu.memref_slice %arg5[%multiple_of3A_564] : memref<1048704xf32, #tpu.memory_space<hbm>> -> memref<512xf32, #tpu.memory_space<hbm>>
      %dma_start3A_568 = tpu.memref_slice %arg7[%multiple_of3A_562] : memref<33024xf32, #tpu.memory_space<vmem>> -> memref<512xf32, #tpu.memory_space<vmem>>
      tpu.enqueue_dma source(%dma_start3A_568 : memref<512xf32, #tpu.memory_space<vmem>>) target(%dma_start3A_567 : memref<512xf32, #tpu.memory_space<hbm>>) target_semaphore(%arg13 : memref<!tpu.dma_semaphore, #tpu.memory_space<semaphore_mem>>)
      %dma_wait3A_569 = tpu.memref_slice %arg7[%multiple_of3A_562] : memref<33024xf32, #tpu.memory_space<vmem>> -> memref<512xf32, #tpu.memory_space<vmem>>
      %dma_wait3A_570 = tpu.memref_slice %arg5[%multiple_of3A_564] : memref<1048704xf32, #tpu.memory_space<hbm>> -> memref<512xf32, #tpu.memory_space<hbm>>
      %dma_wait3A_571 = tpu.memref_slice %arg5[%multiple_of3A_564] : memref<1048704xf32, #tpu.memory_space<hbm>> -> memref<512xf32, #tpu.memory_space<hbm>>
      %dma_wait3A_572 = tpu.memref_slice %arg7[%multiple_of3A_562] : memref<33024xf32, #tpu.memory_space<vmem>> -> memref<512xf32, #tpu.memory_space<vmem>>
      tpu.wait_dma2 semaphore(%arg13 : memref<!tpu.dma_semaphore, #tpu.memory_space<semaphore_mem>>) src(%dma_wait3A_572 : memref<512xf32, #tpu.memory_space<vmem>>) dst(%dma_wait3A_571 : memref<512xf32, #tpu.memory_space<hbm>>)
    } else {
    }
    %add3A_192 = arith.constant 512 : i32
    %add3A_193 = arith.addi %select_n3A_183, %add3A_192 : i32
    %select_n3A_194 = arith.select %ge3A_188, %add3A_193, %select_n3A_183 : i32
    %sub3A_195 = arith.constant 512 : i32
    %sub3A_196 = arith.subi %select_n3A_186, %sub3A_195 : i32
    %select_n3A_197 = arith.select %ge3A_188, %sub3A_196, %select_n3A_186 : i32
    %ge3A_198 = arith.constant 256 : i32
    %ge3A_199 = arith.cmpi sge, %select_n3A_197, %ge3A_198 : i32
    %convert_element_type3A_200 = arith.extui %ge3A_199 : i1 to i32
    %cond3A_201 = arith.constant 0 : i32
    %cond3A_202 = arith.cmpi ne, %convert_element_type3A_200, %cond3A_201 : i32
    scf.if %cond3A_202 {
      %multiple_of3A_562 = tpu.assume_multiple %select_n3A_194, 8 : i32
      %add3A_563 = arith.addi %sub3A_59, %multiple_of3A_562 : i32
      %multiple_of3A_564 = tpu.assume_multiple %add3A_563, 8 : i32
      %dma_start3A_565 = tpu.memref_slice %arg7[%multiple_of3A_562] : memref<33024xf32, #tpu.memory_space<vmem>> -> memref<256xf32, #tpu.memory_space<vmem>>
      %dma_start3A_566 = tpu.memref_slice %arg5[%multiple_of3A_564] : memref<1048704xf32, #tpu.memory_space<hbm>> -> memref<256xf32, #tpu.memory_space<hbm>>
      %dma_start3A_567 = tpu.memref_slice %arg5[%multiple_of3A_564] : memref<1048704xf32, #tpu.memory_space<hbm>> -> memref<256xf32, #tpu.memory_space<hbm>>
      %dma_start3A_568 = tpu.memref_slice %arg7[%multiple_of3A_562] : memref<33024xf32, #tpu.memory_space<vmem>> -> memref<256xf32, #tpu.memory_space<vmem>>
      tpu.enqueue_dma source(%dma_start3A_568 : memref<256xf32, #tpu.memory_space<vmem>>) target(%dma_start3A_567 : memref<256xf32, #tpu.memory_space<hbm>>) target_semaphore(%arg13 : memref<!tpu.dma_semaphore, #tpu.memory_space<semaphore_mem>>)
      %dma_wait3A_569 = tpu.memref_slice %arg7[%multiple_of3A_562] : memref<33024xf32, #tpu.memory_space<vmem>> -> memref<256xf32, #tpu.memory_space<vmem>>
      %dma_wait3A_570 = tpu.memref_slice %arg5[%multiple_of3A_564] : memref<1048704xf32, #tpu.memory_space<hbm>> -> memref<256xf32, #tpu.memory_space<hbm>>
      %dma_wait3A_571 = tpu.memref_slice %arg5[%multiple_of3A_564] : memref<1048704xf32, #tpu.memory_space<hbm>> -> memref<256xf32, #tpu.memory_space<hbm>>
      %dma_wait3A_572 = tpu.memref_slice %arg7[%multiple_of3A_562] : memref<33024xf32, #tpu.memory_space<vmem>> -> memref<256xf32, #tpu.memory_space<vmem>>
      tpu.wait_dma2 semaphore(%arg13 : memref<!tpu.dma_semaphore, #tpu.memory_space<semaphore_mem>>) src(%dma_wait3A_572 : memref<256xf32, #tpu.memory_space<vmem>>) dst(%dma_wait3A_571 : memref<256xf32, #tpu.memory_space<hbm>>)
    } else {
    }
    %add3A_203 = arith.constant 256 : i32
    %add3A_204 = arith.addi %select_n3A_194, %add3A_203 : i32
    %select_n3A_205 = arith.select %ge3A_199, %add3A_204, %select_n3A_194 : i32
    %sub3A_206 = arith.constant 256 : i32
    %sub3A_207 = arith.subi %select_n3A_197, %sub3A_206 : i32
    %select_n3A_208 = arith.select %ge3A_199, %sub3A_207, %select_n3A_197 : i32
    %ge3A_209 = arith.constant 128 : i32
    %ge3A_210 = arith.cmpi sge, %select_n3A_208, %ge3A_209 : i32
    %convert_element_type3A_211 = arith.extui %ge3A_210 : i1 to i32
    %cond3A_212 = arith.constant 0 : i32
    %cond3A_213 = arith.cmpi ne, %convert_element_type3A_211, %cond3A_212 : i32
    scf.if %cond3A_213 {
      %multiple_of3A_562 = tpu.assume_multiple %select_n3A_205, 8 : i32
      %add3A_563 = arith.addi %sub3A_59, %multiple_of3A_562 : i32
      %multiple_of3A_564 = tpu.assume_multiple %add3A_563, 8 : i32
      %dma_start3A_565 = tpu.memref_slice %arg7[%multiple_of3A_562] : memref<33024xf32, #tpu.memory_space<vmem>> -> memref<128xf32, #tpu.memory_space<vmem>>
      %dma_start3A_566 = tpu.memref_slice %arg5[%multiple_of3A_564] : memref<1048704xf32, #tpu.memory_space<hbm>> -> memref<128xf32, #tpu.memory_space<hbm>>
      %dma_start3A_567 = tpu.memref_slice %arg5[%multiple_of3A_564] : memref<1048704xf32, #tpu.memory_space<hbm>> -> memref<128xf32, #tpu.memory_space<hbm>>
      %dma_start3A_568 = tpu.memref_slice %arg7[%multiple_of3A_562] : memref<33024xf32, #tpu.memory_space<vmem>> -> memref<128xf32, #tpu.memory_space<vmem>>
      tpu.enqueue_dma source(%dma_start3A_568 : memref<128xf32, #tpu.memory_space<vmem>>) target(%dma_start3A_567 : memref<128xf32, #tpu.memory_space<hbm>>) target_semaphore(%arg13 : memref<!tpu.dma_semaphore, #tpu.memory_space<semaphore_mem>>)
      %dma_wait3A_569 = tpu.memref_slice %arg7[%multiple_of3A_562] : memref<33024xf32, #tpu.memory_space<vmem>> -> memref<128xf32, #tpu.memory_space<vmem>>
      %dma_wait3A_570 = tpu.memref_slice %arg5[%multiple_of3A_564] : memref<1048704xf32, #tpu.memory_space<hbm>> -> memref<128xf32, #tpu.memory_space<hbm>>
      %dma_wait3A_571 = tpu.memref_slice %arg5[%multiple_of3A_564] : memref<1048704xf32, #tpu.memory_space<hbm>> -> memref<128xf32, #tpu.memory_space<hbm>>
      %dma_wait3A_572 = tpu.memref_slice %arg7[%multiple_of3A_562] : memref<33024xf32, #tpu.memory_space<vmem>> -> memref<128xf32, #tpu.memory_space<vmem>>
      tpu.wait_dma2 semaphore(%arg13 : memref<!tpu.dma_semaphore, #tpu.memory_space<semaphore_mem>>) src(%dma_wait3A_572 : memref<128xf32, #tpu.memory_space<vmem>>) dst(%dma_wait3A_571 : memref<128xf32, #tpu.memory_space<hbm>>)
    } else {
    }
    %add3A_214 = arith.constant 128 : i32
    %add3A_215 = arith.addi %select_n3A_205, %add3A_214 : i32
    %select_n3A_216 = arith.select %ge3A_210, %add3A_215, %select_n3A_205 : i32
    %sub3A_217 = arith.constant 128 : i32
    %sub3A_218 = arith.subi %select_n3A_208, %sub3A_217 : i32
    %select_n3A_219 = arith.select %ge3A_210, %sub3A_218, %select_n3A_208 : i32
    %sub3A_220 = arith.subi %add3A_47, %and3A_51 : i32
    %min3A_221 = arith.constant 128 : i32
    %min3A_222 = arith.minsi %scan3A_57#1, %min3A_221 : i32
    %shift_right_arithmetic3A_223 = arith.constant 7 : i32
    %shift_right_arithmetic3A_224 = arith.shrsi %scan3A_57#1, %shift_right_arithmetic3A_223 : i32
    %mul3A_225 = arith.constant 128 : i32
    %mul3A_226 = arith.muli %shift_right_arithmetic3A_224, %mul3A_225 : i32
    %gt3A_227 = arith.constant 0 : i32
    %gt3A_228 = arith.cmpi sgt, %shift_right_arithmetic3A_224, %gt3A_227 : i32
    %jit3A_229 = arith.constant 0 : i32
    %jit3A_230 = arith.constant 128 : i32
    %select_n3A_231 = arith.select %gt3A_228, %jit3A_229, %jit3A_230 : i32
    %gt3A_232 = arith.constant 0 : i32
    %gt3A_233 = arith.cmpi sgt, %shift_right_arithmetic3A_224, %gt3A_232 : i32
    %sub3A_234 = arith.subi %scan3A_57#1, %mul3A_226 : i32
    %jit3A_235 = arith.constant 0 : i32
    %select_n3A_236 = arith.select %gt3A_233, %sub3A_234, %jit3A_235 : i32
    %scan3A_237 = arith.constant 0 : i32
    %scan3A_238 = arith.constant 0 : i32
    %scan3A_239 = arith.constant 8 : i32
    %scan3A_240 = arith.addi %scan3A_238, %scan3A_239 : i32
    %scan3A_241 = arith.constant 1 : i32
    %scan3A_242 = scf.for %scan3A_562 = %scan3A_238 to %scan3A_240 step %scan3A_241 iter_args(%scan3A_563 = %scan3A_237) -> (i32)  : i32 {
      %mul3A_564 = arith.constant 16 : i32
      %mul3A_565 = arith.muli %scan3A_562, %mul3A_564 : i32
      %add3A_566 = vector.broadcast %mul3A_565 : i32 to vector<16xi32>
      %add3A_567 = arith.addi %add3A_566, %iota3A : vector<16xi32>
      %ge3A_568 = vector.broadcast %and3A_51 : i32 to vector<16xi32>
      %ge3A_569 = arith.cmpi sge, %add3A_567, %ge3A_568 : vector<16xi32>
      %lt3A = vector.broadcast %min3A_222 : i32 to vector<16xi32>
      %lt3A_570 = arith.cmpi slt, %add3A_567, %lt3A : vector<16xi32>
      %and3A_571 = arith.andi %ge3A_569, %lt3A_570 : vector<16xi1>
      %add3A_572 = vector.broadcast %sub3A_220 : i32 to vector<16xi32>
      %add3A_573 = arith.addi %add3A_572, %add3A_567 : vector<16xi32>
      %add3A_574 = arith.constant 1048576 : i32
      %add3A_575 = vector.broadcast %add3A_574 : i32 to vector<16xi32>
      %add3A_576 = arith.addi %add3A_575, %add3A_567 : vector<16xi32>
      %select_n3A_577 = arith.select %and3A_571, %add3A_573, %add3A_576 : vector<16xi1>, vector<16xi32>
      %add3A_578 = arith.constant 2 : i32
      %add3A_579 = vector.broadcast %add3A_578 : i32 to vector<16xi32>
      %add3A_580 = arith.addi %mul3A_3, %add3A_579 : vector<16xi32>
      tpu.vector_store_idx %arg10[%add3A_580, %add3A_567], %select_n3A_577 : memref<6x128xi32, #tpu.memory_space<vmem>>[vector<16xi32>, vector<16xi32>], vector<16xi32>,
      %scan3A_581 = arith.constant 0 : i32
      scf.yield %scan3A_581 : i32
    }
    %scan3A_243 = arith.constant 8 : i32
    %add3A_244 = arith.addi %sub3A_220, %mul3A_226 : i32
    %scan3A_245 = arith.constant 0 : i32
    %scan3A_246 = arith.constant 0 : i32
    %scan3A_247 = arith.constant 8 : i32
    %scan3A_248 = arith.addi %scan3A_246, %scan3A_247 : i32
    %scan3A_249 = arith.constant 1 : i32
    %scan3A_250 = scf.for %scan3A_562 = %scan3A_246 to %scan3A_248 step %scan3A_249 iter_args(%scan3A_563 = %scan3A_245) -> (i32)  : i32 {
      %mul3A_564 = arith.constant 16 : i32
      %mul3A_565 = arith.muli %scan3A_562, %mul3A_564 : i32
      %add3A_566 = vector.broadcast %mul3A_565 : i32 to vector<16xi32>
      %add3A_567 = arith.addi %add3A_566, %iota3A : vector<16xi32>
      %ge3A_568 = vector.broadcast %select_n3A_231 : i32 to vector<16xi32>
      %ge3A_569 = arith.cmpi sge, %add3A_567, %ge3A_568 : vector<16xi32>
      %lt3A = vector.broadcast %select_n3A_236 : i32 to vector<16xi32>
      %lt3A_570 = arith.cmpi slt, %add3A_567, %lt3A : vector<16xi32>
      %and3A_571 = arith.andi %ge3A_569, %lt3A_570 : vector<16xi1>
      %add3A_572 = vector.broadcast %add3A_244 : i32 to vector<16xi32>
      %add3A_573 = arith.addi %add3A_572, %add3A_567 : vector<16xi32>
      %add3A_574 = arith.constant 1048576 : i32
      %add3A_575 = vector.broadcast %add3A_574 : i32 to vector<16xi32>
      %add3A_576 = arith.addi %add3A_575, %add3A_567 : vector<16xi32>
      %select_n3A_577 = arith.select %and3A_571, %add3A_573, %add3A_576 : vector<16xi1>, vector<16xi32>
      %add3A_578 = arith.constant 3 : i32
      %add3A_579 = vector.broadcast %add3A_578 : i32 to vector<16xi32>
      %add3A_580 = arith.addi %mul3A_3, %add3A_579 : vector<16xi32>
      tpu.vector_store_idx %arg10[%add3A_580, %add3A_567], %select_n3A_577 : memref<6x128xi32, #tpu.memory_space<vmem>>[vector<16xi32>, vector<16xi32>], vector<16xi32>,
      %scan3A_581 = arith.constant 0 : i32
      scf.yield %scan3A_581 : i32
    }
    %scan3A_251 = arith.constant 8 : i32
    %dma_start3A_252 = arith.constant 2 : i32
    %dma_start3A_253 = arith.constant 0 : i32
    %dma_start3A_254 = tpu.memref_slice %arg8[%dma_start3A_253] : memref<33024xf32, #tpu.memory_space<vmem>> -> memref<128xf32, #tpu.memory_space<vmem>>
    %dma_start3A_255 = arith.constant 0 : i32
    %dma_start3A_256 = tpu.memref_slice %arg10[%dma_start3A_252, %dma_start3A_255] : memref<6x128xi32, #tpu.memory_space<vmem>> -> memref<1x128xi32, #tpu.memory_space<vmem>>
    %dma_start3A_257 = tpu.memref_squeeze %dma_start3A_256 : memref<1x128xi32, #tpu.memory_space<vmem>> -> memref<128xi32, #tpu.memory_space<vmem>>
    %dma_start3A_258 = arith.constant 0 : i32
    %dma_start3A_259 = tpu.memref_slice %arg5[%dma_start3A_258] : memref<1048704xf32, #tpu.memory_space<hbm>> -> memref<1048704xf32, #tpu.memory_space<hbm>>
    tpu.enqueue_indirect_dma source(%dma_start3A_254 : memref<128xf32, #tpu.memory_space<vmem>>) target(%dma_start3A_259 : memref<1048704xf32, #tpu.memory_space<hbm>>) offsets(%dma_start3A_257 : memref<128xi32, #tpu.memory_space<vmem>>) semaphore(%arg13 : memref<!tpu.dma_semaphore, #tpu.memory_space<semaphore_mem>>)
    %multiple_of3A_260 = tpu.assume_multiple %mul3A_226, 8 : i32
    %dma_start3A_261 = arith.constant 3 : i32
    %dma_start3A_262 = tpu.memref_slice %arg8[%multiple_of3A_260] : memref<33024xf32, #tpu.memory_space<vmem>> -> memref<128xf32, #tpu.memory_space<vmem>>
    %dma_start3A_263 = arith.constant 0 : i32
    %dma_start3A_264 = tpu.memref_slice %arg10[%dma_start3A_261, %dma_start3A_263] : memref<6x128xi32, #tpu.memory_space<vmem>> -> memref<1x128xi32, #tpu.memory_space<vmem>>
    %dma_start3A_265 = tpu.memref_squeeze %dma_start3A_264 : memref<1x128xi32, #tpu.memory_space<vmem>> -> memref<128xi32, #tpu.memory_space<vmem>>
    %dma_start3A_266 = arith.constant 0 : i32
    %dma_start3A_267 = tpu.memref_slice %arg5[%dma_start3A_266] : memref<1048704xf32, #tpu.memory_space<hbm>> -> memref<1048704xf32, #tpu.memory_space<hbm>>
    tpu.enqueue_indirect_dma source(%dma_start3A_262 : memref<128xf32, #tpu.memory_space<vmem>>) target(%dma_start3A_267 : memref<1048704xf32, #tpu.memory_space<hbm>>) offsets(%dma_start3A_265 : memref<128xi32, #tpu.memory_space<vmem>>) semaphore(%arg13 : memref<!tpu.dma_semaphore, #tpu.memory_space<semaphore_mem>>)
    %dma_wait3A_268 = arith.constant 2 : i32
    %dma_wait3A_269 = arith.constant 0 : i32
    %dma_wait3A_270 = tpu.memref_slice %arg8[%dma_wait3A_269] : memref<33024xf32, #tpu.memory_space<vmem>> -> memref<128xf32, #tpu.memory_space<vmem>>
    %dma_wait3A_271 = arith.constant 0 : i32
    %dma_wait3A_272 = tpu.memref_slice %arg10[%dma_wait3A_268, %dma_wait3A_271] : memref<6x128xi32, #tpu.memory_space<vmem>> -> memref<1x128xi32, #tpu.memory_space<vmem>>
    %dma_wait3A_273 = tpu.memref_squeeze %dma_wait3A_272 : memref<1x128xi32, #tpu.memory_space<vmem>> -> memref<128xi32, #tpu.memory_space<vmem>>
    %dma_wait3A_274 = arith.constant 0 : i32
    %dma_wait3A_275 = tpu.memref_slice %arg5[%dma_wait3A_274] : memref<1048704xf32, #tpu.memory_space<hbm>> -> memref<1048704xf32, #tpu.memory_space<hbm>>
    tpu.wait_indirect_dma semaphore(%arg13 : memref<!tpu.dma_semaphore, #tpu.memory_space<semaphore_mem>>) src(%dma_wait3A_270 : memref<128xf32, #tpu.memory_space<vmem>>) dst(%dma_wait3A_275 : memref<1048704xf32, #tpu.memory_space<hbm>>)
    %dma_wait3A_276 = arith.constant 3 : i32
    %dma_wait3A_277 = tpu.memref_slice %arg8[%multiple_of3A_260] : memref<33024xf32, #tpu.memory_space<vmem>> -> memref<128xf32, #tpu.memory_space<vmem>>
    %dma_wait3A_278 = arith.constant 0 : i32
    %dma_wait3A_279 = tpu.memref_slice %arg10[%dma_wait3A_276, %dma_wait3A_278] : memref<6x128xi32, #tpu.memory_space<vmem>> -> memref<1x128xi32, #tpu.memory_space<vmem>>
    %dma_wait3A_280 = tpu.memref_squeeze %dma_wait3A_279 : memref<1x128xi32, #tpu.memory_space<vmem>> -> memref<128xi32, #tpu.memory_space<vmem>>
    %dma_wait3A_281 = arith.constant 0 : i32
    %dma_wait3A_282 = tpu.memref_slice %arg5[%dma_wait3A_281] : memref<1048704xf32, #tpu.memory_space<hbm>> -> memref<1048704xf32, #tpu.memory_space<hbm>>
    tpu.wait_indirect_dma semaphore(%arg13 : memref<!tpu.dma_semaphore, #tpu.memory_space<semaphore_mem>>) src(%dma_wait3A_277 : memref<128xf32, #tpu.memory_space<vmem>>) dst(%dma_wait3A_282 : memref<1048704xf32, #tpu.memory_space<hbm>>)
    %sub3A_283 = arith.constant 1 : i32
    %sub3A_284 = arith.subi %shift_right_arithmetic3A_224, %sub3A_283 : i32
    %max3A_285 = arith.constant 0 : i32
    %max3A_286 = arith.maxsi %sub3A_284, %max3A_285 : i32
    %mul3A_287 = arith.constant 128 : i32
    %mul3A_288 = arith.muli %max3A_286, %mul3A_287 : i32
    %ge3A_289 = arith.constant 16384 : i32
    %ge3A_290 = arith.cmpi sge, %mul3A_288, %ge3A_289 : i32
    %convert_element_type3A_291 = arith.extui %ge3A_290 : i1 to i32
    %cond3A_292 = arith.constant 128 : i32
    %cond3A_293 = arith.constant 0 : i32
    %cond3A_294 = arith.cmpi ne, %convert_element_type3A_291, %cond3A_293 : i32
    scf.if %cond3A_294 {
      %multiple_of3A_562 = tpu.assume_multiple %cond3A_292, 8 : i32
      %add3A_563 = arith.addi %sub3A_220, %multiple_of3A_562 : i32
      %multiple_of3A_564 = tpu.assume_multiple %add3A_563, 8 : i32
      %dma_start3A_565 = tpu.memref_slice %arg8[%multiple_of3A_562] : memref<33024xf32, #tpu.memory_space<vmem>> -> memref<16384xf32, #tpu.memory_space<vmem>>
      %dma_start3A_566 = tpu.memref_slice %arg5[%multiple_of3A_564] : memref<1048704xf32, #tpu.memory_space<hbm>> -> memref<16384xf32, #tpu.memory_space<hbm>>
      %dma_start3A_567 = tpu.memref_slice %arg5[%multiple_of3A_564] : memref<1048704xf32, #tpu.memory_space<hbm>> -> memref<16384xf32, #tpu.memory_space<hbm>>
      %dma_start3A_568 = tpu.memref_slice %arg8[%multiple_of3A_562] : memref<33024xf32, #tpu.memory_space<vmem>> -> memref<16384xf32, #tpu.memory_space<vmem>>
      tpu.enqueue_dma source(%dma_start3A_568 : memref<16384xf32, #tpu.memory_space<vmem>>) target(%dma_start3A_567 : memref<16384xf32, #tpu.memory_space<hbm>>) target_semaphore(%arg13 : memref<!tpu.dma_semaphore, #tpu.memory_space<semaphore_mem>>)
      %dma_wait3A_569 = tpu.memref_slice %arg8[%multiple_of3A_562] : memref<33024xf32, #tpu.memory_space<vmem>> -> memref<16384xf32, #tpu.memory_space<vmem>>
      %dma_wait3A_570 = tpu.memref_slice %arg5[%multiple_of3A_564] : memref<1048704xf32, #tpu.memory_space<hbm>> -> memref<16384xf32, #tpu.memory_space<hbm>>
      %dma_wait3A_571 = tpu.memref_slice %arg5[%multiple_of3A_564] : memref<1048704xf32, #tpu.memory_space<hbm>> -> memref<16384xf32, #tpu.memory_space<hbm>>
      %dma_wait3A_572 = tpu.memref_slice %arg8[%multiple_of3A_562] : memref<33024xf32, #tpu.memory_space<vmem>> -> memref<16384xf32, #tpu.memory_space<vmem>>
      tpu.wait_dma2 semaphore(%arg13 : memref<!tpu.dma_semaphore, #tpu.memory_space<semaphore_mem>>) src(%dma_wait3A_572 : memref<16384xf32, #tpu.memory_space<vmem>>) dst(%dma_wait3A_571 : memref<16384xf32, #tpu.memory_space<hbm>>)
    } else {
    }
    %add3A_295 = arith.constant 128 : i32
    %add3A_296 = arith.constant 16384 : i32
    %add3A_297 = arith.addi %add3A_295, %add3A_296 : i32
    %jit3A_298 = arith.constant 128 : i32
    %select_n3A_299 = arith.select %ge3A_290, %add3A_297, %jit3A_298 : i32
    %sub3A_300 = arith.constant 16384 : i32
    %sub3A_301 = arith.subi %mul3A_288, %sub3A_300 : i32
    %select_n3A_302 = arith.select %ge3A_290, %sub3A_301, %mul3A_288 : i32
    %ge3A_303 = arith.constant 16384 : i32
    %ge3A_304 = arith.cmpi sge, %select_n3A_302, %ge3A_303 : i32
    %convert_element_type3A_305 = arith.extui %ge3A_304 : i1 to i32
    %cond3A_306 = arith.constant 0 : i32
    %cond3A_307 = arith.cmpi ne, %convert_element_type3A_305, %cond3A_306 : i32
    scf.if %cond3A_307 {
      %multiple_of3A_562 = tpu.assume_multiple %select_n3A_299, 8 : i32
      %add3A_563 = arith.addi %sub3A_220, %multiple_of3A_562 : i32
      %multiple_of3A_564 = tpu.assume_multiple %add3A_563, 8 : i32
      %dma_start3A_565 = tpu.memref_slice %arg8[%multiple_of3A_562] : memref<33024xf32, #tpu.memory_space<vmem>> -> memref<16384xf32, #tpu.memory_space<vmem>>
      %dma_start3A_566 = tpu.memref_slice %arg5[%multiple_of3A_564] : memref<1048704xf32, #tpu.memory_space<hbm>> -> memref<16384xf32, #tpu.memory_space<hbm>>
      %dma_start3A_567 = tpu.memref_slice %arg5[%multiple_of3A_564] : memref<1048704xf32, #tpu.memory_space<hbm>> -> memref<16384xf32, #tpu.memory_space<hbm>>
      %dma_start3A_568 = tpu.memref_slice %arg8[%multiple_of3A_562] : memref<33024xf32, #tpu.memory_space<vmem>> -> memref<16384xf32, #tpu.memory_space<vmem>>
      tpu.enqueue_dma source(%dma_start3A_568 : memref<16384xf32, #tpu.memory_space<vmem>>) target(%dma_start3A_567 : memref<16384xf32, #tpu.memory_space<hbm>>) target_semaphore(%arg13 : memref<!tpu.dma_semaphore, #tpu.memory_space<semaphore_mem>>)
      %dma_wait3A_569 = tpu.memref_slice %arg8[%multiple_of3A_562] : memref<33024xf32, #tpu.memory_space<vmem>> -> memref<16384xf32, #tpu.memory_space<vmem>>
      %dma_wait3A_570 = tpu.memref_slice %arg5[%multiple_of3A_564] : memref<1048704xf32, #tpu.memory_space<hbm>> -> memref<16384xf32, #tpu.memory_space<hbm>>
      %dma_wait3A_571 = tpu.memref_slice %arg5[%multiple_of3A_564] : memref<1048704xf32, #tpu.memory_space<hbm>> -> memref<16384xf32, #tpu.memory_space<hbm>>
      %dma_wait3A_572 = tpu.memref_slice %arg8[%multiple_of3A_562] : memref<33024xf32, #tpu.memory_space<vmem>> -> memref<16384xf32, #tpu.memory_space<vmem>>
      tpu.wait_dma2 semaphore(%arg13 : memref<!tpu.dma_semaphore, #tpu.memory_space<semaphore_mem>>) src(%dma_wait3A_572 : memref<16384xf32, #tpu.memory_space<vmem>>) dst(%dma_wait3A_571 : memref<16384xf32, #tpu.memory_space<hbm>>)
    } else {
    }
    %add3A_308 = arith.constant 16384 : i32
    %add3A_309 = arith.addi %select_n3A_299, %add3A_308 : i32
    %select_n3A_310 = arith.select %ge3A_304, %add3A_309, %select_n3A_299 : i32
    %sub3A_311 = arith.constant 16384 : i32
    %sub3A_312 = arith.subi %select_n3A_302, %sub3A_311 : i32
    %select_n3A_313 = arith.select %ge3A_304, %sub3A_312, %select_n3A_302 : i32
    %ge3A_314 = arith.constant 8192 : i32
    %ge3A_315 = arith.cmpi sge, %select_n3A_313, %ge3A_314 : i32
    %convert_element_type3A_316 = arith.extui %ge3A_315 : i1 to i32
    %cond3A_317 = arith.constant 0 : i32
    %cond3A_318 = arith.cmpi ne, %convert_element_type3A_316, %cond3A_317 : i32
    scf.if %cond3A_318 {
      %multiple_of3A_562 = tpu.assume_multiple %select_n3A_310, 8 : i32
      %add3A_563 = arith.addi %sub3A_220, %multiple_of3A_562 : i32
      %multiple_of3A_564 = tpu.assume_multiple %add3A_563, 8 : i32
      %dma_start3A_565 = tpu.memref_slice %arg8[%multiple_of3A_562] : memref<33024xf32, #tpu.memory_space<vmem>> -> memref<8192xf32, #tpu.memory_space<vmem>>
      %dma_start3A_566 = tpu.memref_slice %arg5[%multiple_of3A_564] : memref<1048704xf32, #tpu.memory_space<hbm>> -> memref<8192xf32, #tpu.memory_space<hbm>>
      %dma_start3A_567 = tpu.memref_slice %arg5[%multiple_of3A_564] : memref<1048704xf32, #tpu.memory_space<hbm>> -> memref<8192xf32, #tpu.memory_space<hbm>>
      %dma_start3A_568 = tpu.memref_slice %arg8[%multiple_of3A_562] : memref<33024xf32, #tpu.memory_space<vmem>> -> memref<8192xf32, #tpu.memory_space<vmem>>
      tpu.enqueue_dma source(%dma_start3A_568 : memref<8192xf32, #tpu.memory_space<vmem>>) target(%dma_start3A_567 : memref<8192xf32, #tpu.memory_space<hbm>>) target_semaphore(%arg13 : memref<!tpu.dma_semaphore, #tpu.memory_space<semaphore_mem>>)
      %dma_wait3A_569 = tpu.memref_slice %arg8[%multiple_of3A_562] : memref<33024xf32, #tpu.memory_space<vmem>> -> memref<8192xf32, #tpu.memory_space<vmem>>
      %dma_wait3A_570 = tpu.memref_slice %arg5[%multiple_of3A_564] : memref<1048704xf32, #tpu.memory_space<hbm>> -> memref<8192xf32, #tpu.memory_space<hbm>>
      %dma_wait3A_571 = tpu.memref_slice %arg5[%multiple_of3A_564] : memref<1048704xf32, #tpu.memory_space<hbm>> -> memref<8192xf32, #tpu.memory_space<hbm>>
      %dma_wait3A_572 = tpu.memref_slice %arg8[%multiple_of3A_562] : memref<33024xf32, #tpu.memory_space<vmem>> -> memref<8192xf32, #tpu.memory_space<vmem>>
      tpu.wait_dma2 semaphore(%arg13 : memref<!tpu.dma_semaphore, #tpu.memory_space<semaphore_mem>>) src(%dma_wait3A_572 : memref<8192xf32, #tpu.memory_space<vmem>>) dst(%dma_wait3A_571 : memref<8192xf32, #tpu.memory_space<hbm>>)
    } else {
    }
    %add3A_319 = arith.constant 8192 : i32
    %add3A_320 = arith.addi %select_n3A_310, %add3A_319 : i32
    %select_n3A_321 = arith.select %ge3A_315, %add3A_320, %select_n3A_310 : i32
    %sub3A_322 = arith.constant 8192 : i32
    %sub3A_323 = arith.subi %select_n3A_313, %sub3A_322 : i32
    %select_n3A_324 = arith.select %ge3A_315, %sub3A_323, %select_n3A_313 : i32
    %ge3A_325 = arith.constant 4096 : i32
    %ge3A_326 = arith.cmpi sge, %select_n3A_324, %ge3A_325 : i32
    %convert_element_type3A_327 = arith.extui %ge3A_326 : i1 to i32
    %cond3A_328 = arith.constant 0 : i32
    %cond3A_329 = arith.cmpi ne, %convert_element_type3A_327, %cond3A_328 : i32
    scf.if %cond3A_329 {
      %multiple_of3A_562 = tpu.assume_multiple %select_n3A_321, 8 : i32
      %add3A_563 = arith.addi %sub3A_220, %multiple_of3A_562 : i32
      %multiple_of3A_564 = tpu.assume_multiple %add3A_563, 8 : i32
      %dma_start3A_565 = tpu.memref_slice %arg8[%multiple_of3A_562] : memref<33024xf32, #tpu.memory_space<vmem>> -> memref<4096xf32, #tpu.memory_space<vmem>>
      %dma_start3A_566 = tpu.memref_slice %arg5[%multiple_of3A_564] : memref<1048704xf32, #tpu.memory_space<hbm>> -> memref<4096xf32, #tpu.memory_space<hbm>>
      %dma_start3A_567 = tpu.memref_slice %arg5[%multiple_of3A_564] : memref<1048704xf32, #tpu.memory_space<hbm>> -> memref<4096xf32, #tpu.memory_space<hbm>>
      %dma_start3A_568 = tpu.memref_slice %arg8[%multiple_of3A_562] : memref<33024xf32, #tpu.memory_space<vmem>> -> memref<4096xf32, #tpu.memory_space<vmem>>
      tpu.enqueue_dma source(%dma_start3A_568 : memref<4096xf32, #tpu.memory_space<vmem>>) target(%dma_start3A_567 : memref<4096xf32, #tpu.memory_space<hbm>>) target_semaphore(%arg13 : memref<!tpu.dma_semaphore, #tpu.memory_space<semaphore_mem>>)
      %dma_wait3A_569 = tpu.memref_slice %arg8[%multiple_of3A_562] : memref<33024xf32, #tpu.memory_space<vmem>> -> memref<4096xf32, #tpu.memory_space<vmem>>
      %dma_wait3A_570 = tpu.memref_slice %arg5[%multiple_of3A_564] : memref<1048704xf32, #tpu.memory_space<hbm>> -> memref<4096xf32, #tpu.memory_space<hbm>>
      %dma_wait3A_571 = tpu.memref_slice %arg5[%multiple_of3A_564] : memref<1048704xf32, #tpu.memory_space<hbm>> -> memref<4096xf32, #tpu.memory_space<hbm>>
      %dma_wait3A_572 = tpu.memref_slice %arg8[%multiple_of3A_562] : memref<33024xf32, #tpu.memory_space<vmem>> -> memref<4096xf32, #tpu.memory_space<vmem>>
      tpu.wait_dma2 semaphore(%arg13 : memref<!tpu.dma_semaphore, #tpu.memory_space<semaphore_mem>>) src(%dma_wait3A_572 : memref<4096xf32, #tpu.memory_space<vmem>>) dst(%dma_wait3A_571 : memref<4096xf32, #tpu.memory_space<hbm>>)
    } else {
    }
    %add3A_330 = arith.constant 4096 : i32
    %add3A_331 = arith.addi %select_n3A_321, %add3A_330 : i32
    %select_n3A_332 = arith.select %ge3A_326, %add3A_331, %select_n3A_321 : i32
    %sub3A_333 = arith.constant 4096 : i32
    %sub3A_334 = arith.subi %select_n3A_324, %sub3A_333 : i32
    %select_n3A_335 = arith.select %ge3A_326, %sub3A_334, %select_n3A_324 : i32
    %ge3A_336 = arith.constant 2048 : i32
    %ge3A_337 = arith.cmpi sge, %select_n3A_335, %ge3A_336 : i32
    %convert_element_type3A_338 = arith.extui %ge3A_337 : i1 to i32
    %cond3A_339 = arith.constant 0 : i32
    %cond3A_340 = arith.cmpi ne, %convert_element_type3A_338, %cond3A_339 : i32
    scf.if %cond3A_340 {
      %multiple_of3A_562 = tpu.assume_multiple %select_n3A_332, 8 : i32
      %add3A_563 = arith.addi %sub3A_220, %multiple_of3A_562 : i32
      %multiple_of3A_564 = tpu.assume_multiple %add3A_563, 8 : i32
      %dma_start3A_565 = tpu.memref_slice %arg8[%multiple_of3A_562] : memref<33024xf32, #tpu.memory_space<vmem>> -> memref<2048xf32, #tpu.memory_space<vmem>>
      %dma_start3A_566 = tpu.memref_slice %arg5[%multiple_of3A_564] : memref<1048704xf32, #tpu.memory_space<hbm>> -> memref<2048xf32, #tpu.memory_space<hbm>>
      %dma_start3A_567 = tpu.memref_slice %arg5[%multiple_of3A_564] : memref<1048704xf32, #tpu.memory_space<hbm>> -> memref<2048xf32, #tpu.memory_space<hbm>>
      %dma_start3A_568 = tpu.memref_slice %arg8[%multiple_of3A_562] : memref<33024xf32, #tpu.memory_space<vmem>> -> memref<2048xf32, #tpu.memory_space<vmem>>
      tpu.enqueue_dma source(%dma_start3A_568 : memref<2048xf32, #tpu.memory_space<vmem>>) target(%dma_start3A_567 : memref<2048xf32, #tpu.memory_space<hbm>>) target_semaphore(%arg13 : memref<!tpu.dma_semaphore, #tpu.memory_space<semaphore_mem>>)
      %dma_wait3A_569 = tpu.memref_slice %arg8[%multiple_of3A_562] : memref<33024xf32, #tpu.memory_space<vmem>> -> memref<2048xf32, #tpu.memory_space<vmem>>
      %dma_wait3A_570 = tpu.memref_slice %arg5[%multiple_of3A_564] : memref<1048704xf32, #tpu.memory_space<hbm>> -> memref<2048xf32, #tpu.memory_space<hbm>>
      %dma_wait3A_571 = tpu.memref_slice %arg5[%multiple_of3A_564] : memref<1048704xf32, #tpu.memory_space<hbm>> -> memref<2048xf32, #tpu.memory_space<hbm>>
      %dma_wait3A_572 = tpu.memref_slice %arg8[%multiple_of3A_562] : memref<33024xf32, #tpu.memory_space<vmem>> -> memref<2048xf32, #tpu.memory_space<vmem>>
      tpu.wait_dma2 semaphore(%arg13 : memref<!tpu.dma_semaphore, #tpu.memory_space<semaphore_mem>>) src(%dma_wait3A_572 : memref<2048xf32, #tpu.memory_space<vmem>>) dst(%dma_wait3A_571 : memref<2048xf32, #tpu.memory_space<hbm>>)
    } else {
    }
    %add3A_341 = arith.constant 2048 : i32
    %add3A_342 = arith.addi %select_n3A_332, %add3A_341 : i32
    %select_n3A_343 = arith.select %ge3A_337, %add3A_342, %select_n3A_332 : i32
    %sub3A_344 = arith.constant 2048 : i32
    %sub3A_345 = arith.subi %select_n3A_335, %sub3A_344 : i32
    %select_n3A_346 = arith.select %ge3A_337, %sub3A_345, %select_n3A_335 : i32
    %ge3A_347 = arith.constant 1024 : i32
    %ge3A_348 = arith.cmpi sge, %select_n3A_346, %ge3A_347 : i32
    %convert_element_type3A_349 = arith.extui %ge3A_348 : i1 to i32
    %cond3A_350 = arith.constant 0 : i32
    %cond3A_351 = arith.cmpi ne, %convert_element_type3A_349, %cond3A_350 : i32
    scf.if %cond3A_351 {
      %multiple_of3A_562 = tpu.assume_multiple %select_n3A_343, 8 : i32
      %add3A_563 = arith.addi %sub3A_220, %multiple_of3A_562 : i32
      %multiple_of3A_564 = tpu.assume_multiple %add3A_563, 8 : i32
      %dma_start3A_565 = tpu.memref_slice %arg8[%multiple_of3A_562] : memref<33024xf32, #tpu.memory_space<vmem>> -> memref<1024xf32, #tpu.memory_space<vmem>>
      %dma_start3A_566 = tpu.memref_slice %arg5[%multiple_of3A_564] : memref<1048704xf32, #tpu.memory_space<hbm>> -> memref<1024xf32, #tpu.memory_space<hbm>>
      %dma_start3A_567 = tpu.memref_slice %arg5[%multiple_of3A_564] : memref<1048704xf32, #tpu.memory_space<hbm>> -> memref<1024xf32, #tpu.memory_space<hbm>>
      %dma_start3A_568 = tpu.memref_slice %arg8[%multiple_of3A_562] : memref<33024xf32, #tpu.memory_space<vmem>> -> memref<1024xf32, #tpu.memory_space<vmem>>
      tpu.enqueue_dma source(%dma_start3A_568 : memref<1024xf32, #tpu.memory_space<vmem>>) target(%dma_start3A_567 : memref<1024xf32, #tpu.memory_space<hbm>>) target_semaphore(%arg13 : memref<!tpu.dma_semaphore, #tpu.memory_space<semaphore_mem>>)
      %dma_wait3A_569 = tpu.memref_slice %arg8[%multiple_of3A_562] : memref<33024xf32, #tpu.memory_space<vmem>> -> memref<1024xf32, #tpu.memory_space<vmem>>
      %dma_wait3A_570 = tpu.memref_slice %arg5[%multiple_of3A_564] : memref<1048704xf32, #tpu.memory_space<hbm>> -> memref<1024xf32, #tpu.memory_space<hbm>>
      %dma_wait3A_571 = tpu.memref_slice %arg5[%multiple_of3A_564] : memref<1048704xf32, #tpu.memory_space<hbm>> -> memref<1024xf32, #tpu.memory_space<hbm>>
      %dma_wait3A_572 = tpu.memref_slice %arg8[%multiple_of3A_562] : memref<33024xf32, #tpu.memory_space<vmem>> -> memref<1024xf32, #tpu.memory_space<vmem>>
      tpu.wait_dma2 semaphore(%arg13 : memref<!tpu.dma_semaphore, #tpu.memory_space<semaphore_mem>>) src(%dma_wait3A_572 : memref<1024xf32, #tpu.memory_space<vmem>>) dst(%dma_wait3A_571 : memref<1024xf32, #tpu.memory_space<hbm>>)
    } else {
    }
    %add3A_352 = arith.constant 1024 : i32
    %add3A_353 = arith.addi %select_n3A_343, %add3A_352 : i32
    %select_n3A_354 = arith.select %ge3A_348, %add3A_353, %select_n3A_343 : i32
    %sub3A_355 = arith.constant 1024 : i32
    %sub3A_356 = arith.subi %select_n3A_346, %sub3A_355 : i32
    %select_n3A_357 = arith.select %ge3A_348, %sub3A_356, %select_n3A_346 : i32
    %ge3A_358 = arith.constant 512 : i32
    %ge3A_359 = arith.cmpi sge, %select_n3A_357, %ge3A_358 : i32
    %convert_element_type3A_360 = arith.extui %ge3A_359 : i1 to i32
    %cond3A_361 = arith.constant 0 : i32
    %cond3A_362 = arith.cmpi ne, %convert_element_type3A_360, %cond3A_361 : i32
    scf.if %cond3A_362 {
      %multiple_of3A_562 = tpu.assume_multiple %select_n3A_354, 8 : i32
      %add3A_563 = arith.addi %sub3A_220, %multiple_of3A_562 : i32
      %multiple_of3A_564 = tpu.assume_multiple %add3A_563, 8 : i32
      %dma_start3A_565 = tpu.memref_slice %arg8[%multiple_of3A_562] : memref<33024xf32, #tpu.memory_space<vmem>> -> memref<512xf32, #tpu.memory_space<vmem>>
      %dma_start3A_566 = tpu.memref_slice %arg5[%multiple_of3A_564] : memref<1048704xf32, #tpu.memory_space<hbm>> -> memref<512xf32, #tpu.memory_space<hbm>>
      %dma_start3A_567 = tpu.memref_slice %arg5[%multiple_of3A_564] : memref<1048704xf32, #tpu.memory_space<hbm>> -> memref<512xf32, #tpu.memory_space<hbm>>
      %dma_start3A_568 = tpu.memref_slice %arg8[%multiple_of3A_562] : memref<33024xf32, #tpu.memory_space<vmem>> -> memref<512xf32, #tpu.memory_space<vmem>>
      tpu.enqueue_dma source(%dma_start3A_568 : memref<512xf32, #tpu.memory_space<vmem>>) target(%dma_start3A_567 : memref<512xf32, #tpu.memory_space<hbm>>) target_semaphore(%arg13 : memref<!tpu.dma_semaphore, #tpu.memory_space<semaphore_mem>>)
      %dma_wait3A_569 = tpu.memref_slice %arg8[%multiple_of3A_562] : memref<33024xf32, #tpu.memory_space<vmem>> -> memref<512xf32, #tpu.memory_space<vmem>>
      %dma_wait3A_570 = tpu.memref_slice %arg5[%multiple_of3A_564] : memref<1048704xf32, #tpu.memory_space<hbm>> -> memref<512xf32, #tpu.memory_space<hbm>>
      %dma_wait3A_571 = tpu.memref_slice %arg5[%multiple_of3A_564] : memref<1048704xf32, #tpu.memory_space<hbm>> -> memref<512xf32, #tpu.memory_space<hbm>>
      %dma_wait3A_572 = tpu.memref_slice %arg8[%multiple_of3A_562] : memref<33024xf32, #tpu.memory_space<vmem>> -> memref<512xf32, #tpu.memory_space<vmem>>
      tpu.wait_dma2 semaphore(%arg13 : memref<!tpu.dma_semaphore, #tpu.memory_space<semaphore_mem>>) src(%dma_wait3A_572 : memref<512xf32, #tpu.memory_space<vmem>>) dst(%dma_wait3A_571 : memref<512xf32, #tpu.memory_space<hbm>>)
    } else {
    }
    %add3A_363 = arith.constant 512 : i32
    %add3A_364 = arith.addi %select_n3A_354, %add3A_363 : i32
    %select_n3A_365 = arith.select %ge3A_359, %add3A_364, %select_n3A_354 : i32
    %sub3A_366 = arith.constant 512 : i32
    %sub3A_367 = arith.subi %select_n3A_357, %sub3A_366 : i32
    %select_n3A_368 = arith.select %ge3A_359, %sub3A_367, %select_n3A_357 : i32
    %ge3A_369 = arith.constant 256 : i32
    %ge3A_370 = arith.cmpi sge, %select_n3A_368, %ge3A_369 : i32
    %convert_element_type3A_371 = arith.extui %ge3A_370 : i1 to i32
    %cond3A_372 = arith.constant 0 : i32
    %cond3A_373 = arith.cmpi ne, %convert_element_type3A_371, %cond3A_372 : i32
    scf.if %cond3A_373 {
      %multiple_of3A_562 = tpu.assume_multiple %select_n3A_365, 8 : i32
      %add3A_563 = arith.addi %sub3A_220, %multiple_of3A_562 : i32
      %multiple_of3A_564 = tpu.assume_multiple %add3A_563, 8 : i32
      %dma_start3A_565 = tpu.memref_slice %arg8[%multiple_of3A_562] : memref<33024xf32, #tpu.memory_space<vmem>> -> memref<256xf32, #tpu.memory_space<vmem>>
      %dma_start3A_566 = tpu.memref_slice %arg5[%multiple_of3A_564] : memref<1048704xf32, #tpu.memory_space<hbm>> -> memref<256xf32, #tpu.memory_space<hbm>>
      %dma_start3A_567 = tpu.memref_slice %arg5[%multiple_of3A_564] : memref<1048704xf32, #tpu.memory_space<hbm>> -> memref<256xf32, #tpu.memory_space<hbm>>
      %dma_start3A_568 = tpu.memref_slice %arg8[%multiple_of3A_562] : memref<33024xf32, #tpu.memory_space<vmem>> -> memref<256xf32, #tpu.memory_space<vmem>>
      tpu.enqueue_dma source(%dma_start3A_568 : memref<256xf32, #tpu.memory_space<vmem>>) target(%dma_start3A_567 : memref<256xf32, #tpu.memory_space<hbm>>) target_semaphore(%arg13 : memref<!tpu.dma_semaphore, #tpu.memory_space<semaphore_mem>>)
      %dma_wait3A_569 = tpu.memref_slice %arg8[%multiple_of3A_562] : memref<33024xf32, #tpu.memory_space<vmem>> -> memref<256xf32, #tpu.memory_space<vmem>>
      %dma_wait3A_570 = tpu.memref_slice %arg5[%multiple_of3A_564] : memref<1048704xf32, #tpu.memory_space<hbm>> -> memref<256xf32, #tpu.memory_space<hbm>>
      %dma_wait3A_571 = tpu.memref_slice %arg5[%multiple_of3A_564] : memref<1048704xf32, #tpu.memory_space<hbm>> -> memref<256xf32, #tpu.memory_space<hbm>>
      %dma_wait3A_572 = tpu.memref_slice %arg8[%multiple_of3A_562] : memref<33024xf32, #tpu.memory_space<vmem>> -> memref<256xf32, #tpu.memory_space<vmem>>
      tpu.wait_dma2 semaphore(%arg13 : memref<!tpu.dma_semaphore, #tpu.memory_space<semaphore_mem>>) src(%dma_wait3A_572 : memref<256xf32, #tpu.memory_space<vmem>>) dst(%dma_wait3A_571 : memref<256xf32, #tpu.memory_space<hbm>>)
    } else {
    }
    %add3A_374 = arith.constant 256 : i32
    %add3A_375 = arith.addi %select_n3A_365, %add3A_374 : i32
    %select_n3A_376 = arith.select %ge3A_370, %add3A_375, %select_n3A_365 : i32
    %sub3A_377 = arith.constant 256 : i32
    %sub3A_378 = arith.subi %select_n3A_368, %sub3A_377 : i32
    %select_n3A_379 = arith.select %ge3A_370, %sub3A_378, %select_n3A_368 : i32
    %ge3A_380 = arith.constant 128 : i32
    %ge3A_381 = arith.cmpi sge, %select_n3A_379, %ge3A_380 : i32
    %convert_element_type3A_382 = arith.extui %ge3A_381 : i1 to i32
    %cond3A_383 = arith.constant 0 : i32
    %cond3A_384 = arith.cmpi ne, %convert_element_type3A_382, %cond3A_383 : i32
    scf.if %cond3A_384 {
      %multiple_of3A_562 = tpu.assume_multiple %select_n3A_376, 8 : i32
      %add3A_563 = arith.addi %sub3A_220, %multiple_of3A_562 : i32
      %multiple_of3A_564 = tpu.assume_multiple %add3A_563, 8 : i32
      %dma_start3A_565 = tpu.memref_slice %arg8[%multiple_of3A_562] : memref<33024xf32, #tpu.memory_space<vmem>> -> memref<128xf32, #tpu.memory_space<vmem>>
      %dma_start3A_566 = tpu.memref_slice %arg5[%multiple_of3A_564] : memref<1048704xf32, #tpu.memory_space<hbm>> -> memref<128xf32, #tpu.memory_space<hbm>>
      %dma_start3A_567 = tpu.memref_slice %arg5[%multiple_of3A_564] : memref<1048704xf32, #tpu.memory_space<hbm>> -> memref<128xf32, #tpu.memory_space<hbm>>
      %dma_start3A_568 = tpu.memref_slice %arg8[%multiple_of3A_562] : memref<33024xf32, #tpu.memory_space<vmem>> -> memref<128xf32, #tpu.memory_space<vmem>>
      tpu.enqueue_dma source(%dma_start3A_568 : memref<128xf32, #tpu.memory_space<vmem>>) target(%dma_start3A_567 : memref<128xf32, #tpu.memory_space<hbm>>) target_semaphore(%arg13 : memref<!tpu.dma_semaphore, #tpu.memory_space<semaphore_mem>>)
      %dma_wait3A_569 = tpu.memref_slice %arg8[%multiple_of3A_562] : memref<33024xf32, #tpu.memory_space<vmem>> -> memref<128xf32, #tpu.memory_space<vmem>>
      %dma_wait3A_570 = tpu.memref_slice %arg5[%multiple_of3A_564] : memref<1048704xf32, #tpu.memory_space<hbm>> -> memref<128xf32, #tpu.memory_space<hbm>>
      %dma_wait3A_571 = tpu.memref_slice %arg5[%multiple_of3A_564] : memref<1048704xf32, #tpu.memory_space<hbm>> -> memref<128xf32, #tpu.memory_space<hbm>>
      %dma_wait3A_572 = tpu.memref_slice %arg8[%multiple_of3A_562] : memref<33024xf32, #tpu.memory_space<vmem>> -> memref<128xf32, #tpu.memory_space<vmem>>
      tpu.wait_dma2 semaphore(%arg13 : memref<!tpu.dma_semaphore, #tpu.memory_space<semaphore_mem>>) src(%dma_wait3A_572 : memref<128xf32, #tpu.memory_space<vmem>>) dst(%dma_wait3A_571 : memref<128xf32, #tpu.memory_space<hbm>>)
    } else {
    }
    %add3A_385 = arith.constant 128 : i32
    %add3A_386 = arith.addi %select_n3A_376, %add3A_385 : i32
    %select_n3A_387 = arith.select %ge3A_381, %add3A_386, %select_n3A_376 : i32
    %sub3A_388 = arith.constant 128 : i32
    %sub3A_389 = arith.subi %select_n3A_379, %sub3A_388 : i32
    %select_n3A_390 = arith.select %ge3A_381, %sub3A_389, %select_n3A_379 : i32
    %sub3A_391 = arith.subi %add3A_48, %and3A_53 : i32
    %min3A_392 = arith.constant 128 : i32
    %min3A_393 = arith.minsi %scan3A_57#2, %min3A_392 : i32
    %shift_right_arithmetic3A_394 = arith.constant 7 : i32
    %shift_right_arithmetic3A_395 = arith.shrsi %scan3A_57#2, %shift_right_arithmetic3A_394 : i32
    %mul3A_396 = arith.constant 128 : i32
    %mul3A_397 = arith.muli %shift_right_arithmetic3A_395, %mul3A_396 : i32
    %gt3A_398 = arith.constant 0 : i32
    %gt3A_399 = arith.cmpi sgt, %shift_right_arithmetic3A_395, %gt3A_398 : i32
    %jit3A_400 = arith.constant 0 : i32
    %jit3A_401 = arith.constant 128 : i32
    %select_n3A_402 = arith.select %gt3A_399, %jit3A_400, %jit3A_401 : i32
    %gt3A_403 = arith.constant 0 : i32
    %gt3A_404 = arith.cmpi sgt, %shift_right_arithmetic3A_395, %gt3A_403 : i32
    %sub3A_405 = arith.subi %scan3A_57#2, %mul3A_397 : i32
    %jit3A_406 = arith.constant 0 : i32
    %select_n3A_407 = arith.select %gt3A_404, %sub3A_405, %jit3A_406 : i32
    %scan3A_408 = arith.constant 0 : i32
    %scan3A_409 = arith.constant 0 : i32
    %scan3A_410 = arith.constant 8 : i32
    %scan3A_411 = arith.addi %scan3A_409, %scan3A_410 : i32
    %scan3A_412 = arith.constant 1 : i32
    %scan3A_413 = scf.for %scan3A_562 = %scan3A_409 to %scan3A_411 step %scan3A_412 iter_args(%scan3A_563 = %scan3A_408) -> (i32)  : i32 {
      %mul3A_564 = arith.constant 16 : i32
      %mul3A_565 = arith.muli %scan3A_562, %mul3A_564 : i32
      %add3A_566 = vector.broadcast %mul3A_565 : i32 to vector<16xi32>
      %add3A_567 = arith.addi %add3A_566, %iota3A : vector<16xi32>
      %ge3A_568 = vector.broadcast %and3A_53 : i32 to vector<16xi32>
      %ge3A_569 = arith.cmpi sge, %add3A_567, %ge3A_568 : vector<16xi32>
      %lt3A = vector.broadcast %min3A_393 : i32 to vector<16xi32>
      %lt3A_570 = arith.cmpi slt, %add3A_567, %lt3A : vector<16xi32>
      %and3A_571 = arith.andi %ge3A_569, %lt3A_570 : vector<16xi1>
      %add3A_572 = vector.broadcast %sub3A_391 : i32 to vector<16xi32>
      %add3A_573 = arith.addi %add3A_572, %add3A_567 : vector<16xi32>
      %add3A_574 = arith.constant 1048576 : i32
      %add3A_575 = vector.broadcast %add3A_574 : i32 to vector<16xi32>
      %add3A_576 = arith.addi %add3A_575, %add3A_567 : vector<16xi32>
      %select_n3A_577 = arith.select %and3A_571, %add3A_573, %add3A_576 : vector<16xi1>, vector<16xi32>
      %add3A_578 = arith.constant 4 : i32
      %add3A_579 = vector.broadcast %add3A_578 : i32 to vector<16xi32>
      %add3A_580 = arith.addi %mul3A_3, %add3A_579 : vector<16xi32>
      tpu.vector_store_idx %arg10[%add3A_580, %add3A_567], %select_n3A_577 : memref<6x128xi32, #tpu.memory_space<vmem>>[vector<16xi32>, vector<16xi32>], vector<16xi32>,
      %scan3A_581 = arith.constant 0 : i32
      scf.yield %scan3A_581 : i32
    }
    %scan3A_414 = arith.constant 8 : i32
    %add3A_415 = arith.addi %sub3A_391, %mul3A_397 : i32
    %scan3A_416 = arith.constant 0 : i32
    %scan3A_417 = arith.constant 0 : i32
    %scan3A_418 = arith.constant 8 : i32
    %scan3A_419 = arith.addi %scan3A_417, %scan3A_418 : i32
    %scan3A_420 = arith.constant 1 : i32
    %scan3A_421 = scf.for %scan3A_562 = %scan3A_417 to %scan3A_419 step %scan3A_420 iter_args(%scan3A_563 = %scan3A_416) -> (i32)  : i32 {
      %mul3A_564 = arith.constant 16 : i32
      %mul3A_565 = arith.muli %scan3A_562, %mul3A_564 : i32
      %add3A_566 = vector.broadcast %mul3A_565 : i32 to vector<16xi32>
      %add3A_567 = arith.addi %add3A_566, %iota3A : vector<16xi32>
      %ge3A_568 = vector.broadcast %select_n3A_402 : i32 to vector<16xi32>
      %ge3A_569 = arith.cmpi sge, %add3A_567, %ge3A_568 : vector<16xi32>
      %lt3A = vector.broadcast %select_n3A_407 : i32 to vector<16xi32>
      %lt3A_570 = arith.cmpi slt, %add3A_567, %lt3A : vector<16xi32>
      %and3A_571 = arith.andi %ge3A_569, %lt3A_570 : vector<16xi1>
      %add3A_572 = vector.broadcast %add3A_415 : i32 to vector<16xi32>
      %add3A_573 = arith.addi %add3A_572, %add3A_567 : vector<16xi32>
      %add3A_574 = arith.constant 1048576 : i32
      %add3A_575 = vector.broadcast %add3A_574 : i32 to vector<16xi32>
      %add3A_576 = arith.addi %add3A_575, %add3A_567 : vector<16xi32>
      %select_n3A_577 = arith.select %and3A_571, %add3A_573, %add3A_576 : vector<16xi1>, vector<16xi32>
      %add3A_578 = arith.constant 5 : i32
      %add3A_579 = vector.broadcast %add3A_578 : i32 to vector<16xi32>
      %add3A_580 = arith.addi %mul3A_3, %add3A_579 : vector<16xi32>
      tpu.vector_store_idx %arg10[%add3A_580, %add3A_567], %select_n3A_577 : memref<6x128xi32, #tpu.memory_space<vmem>>[vector<16xi32>, vector<16xi32>], vector<16xi32>,
      %scan3A_581 = arith.constant 0 : i32
      scf.yield %scan3A_581 : i32
    }
    %scan3A_422 = arith.constant 8 : i32
    %dma_start3A_423 = arith.constant 4 : i32
    %dma_start3A_424 = arith.constant 0 : i32
    %dma_start3A_425 = tpu.memref_slice %arg9[%dma_start3A_424] : memref<33024xf32, #tpu.memory_space<vmem>> -> memref<128xf32, #tpu.memory_space<vmem>>
    %dma_start3A_426 = arith.constant 0 : i32
    %dma_start3A_427 = tpu.memref_slice %arg10[%dma_start3A_423, %dma_start3A_426] : memref<6x128xi32, #tpu.memory_space<vmem>> -> memref<1x128xi32, #tpu.memory_space<vmem>>
    %dma_start3A_428 = tpu.memref_squeeze %dma_start3A_427 : memref<1x128xi32, #tpu.memory_space<vmem>> -> memref<128xi32, #tpu.memory_space<vmem>>
    %dma_start3A_429 = arith.constant 0 : i32
    %dma_start3A_430 = tpu.memref_slice %arg5[%dma_start3A_429] : memref<1048704xf32, #tpu.memory_space<hbm>> -> memref<1048704xf32, #tpu.memory_space<hbm>>
    tpu.enqueue_indirect_dma source(%dma_start3A_425 : memref<128xf32, #tpu.memory_space<vmem>>) target(%dma_start3A_430 : memref<1048704xf32, #tpu.memory_space<hbm>>) offsets(%dma_start3A_428 : memref<128xi32, #tpu.memory_space<vmem>>) semaphore(%arg13 : memref<!tpu.dma_semaphore, #tpu.memory_space<semaphore_mem>>)
    %multiple_of3A_431 = tpu.assume_multiple %mul3A_397, 8 : i32
    %dma_start3A_432 = arith.constant 5 : i32
    %dma_start3A_433 = tpu.memref_slice %arg9[%multiple_of3A_431] : memref<33024xf32, #tpu.memory_space<vmem>> -> memref<128xf32, #tpu.memory_space<vmem>>
    %dma_start3A_434 = arith.constant 0 : i32
    %dma_start3A_435 = tpu.memref_slice %arg10[%dma_start3A_432, %dma_start3A_434] : memref<6x128xi32, #tpu.memory_space<vmem>> -> memref<1x128xi32, #tpu.memory_space<vmem>>
    %dma_start3A_436 = tpu.memref_squeeze %dma_start3A_435 : memref<1x128xi32, #tpu.memory_space<vmem>> -> memref<128xi32, #tpu.memory_space<vmem>>
    %dma_start3A_437 = arith.constant 0 : i32
    %dma_start3A_438 = tpu.memref_slice %arg5[%dma_start3A_437] : memref<1048704xf32, #tpu.memory_space<hbm>> -> memref<1048704xf32, #tpu.memory_space<hbm>>
    tpu.enqueue_indirect_dma source(%dma_start3A_433 : memref<128xf32, #tpu.memory_space<vmem>>) target(%dma_start3A_438 : memref<1048704xf32, #tpu.memory_space<hbm>>) offsets(%dma_start3A_436 : memref<128xi32, #tpu.memory_space<vmem>>) semaphore(%arg13 : memref<!tpu.dma_semaphore, #tpu.memory_space<semaphore_mem>>)
    %dma_wait3A_439 = arith.constant 4 : i32
    %dma_wait3A_440 = arith.constant 0 : i32
    %dma_wait3A_441 = tpu.memref_slice %arg9[%dma_wait3A_440] : memref<33024xf32, #tpu.memory_space<vmem>> -> memref<128xf32, #tpu.memory_space<vmem>>
    %dma_wait3A_442 = arith.constant 0 : i32
    %dma_wait3A_443 = tpu.memref_slice %arg10[%dma_wait3A_439, %dma_wait3A_442] : memref<6x128xi32, #tpu.memory_space<vmem>> -> memref<1x128xi32, #tpu.memory_space<vmem>>
    %dma_wait3A_444 = tpu.memref_squeeze %dma_wait3A_443 : memref<1x128xi32, #tpu.memory_space<vmem>> -> memref<128xi32, #tpu.memory_space<vmem>>
    %dma_wait3A_445 = arith.constant 0 : i32
    %dma_wait3A_446 = tpu.memref_slice %arg5[%dma_wait3A_445] : memref<1048704xf32, #tpu.memory_space<hbm>> -> memref<1048704xf32, #tpu.memory_space<hbm>>
    tpu.wait_indirect_dma semaphore(%arg13 : memref<!tpu.dma_semaphore, #tpu.memory_space<semaphore_mem>>) src(%dma_wait3A_441 : memref<128xf32, #tpu.memory_space<vmem>>) dst(%dma_wait3A_446 : memref<1048704xf32, #tpu.memory_space<hbm>>)
    %dma_wait3A_447 = arith.constant 5 : i32
    %dma_wait3A_448 = tpu.memref_slice %arg9[%multiple_of3A_431] : memref<33024xf32, #tpu.memory_space<vmem>> -> memref<128xf32, #tpu.memory_space<vmem>>
    %dma_wait3A_449 = arith.constant 0 : i32
    %dma_wait3A_450 = tpu.memref_slice %arg10[%dma_wait3A_447, %dma_wait3A_449] : memref<6x128xi32, #tpu.memory_space<vmem>> -> memref<1x128xi32, #tpu.memory_space<vmem>>
    %dma_wait3A_451 = tpu.memref_squeeze %dma_wait3A_450 : memref<1x128xi32, #tpu.memory_space<vmem>> -> memref<128xi32, #tpu.memory_space<vmem>>
    %dma_wait3A_452 = arith.constant 0 : i32
    %dma_wait3A_453 = tpu.memref_slice %arg5[%dma_wait3A_452] : memref<1048704xf32, #tpu.memory_space<hbm>> -> memref<1048704xf32, #tpu.memory_space<hbm>>
    tpu.wait_indirect_dma semaphore(%arg13 : memref<!tpu.dma_semaphore, #tpu.memory_space<semaphore_mem>>) src(%dma_wait3A_448 : memref<128xf32, #tpu.memory_space<vmem>>) dst(%dma_wait3A_453 : memref<1048704xf32, #tpu.memory_space<hbm>>)
    %sub3A_454 = arith.constant 1 : i32
    %sub3A_455 = arith.subi %shift_right_arithmetic3A_395, %sub3A_454 : i32
    %max3A_456 = arith.constant 0 : i32
    %max3A_457 = arith.maxsi %sub3A_455, %max3A_456 : i32
    %mul3A_458 = arith.constant 128 : i32
    %mul3A_459 = arith.muli %max3A_457, %mul3A_458 : i32
    %ge3A_460 = arith.constant 16384 : i32
    %ge3A_461 = arith.cmpi sge, %mul3A_459, %ge3A_460 : i32
    %convert_element_type3A_462 = arith.extui %ge3A_461 : i1 to i32
    %cond3A_463 = arith.constant 128 : i32
    %cond3A_464 = arith.constant 0 : i32
    %cond3A_465 = arith.cmpi ne, %convert_element_type3A_462, %cond3A_464 : i32
    scf.if %cond3A_465 {
      %multiple_of3A_562 = tpu.assume_multiple %cond3A_463, 8 : i32
      %add3A_563 = arith.addi %sub3A_391, %multiple_of3A_562 : i32
      %multiple_of3A_564 = tpu.assume_multiple %add3A_563, 8 : i32
      %dma_start3A_565 = tpu.memref_slice %arg9[%multiple_of3A_562] : memref<33024xf32, #tpu.memory_space<vmem>> -> memref<16384xf32, #tpu.memory_space<vmem>>
      %dma_start3A_566 = tpu.memref_slice %arg5[%multiple_of3A_564] : memref<1048704xf32, #tpu.memory_space<hbm>> -> memref<16384xf32, #tpu.memory_space<hbm>>
      %dma_start3A_567 = tpu.memref_slice %arg5[%multiple_of3A_564] : memref<1048704xf32, #tpu.memory_space<hbm>> -> memref<16384xf32, #tpu.memory_space<hbm>>
      %dma_start3A_568 = tpu.memref_slice %arg9[%multiple_of3A_562] : memref<33024xf32, #tpu.memory_space<vmem>> -> memref<16384xf32, #tpu.memory_space<vmem>>
      tpu.enqueue_dma source(%dma_start3A_568 : memref<16384xf32, #tpu.memory_space<vmem>>) target(%dma_start3A_567 : memref<16384xf32, #tpu.memory_space<hbm>>) target_semaphore(%arg13 : memref<!tpu.dma_semaphore, #tpu.memory_space<semaphore_mem>>)
      %dma_wait3A_569 = tpu.memref_slice %arg9[%multiple_of3A_562] : memref<33024xf32, #tpu.memory_space<vmem>> -> memref<16384xf32, #tpu.memory_space<vmem>>
      %dma_wait3A_570 = tpu.memref_slice %arg5[%multiple_of3A_564] : memref<1048704xf32, #tpu.memory_space<hbm>> -> memref<16384xf32, #tpu.memory_space<hbm>>
      %dma_wait3A_571 = tpu.memref_slice %arg5[%multiple_of3A_564] : memref<1048704xf32, #tpu.memory_space<hbm>> -> memref<16384xf32, #tpu.memory_space<hbm>>
      %dma_wait3A_572 = tpu.memref_slice %arg9[%multiple_of3A_562] : memref<33024xf32, #tpu.memory_space<vmem>> -> memref<16384xf32, #tpu.memory_space<vmem>>
      tpu.wait_dma2 semaphore(%arg13 : memref<!tpu.dma_semaphore, #tpu.memory_space<semaphore_mem>>) src(%dma_wait3A_572 : memref<16384xf32, #tpu.memory_space<vmem>>) dst(%dma_wait3A_571 : memref<16384xf32, #tpu.memory_space<hbm>>)
    } else {
    }
    %add3A_466 = arith.constant 128 : i32
    %add3A_467 = arith.constant 16384 : i32
    %add3A_468 = arith.addi %add3A_466, %add3A_467 : i32
    %jit3A_469 = arith.constant 128 : i32
    %select_n3A_470 = arith.select %ge3A_461, %add3A_468, %jit3A_469 : i32
    %sub3A_471 = arith.constant 16384 : i32
    %sub3A_472 = arith.subi %mul3A_459, %sub3A_471 : i32
    %select_n3A_473 = arith.select %ge3A_461, %sub3A_472, %mul3A_459 : i32
    %ge3A_474 = arith.constant 16384 : i32
    %ge3A_475 = arith.cmpi sge, %select_n3A_473, %ge3A_474 : i32
    %convert_element_type3A_476 = arith.extui %ge3A_475 : i1 to i32
    %cond3A_477 = arith.constant 0 : i32
    %cond3A_478 = arith.cmpi ne, %convert_element_type3A_476, %cond3A_477 : i32
    scf.if %cond3A_478 {
      %multiple_of3A_562 = tpu.assume_multiple %select_n3A_470, 8 : i32
      %add3A_563 = arith.addi %sub3A_391, %multiple_of3A_562 : i32
      %multiple_of3A_564 = tpu.assume_multiple %add3A_563, 8 : i32
      %dma_start3A_565 = tpu.memref_slice %arg9[%multiple_of3A_562] : memref<33024xf32, #tpu.memory_space<vmem>> -> memref<16384xf32, #tpu.memory_space<vmem>>
      %dma_start3A_566 = tpu.memref_slice %arg5[%multiple_of3A_564] : memref<1048704xf32, #tpu.memory_space<hbm>> -> memref<16384xf32, #tpu.memory_space<hbm>>
      %dma_start3A_567 = tpu.memref_slice %arg5[%multiple_of3A_564] : memref<1048704xf32, #tpu.memory_space<hbm>> -> memref<16384xf32, #tpu.memory_space<hbm>>
      %dma_start3A_568 = tpu.memref_slice %arg9[%multiple_of3A_562] : memref<33024xf32, #tpu.memory_space<vmem>> -> memref<16384xf32, #tpu.memory_space<vmem>>
      tpu.enqueue_dma source(%dma_start3A_568 : memref<16384xf32, #tpu.memory_space<vmem>>) target(%dma_start3A_567 : memref<16384xf32, #tpu.memory_space<hbm>>) target_semaphore(%arg13 : memref<!tpu.dma_semaphore, #tpu.memory_space<semaphore_mem>>)
      %dma_wait3A_569 = tpu.memref_slice %arg9[%multiple_of3A_562] : memref<33024xf32, #tpu.memory_space<vmem>> -> memref<16384xf32, #tpu.memory_space<vmem>>
      %dma_wait3A_570 = tpu.memref_slice %arg5[%multiple_of3A_564] : memref<1048704xf32, #tpu.memory_space<hbm>> -> memref<16384xf32, #tpu.memory_space<hbm>>
      %dma_wait3A_571 = tpu.memref_slice %arg5[%multiple_of3A_564] : memref<1048704xf32, #tpu.memory_space<hbm>> -> memref<16384xf32, #tpu.memory_space<hbm>>
      %dma_wait3A_572 = tpu.memref_slice %arg9[%multiple_of3A_562] : memref<33024xf32, #tpu.memory_space<vmem>> -> memref<16384xf32, #tpu.memory_space<vmem>>
      tpu.wait_dma2 semaphore(%arg13 : memref<!tpu.dma_semaphore, #tpu.memory_space<semaphore_mem>>) src(%dma_wait3A_572 : memref<16384xf32, #tpu.memory_space<vmem>>) dst(%dma_wait3A_571 : memref<16384xf32, #tpu.memory_space<hbm>>)
    } else {
    }
    %add3A_479 = arith.constant 16384 : i32
    %add3A_480 = arith.addi %select_n3A_470, %add3A_479 : i32
    %select_n3A_481 = arith.select %ge3A_475, %add3A_480, %select_n3A_470 : i32
    %sub3A_482 = arith.constant 16384 : i32
    %sub3A_483 = arith.subi %select_n3A_473, %sub3A_482 : i32
    %select_n3A_484 = arith.select %ge3A_475, %sub3A_483, %select_n3A_473 : i32
    %ge3A_485 = arith.constant 8192 : i32
    %ge3A_486 = arith.cmpi sge, %select_n3A_484, %ge3A_485 : i32
    %convert_element_type3A_487 = arith.extui %ge3A_486 : i1 to i32
    %cond3A_488 = arith.constant 0 : i32
    %cond3A_489 = arith.cmpi ne, %convert_element_type3A_487, %cond3A_488 : i32
    scf.if %cond3A_489 {
      %multiple_of3A_562 = tpu.assume_multiple %select_n3A_481, 8 : i32
      %add3A_563 = arith.addi %sub3A_391, %multiple_of3A_562 : i32
      %multiple_of3A_564 = tpu.assume_multiple %add3A_563, 8 : i32
      %dma_start3A_565 = tpu.memref_slice %arg9[%multiple_of3A_562] : memref<33024xf32, #tpu.memory_space<vmem>> -> memref<8192xf32, #tpu.memory_space<vmem>>
      %dma_start3A_566 = tpu.memref_slice %arg5[%multiple_of3A_564] : memref<1048704xf32, #tpu.memory_space<hbm>> -> memref<8192xf32, #tpu.memory_space<hbm>>
      %dma_start3A_567 = tpu.memref_slice %arg5[%multiple_of3A_564] : memref<1048704xf32, #tpu.memory_space<hbm>> -> memref<8192xf32, #tpu.memory_space<hbm>>
      %dma_start3A_568 = tpu.memref_slice %arg9[%multiple_of3A_562] : memref<33024xf32, #tpu.memory_space<vmem>> -> memref<8192xf32, #tpu.memory_space<vmem>>
      tpu.enqueue_dma source(%dma_start3A_568 : memref<8192xf32, #tpu.memory_space<vmem>>) target(%dma_start3A_567 : memref<8192xf32, #tpu.memory_space<hbm>>) target_semaphore(%arg13 : memref<!tpu.dma_semaphore, #tpu.memory_space<semaphore_mem>>)
      %dma_wait3A_569 = tpu.memref_slice %arg9[%multiple_of3A_562] : memref<33024xf32, #tpu.memory_space<vmem>> -> memref<8192xf32, #tpu.memory_space<vmem>>
      %dma_wait3A_570 = tpu.memref_slice %arg5[%multiple_of3A_564] : memref<1048704xf32, #tpu.memory_space<hbm>> -> memref<8192xf32, #tpu.memory_space<hbm>>
      %dma_wait3A_571 = tpu.memref_slice %arg5[%multiple_of3A_564] : memref<1048704xf32, #tpu.memory_space<hbm>> -> memref<8192xf32, #tpu.memory_space<hbm>>
      %dma_wait3A_572 = tpu.memref_slice %arg9[%multiple_of3A_562] : memref<33024xf32, #tpu.memory_space<vmem>> -> memref<8192xf32, #tpu.memory_space<vmem>>
      tpu.wait_dma2 semaphore(%arg13 : memref<!tpu.dma_semaphore, #tpu.memory_space<semaphore_mem>>) src(%dma_wait3A_572 : memref<8192xf32, #tpu.memory_space<vmem>>) dst(%dma_wait3A_571 : memref<8192xf32, #tpu.memory_space<hbm>>)
    } else {
    }
    %add3A_490 = arith.constant 8192 : i32
    %add3A_491 = arith.addi %select_n3A_481, %add3A_490 : i32
    %select_n3A_492 = arith.select %ge3A_486, %add3A_491, %select_n3A_481 : i32
    %sub3A_493 = arith.constant 8192 : i32
    %sub3A_494 = arith.subi %select_n3A_484, %sub3A_493 : i32
    %select_n3A_495 = arith.select %ge3A_486, %sub3A_494, %select_n3A_484 : i32
    %ge3A_496 = arith.constant 4096 : i32
    %ge3A_497 = arith.cmpi sge, %select_n3A_495, %ge3A_496 : i32
    %convert_element_type3A_498 = arith.extui %ge3A_497 : i1 to i32
    %cond3A_499 = arith.constant 0 : i32
    %cond3A_500 = arith.cmpi ne, %convert_element_type3A_498, %cond3A_499 : i32
    scf.if %cond3A_500 {
      %multiple_of3A_562 = tpu.assume_multiple %select_n3A_492, 8 : i32
      %add3A_563 = arith.addi %sub3A_391, %multiple_of3A_562 : i32
      %multiple_of3A_564 = tpu.assume_multiple %add3A_563, 8 : i32
      %dma_start3A_565 = tpu.memref_slice %arg9[%multiple_of3A_562] : memref<33024xf32, #tpu.memory_space<vmem>> -> memref<4096xf32, #tpu.memory_space<vmem>>
      %dma_start3A_566 = tpu.memref_slice %arg5[%multiple_of3A_564] : memref<1048704xf32, #tpu.memory_space<hbm>> -> memref<4096xf32, #tpu.memory_space<hbm>>
      %dma_start3A_567 = tpu.memref_slice %arg5[%multiple_of3A_564] : memref<1048704xf32, #tpu.memory_space<hbm>> -> memref<4096xf32, #tpu.memory_space<hbm>>
      %dma_start3A_568 = tpu.memref_slice %arg9[%multiple_of3A_562] : memref<33024xf32, #tpu.memory_space<vmem>> -> memref<4096xf32, #tpu.memory_space<vmem>>
      tpu.enqueue_dma source(%dma_start3A_568 : memref<4096xf32, #tpu.memory_space<vmem>>) target(%dma_start3A_567 : memref<4096xf32, #tpu.memory_space<hbm>>) target_semaphore(%arg13 : memref<!tpu.dma_semaphore, #tpu.memory_space<semaphore_mem>>)
      %dma_wait3A_569 = tpu.memref_slice %arg9[%multiple_of3A_562] : memref<33024xf32, #tpu.memory_space<vmem>> -> memref<4096xf32, #tpu.memory_space<vmem>>
      %dma_wait3A_570 = tpu.memref_slice %arg5[%multiple_of3A_564] : memref<1048704xf32, #tpu.memory_space<hbm>> -> memref<4096xf32, #tpu.memory_space<hbm>>
      %dma_wait3A_571 = tpu.memref_slice %arg5[%multiple_of3A_564] : memref<1048704xf32, #tpu.memory_space<hbm>> -> memref<4096xf32, #tpu.memory_space<hbm>>
      %dma_wait3A_572 = tpu.memref_slice %arg9[%multiple_of3A_562] : memref<33024xf32, #tpu.memory_space<vmem>> -> memref<4096xf32, #tpu.memory_space<vmem>>
      tpu.wait_dma2 semaphore(%arg13 : memref<!tpu.dma_semaphore, #tpu.memory_space<semaphore_mem>>) src(%dma_wait3A_572 : memref<4096xf32, #tpu.memory_space<vmem>>) dst(%dma_wait3A_571 : memref<4096xf32, #tpu.memory_space<hbm>>)
    } else {
    }
    %add3A_501 = arith.constant 4096 : i32
    %add3A_502 = arith.addi %select_n3A_492, %add3A_501 : i32
    %select_n3A_503 = arith.select %ge3A_497, %add3A_502, %select_n3A_492 : i32
    %sub3A_504 = arith.constant 4096 : i32
    %sub3A_505 = arith.subi %select_n3A_495, %sub3A_504 : i32
    %select_n3A_506 = arith.select %ge3A_497, %sub3A_505, %select_n3A_495 : i32
    %ge3A_507 = arith.constant 2048 : i32
    %ge3A_508 = arith.cmpi sge, %select_n3A_506, %ge3A_507 : i32
    %convert_element_type3A_509 = arith.extui %ge3A_508 : i1 to i32
    %cond3A_510 = arith.constant 0 : i32
    %cond3A_511 = arith.cmpi ne, %convert_element_type3A_509, %cond3A_510 : i32
    scf.if %cond3A_511 {
      %multiple_of3A_562 = tpu.assume_multiple %select_n3A_503, 8 : i32
      %add3A_563 = arith.addi %sub3A_391, %multiple_of3A_562 : i32
      %multiple_of3A_564 = tpu.assume_multiple %add3A_563, 8 : i32
      %dma_start3A_565 = tpu.memref_slice %arg9[%multiple_of3A_562] : memref<33024xf32, #tpu.memory_space<vmem>> -> memref<2048xf32, #tpu.memory_space<vmem>>
      %dma_start3A_566 = tpu.memref_slice %arg5[%multiple_of3A_564] : memref<1048704xf32, #tpu.memory_space<hbm>> -> memref<2048xf32, #tpu.memory_space<hbm>>
      %dma_start3A_567 = tpu.memref_slice %arg5[%multiple_of3A_564] : memref<1048704xf32, #tpu.memory_space<hbm>> -> memref<2048xf32, #tpu.memory_space<hbm>>
      %dma_start3A_568 = tpu.memref_slice %arg9[%multiple_of3A_562] : memref<33024xf32, #tpu.memory_space<vmem>> -> memref<2048xf32, #tpu.memory_space<vmem>>
      tpu.enqueue_dma source(%dma_start3A_568 : memref<2048xf32, #tpu.memory_space<vmem>>) target(%dma_start3A_567 : memref<2048xf32, #tpu.memory_space<hbm>>) target_semaphore(%arg13 : memref<!tpu.dma_semaphore, #tpu.memory_space<semaphore_mem>>)
      %dma_wait3A_569 = tpu.memref_slice %arg9[%multiple_of3A_562] : memref<33024xf32, #tpu.memory_space<vmem>> -> memref<2048xf32, #tpu.memory_space<vmem>>
      %dma_wait3A_570 = tpu.memref_slice %arg5[%multiple_of3A_564] : memref<1048704xf32, #tpu.memory_space<hbm>> -> memref<2048xf32, #tpu.memory_space<hbm>>
      %dma_wait3A_571 = tpu.memref_slice %arg5[%multiple_of3A_564] : memref<1048704xf32, #tpu.memory_space<hbm>> -> memref<2048xf32, #tpu.memory_space<hbm>>
      %dma_wait3A_572 = tpu.memref_slice %arg9[%multiple_of3A_562] : memref<33024xf32, #tpu.memory_space<vmem>> -> memref<2048xf32, #tpu.memory_space<vmem>>
      tpu.wait_dma2 semaphore(%arg13 : memref<!tpu.dma_semaphore, #tpu.memory_space<semaphore_mem>>) src(%dma_wait3A_572 : memref<2048xf32, #tpu.memory_space<vmem>>) dst(%dma_wait3A_571 : memref<2048xf32, #tpu.memory_space<hbm>>)
    } else {
    }
    %add3A_512 = arith.constant 2048 : i32
    %add3A_513 = arith.addi %select_n3A_503, %add3A_512 : i32
    %select_n3A_514 = arith.select %ge3A_508, %add3A_513, %select_n3A_503 : i32
    %sub3A_515 = arith.constant 2048 : i32
    %sub3A_516 = arith.subi %select_n3A_506, %sub3A_515 : i32
    %select_n3A_517 = arith.select %ge3A_508, %sub3A_516, %select_n3A_506 : i32
    %ge3A_518 = arith.constant 1024 : i32
    %ge3A_519 = arith.cmpi sge, %select_n3A_517, %ge3A_518 : i32
    %convert_element_type3A_520 = arith.extui %ge3A_519 : i1 to i32
    %cond3A_521 = arith.constant 0 : i32
    %cond3A_522 = arith.cmpi ne, %convert_element_type3A_520, %cond3A_521 : i32
    scf.if %cond3A_522 {
      %multiple_of3A_562 = tpu.assume_multiple %select_n3A_514, 8 : i32
      %add3A_563 = arith.addi %sub3A_391, %multiple_of3A_562 : i32
      %multiple_of3A_564 = tpu.assume_multiple %add3A_563, 8 : i32
      %dma_start3A_565 = tpu.memref_slice %arg9[%multiple_of3A_562] : memref<33024xf32, #tpu.memory_space<vmem>> -> memref<1024xf32, #tpu.memory_space<vmem>>
      %dma_start3A_566 = tpu.memref_slice %arg5[%multiple_of3A_564] : memref<1048704xf32, #tpu.memory_space<hbm>> -> memref<1024xf32, #tpu.memory_space<hbm>>
      %dma_start3A_567 = tpu.memref_slice %arg5[%multiple_of3A_564] : memref<1048704xf32, #tpu.memory_space<hbm>> -> memref<1024xf32, #tpu.memory_space<hbm>>
      %dma_start3A_568 = tpu.memref_slice %arg9[%multiple_of3A_562] : memref<33024xf32, #tpu.memory_space<vmem>> -> memref<1024xf32, #tpu.memory_space<vmem>>
      tpu.enqueue_dma source(%dma_start3A_568 : memref<1024xf32, #tpu.memory_space<vmem>>) target(%dma_start3A_567 : memref<1024xf32, #tpu.memory_space<hbm>>) target_semaphore(%arg13 : memref<!tpu.dma_semaphore, #tpu.memory_space<semaphore_mem>>)
      %dma_wait3A_569 = tpu.memref_slice %arg9[%multiple_of3A_562] : memref<33024xf32, #tpu.memory_space<vmem>> -> memref<1024xf32, #tpu.memory_space<vmem>>
      %dma_wait3A_570 = tpu.memref_slice %arg5[%multiple_of3A_564] : memref<1048704xf32, #tpu.memory_space<hbm>> -> memref<1024xf32, #tpu.memory_space<hbm>>
      %dma_wait3A_571 = tpu.memref_slice %arg5[%multiple_of3A_564] : memref<1048704xf32, #tpu.memory_space<hbm>> -> memref<1024xf32, #tpu.memory_space<hbm>>
      %dma_wait3A_572 = tpu.memref_slice %arg9[%multiple_of3A_562] : memref<33024xf32, #tpu.memory_space<vmem>> -> memref<1024xf32, #tpu.memory_space<vmem>>
      tpu.wait_dma2 semaphore(%arg13 : memref<!tpu.dma_semaphore, #tpu.memory_space<semaphore_mem>>) src(%dma_wait3A_572 : memref<1024xf32, #tpu.memory_space<vmem>>) dst(%dma_wait3A_571 : memref<1024xf32, #tpu.memory_space<hbm>>)
    } else {
    }
    %add3A_523 = arith.constant 1024 : i32
    %add3A_524 = arith.addi %select_n3A_514, %add3A_523 : i32
    %select_n3A_525 = arith.select %ge3A_519, %add3A_524, %select_n3A_514 : i32
    %sub3A_526 = arith.constant 1024 : i32
    %sub3A_527 = arith.subi %select_n3A_517, %sub3A_526 : i32
    %select_n3A_528 = arith.select %ge3A_519, %sub3A_527, %select_n3A_517 : i32
    %ge3A_529 = arith.constant 512 : i32
    %ge3A_530 = arith.cmpi sge, %select_n3A_528, %ge3A_529 : i32
    %convert_element_type3A_531 = arith.extui %ge3A_530 : i1 to i32
    %cond3A_532 = arith.constant 0 : i32
    %cond3A_533 = arith.cmpi ne, %convert_element_type3A_531, %cond3A_532 : i32
    scf.if %cond3A_533 {
      %multiple_of3A_562 = tpu.assume_multiple %select_n3A_525, 8 : i32
      %add3A_563 = arith.addi %sub3A_391, %multiple_of3A_562 : i32
      %multiple_of3A_564 = tpu.assume_multiple %add3A_563, 8 : i32
      %dma_start3A_565 = tpu.memref_slice %arg9[%multiple_of3A_562] : memref<33024xf32, #tpu.memory_space<vmem>> -> memref<512xf32, #tpu.memory_space<vmem>>
      %dma_start3A_566 = tpu.memref_slice %arg5[%multiple_of3A_564] : memref<1048704xf32, #tpu.memory_space<hbm>> -> memref<512xf32, #tpu.memory_space<hbm>>
      %dma_start3A_567 = tpu.memref_slice %arg5[%multiple_of3A_564] : memref<1048704xf32, #tpu.memory_space<hbm>> -> memref<512xf32, #tpu.memory_space<hbm>>
      %dma_start3A_568 = tpu.memref_slice %arg9[%multiple_of3A_562] : memref<33024xf32, #tpu.memory_space<vmem>> -> memref<512xf32, #tpu.memory_space<vmem>>
      tpu.enqueue_dma source(%dma_start3A_568 : memref<512xf32, #tpu.memory_space<vmem>>) target(%dma_start3A_567 : memref<512xf32, #tpu.memory_space<hbm>>) target_semaphore(%arg13 : memref<!tpu.dma_semaphore, #tpu.memory_space<semaphore_mem>>)
      %dma_wait3A_569 = tpu.memref_slice %arg9[%multiple_of3A_562] : memref<33024xf32, #tpu.memory_space<vmem>> -> memref<512xf32, #tpu.memory_space<vmem>>
      %dma_wait3A_570 = tpu.memref_slice %arg5[%multiple_of3A_564] : memref<1048704xf32, #tpu.memory_space<hbm>> -> memref<512xf32, #tpu.memory_space<hbm>>
      %dma_wait3A_571 = tpu.memref_slice %arg5[%multiple_of3A_564] : memref<1048704xf32, #tpu.memory_space<hbm>> -> memref<512xf32, #tpu.memory_space<hbm>>
      %dma_wait3A_572 = tpu.memref_slice %arg9[%multiple_of3A_562] : memref<33024xf32, #tpu.memory_space<vmem>> -> memref<512xf32, #tpu.memory_space<vmem>>
      tpu.wait_dma2 semaphore(%arg13 : memref<!tpu.dma_semaphore, #tpu.memory_space<semaphore_mem>>) src(%dma_wait3A_572 : memref<512xf32, #tpu.memory_space<vmem>>) dst(%dma_wait3A_571 : memref<512xf32, #tpu.memory_space<hbm>>)
    } else {
    }
    %add3A_534 = arith.constant 512 : i32
    %add3A_535 = arith.addi %select_n3A_525, %add3A_534 : i32
    %select_n3A_536 = arith.select %ge3A_530, %add3A_535, %select_n3A_525 : i32
    %sub3A_537 = arith.constant 512 : i32
    %sub3A_538 = arith.subi %select_n3A_528, %sub3A_537 : i32
    %select_n3A_539 = arith.select %ge3A_530, %sub3A_538, %select_n3A_528 : i32
    %ge3A_540 = arith.constant 256 : i32
    %ge3A_541 = arith.cmpi sge, %select_n3A_539, %ge3A_540 : i32
    %convert_element_type3A_542 = arith.extui %ge3A_541 : i1 to i32
    %cond3A_543 = arith.constant 0 : i32
    %cond3A_544 = arith.cmpi ne, %convert_element_type3A_542, %cond3A_543 : i32
    scf.if %cond3A_544 {
      %multiple_of3A_562 = tpu.assume_multiple %select_n3A_536, 8 : i32
      %add3A_563 = arith.addi %sub3A_391, %multiple_of3A_562 : i32
      %multiple_of3A_564 = tpu.assume_multiple %add3A_563, 8 : i32
      %dma_start3A_565 = tpu.memref_slice %arg9[%multiple_of3A_562] : memref<33024xf32, #tpu.memory_space<vmem>> -> memref<256xf32, #tpu.memory_space<vmem>>
      %dma_start3A_566 = tpu.memref_slice %arg5[%multiple_of3A_564] : memref<1048704xf32, #tpu.memory_space<hbm>> -> memref<256xf32, #tpu.memory_space<hbm>>
      %dma_start3A_567 = tpu.memref_slice %arg5[%multiple_of3A_564] : memref<1048704xf32, #tpu.memory_space<hbm>> -> memref<256xf32, #tpu.memory_space<hbm>>
      %dma_start3A_568 = tpu.memref_slice %arg9[%multiple_of3A_562] : memref<33024xf32, #tpu.memory_space<vmem>> -> memref<256xf32, #tpu.memory_space<vmem>>
      tpu.enqueue_dma source(%dma_start3A_568 : memref<256xf32, #tpu.memory_space<vmem>>) target(%dma_start3A_567 : memref<256xf32, #tpu.memory_space<hbm>>) target_semaphore(%arg13 : memref<!tpu.dma_semaphore, #tpu.memory_space<semaphore_mem>>)
      %dma_wait3A_569 = tpu.memref_slice %arg9[%multiple_of3A_562] : memref<33024xf32, #tpu.memory_space<vmem>> -> memref<256xf32, #tpu.memory_space<vmem>>
      %dma_wait3A_570 = tpu.memref_slice %arg5[%multiple_of3A_564] : memref<1048704xf32, #tpu.memory_space<hbm>> -> memref<256xf32, #tpu.memory_space<hbm>>
      %dma_wait3A_571 = tpu.memref_slice %arg5[%multiple_of3A_564] : memref<1048704xf32, #tpu.memory_space<hbm>> -> memref<256xf32, #tpu.memory_space<hbm>>
      %dma_wait3A_572 = tpu.memref_slice %arg9[%multiple_of3A_562] : memref<33024xf32, #tpu.memory_space<vmem>> -> memref<256xf32, #tpu.memory_space<vmem>>
      tpu.wait_dma2 semaphore(%arg13 : memref<!tpu.dma_semaphore, #tpu.memory_space<semaphore_mem>>) src(%dma_wait3A_572 : memref<256xf32, #tpu.memory_space<vmem>>) dst(%dma_wait3A_571 : memref<256xf32, #tpu.memory_space<hbm>>)
    } else {
    }
    %add3A_545 = arith.constant 256 : i32
    %add3A_546 = arith.addi %select_n3A_536, %add3A_545 : i32
    %select_n3A_547 = arith.select %ge3A_541, %add3A_546, %select_n3A_536 : i32
    %sub3A_548 = arith.constant 256 : i32
    %sub3A_549 = arith.subi %select_n3A_539, %sub3A_548 : i32
    %select_n3A_550 = arith.select %ge3A_541, %sub3A_549, %select_n3A_539 : i32
    %ge3A_551 = arith.constant 128 : i32
    %ge3A_552 = arith.cmpi sge, %select_n3A_550, %ge3A_551 : i32
    %convert_element_type3A_553 = arith.extui %ge3A_552 : i1 to i32
    %cond3A_554 = arith.constant 0 : i32
    %cond3A_555 = arith.cmpi ne, %convert_element_type3A_553, %cond3A_554 : i32
    scf.if %cond3A_555 {
      %multiple_of3A_562 = tpu.assume_multiple %select_n3A_547, 8 : i32
      %add3A_563 = arith.addi %sub3A_391, %multiple_of3A_562 : i32
      %multiple_of3A_564 = tpu.assume_multiple %add3A_563, 8 : i32
      %dma_start3A_565 = tpu.memref_slice %arg9[%multiple_of3A_562] : memref<33024xf32, #tpu.memory_space<vmem>> -> memref<128xf32, #tpu.memory_space<vmem>>
      %dma_start3A_566 = tpu.memref_slice %arg5[%multiple_of3A_564] : memref<1048704xf32, #tpu.memory_space<hbm>> -> memref<128xf32, #tpu.memory_space<hbm>>
      %dma_start3A_567 = tpu.memref_slice %arg5[%multiple_of3A_564] : memref<1048704xf32, #tpu.memory_space<hbm>> -> memref<128xf32, #tpu.memory_space<hbm>>
      %dma_start3A_568 = tpu.memref_slice %arg9[%multiple_of3A_562] : memref<33024xf32, #tpu.memory_space<vmem>> -> memref<128xf32, #tpu.memory_space<vmem>>
      tpu.enqueue_dma source(%dma_start3A_568 : memref<128xf32, #tpu.memory_space<vmem>>) target(%dma_start3A_567 : memref<128xf32, #tpu.memory_space<hbm>>) target_semaphore(%arg13 : memref<!tpu.dma_semaphore, #tpu.memory_space<semaphore_mem>>)
      %dma_wait3A_569 = tpu.memref_slice %arg9[%multiple_of3A_562] : memref<33024xf32, #tpu.memory_space<vmem>> -> memref<128xf32, #tpu.memory_space<vmem>>
      %dma_wait3A_570 = tpu.memref_slice %arg5[%multiple_of3A_564] : memref<1048704xf32, #tpu.memory_space<hbm>> -> memref<128xf32, #tpu.memory_space<hbm>>
      %dma_wait3A_571 = tpu.memref_slice %arg5[%multiple_of3A_564] : memref<1048704xf32, #tpu.memory_space<hbm>> -> memref<128xf32, #tpu.memory_space<hbm>>
      %dma_wait3A_572 = tpu.memref_slice %arg9[%multiple_of3A_562] : memref<33024xf32, #tpu.memory_space<vmem>> -> memref<128xf32, #tpu.memory_space<vmem>>
      tpu.wait_dma2 semaphore(%arg13 : memref<!tpu.dma_semaphore, #tpu.memory_space<semaphore_mem>>) src(%dma_wait3A_572 : memref<128xf32, #tpu.memory_space<vmem>>) dst(%dma_wait3A_571 : memref<128xf32, #tpu.memory_space<hbm>>)
    } else {
    }
    %add3A_556 = arith.constant 128 : i32
    %add3A_557 = arith.addi %select_n3A_547, %add3A_556 : i32
    %select_n3A_558 = arith.select %ge3A_552, %add3A_557, %select_n3A_547 : i32
    %sub3A_559 = arith.constant 128 : i32
    %sub3A_560 = arith.subi %select_n3A_550, %sub3A_559 : i32
    %select_n3A_561 = arith.select %ge3A_552, %sub3A_560, %select_n3A_550 : i32
    return
  }
}

module attributes {stable_mosaic.version = 14 : i64} {
  func.func @_k1_body(%arg0: i32, %arg1: memref<256x128xf32, #tpu.memory_space<vmem>>, %arg2: memref<1x1x16xi32, #tpu.memory_space<vmem>>, %arg3: memref<1x16xi32, #tpu.memory_space<vmem>>, %arg4: memref<2xi32, #tpu.memory_space<smem>>) attributes {dimension_semantics = [#tpu.dimension_semantics<arbitrary>], iteration_bounds = array<i64: 256>, scalar_prefetch = 0 : i64, scratch_operands = 1 : i64, tpu.core_type = #tpu.core_type<tc>, window_params = [{transform_indices = @transform_0, window_bounds = array<i64: 256, 128>}, {transform_indices = @transform_1, window_bounds = array<i64: 1, 1, 16>}, {pipeline_mode = #tpu.pipeline_mode<synchronous>, transform_indices = @transform_2, window_bounds = array<i64: 1, 16>}]} {
    %eq3A = arith.constant 0 : i32
    %eq3A_0 = arith.cmpi eq, %arg0, %eq3A : i32
    %convert_element_type3A = arith.extui %eq3A_0 : i1 to i32
    %cond3A = arith.constant 0 : i32
    %cond3A_1 = arith.cmpi ne, %convert_element_type3A, %cond3A : i32
    scf.if %cond3A_1 {
      %swap3A_69 = arith.constant 0 : i32
      %swap3A_70 = arith.constant 0 : index
      %swap3A_71 = memref.load %arg4[%swap3A_70] : memref<2xi32, #tpu.memory_space<smem>>
      memref.store %swap3A_69, %arg4[%swap3A_70] : memref<2xi32, #tpu.memory_space<smem>>
      %swap3A_72 = arith.constant 0 : i32
      %swap3A_73 = arith.constant 1 : index
      %swap3A_74 = memref.load %arg4[%swap3A_73] : memref<2xi32, #tpu.memory_space<smem>>
      memref.store %swap3A_72, %arg4[%swap3A_73] : memref<2xi32, #tpu.memory_space<smem>>
    } else {
    }
    %iota3A = tpu.iota {dimensions = array<i32: 1>} : vector<256x128xi32>
    %and3A = arith.constant 7 : i32
    %and3A_2 = vector.broadcast %and3A : i32 to vector<256x128xi32>
    %and3A_3 = arith.andi %iota3A, %and3A_2 : vector<256x128xi32>
    %eq3A_4 = arith.constant 2 : i32
    %eq3A_5 = vector.broadcast %eq3A_4 : i32 to vector<256x128xi32>
    %eq3A_6 = arith.cmpi eq, %and3A_3, %eq3A_5 : vector<256x128xi32>
    %get3A = arith.constant 0 : index
    %get3A_7 = arith.constant 0 : index
    %get3A_8 = vector.load %arg1[%get3A, %get3A_7] : memref<256x128xf32, #tpu.memory_space<vmem>>, vector<256x128xf32>
    %eq3A_9 = arith.constant 1.000000e+00 : f32
    %eq3A_10 = vector.broadcast %eq3A_9 : f32 to vector<256x128xf32>
    %eq3A_11 = arith.cmpf oeq, %get3A_8, %eq3A_10 : vector<256x128xf32>
    %and3A_12 = arith.andi %eq3A_11, %eq3A_6 : vector<256x128xi1>
    %convert_element_type3A_13 = arith.extui %and3A_12 : vector<256x128xi1> to vector<256x128xi32>
    %reduce_sum3A = vector.shape_cast %convert_element_type3A_13 : vector<256x128xi32> to vector<1x256x128xi32>
    %reduce_sum3A_14 = arith.constant dense<0> : vector<1xi32>
    %reduce_sum3A_15 = vector.multi_reduction <add>, %reduce_sum3A, %reduce_sum3A_14 [1, 2] : vector<1x256x128xi32> to vector<1xi32>
    %reduce_sum3A_16 = vector.shape_cast %reduce_sum3A_15 : vector<1xi32> to vector<1x1x1xi32>
    %reduce_sum3A_17 = vector.extract %reduce_sum3A_16[0, 0, 0] : i32 from vector<1x1x1xi32>
    %eq3A_18 = arith.constant 2.000000e+00 : f32
    %eq3A_19 = vector.broadcast %eq3A_18 : f32 to vector<256x128xf32>
    %eq3A_20 = arith.cmpf oeq, %get3A_8, %eq3A_19 : vector<256x128xf32>
    %and3A_21 = arith.andi %eq3A_20, %eq3A_6 : vector<256x128xi1>
    %convert_element_type3A_22 = arith.extui %and3A_21 : vector<256x128xi1> to vector<256x128xi32>
    %reduce_sum3A_23 = vector.shape_cast %convert_element_type3A_22 : vector<256x128xi32> to vector<1x256x128xi32>
    %reduce_sum3A_24 = arith.constant dense<0> : vector<1xi32>
    %reduce_sum3A_25 = vector.multi_reduction <add>, %reduce_sum3A_23, %reduce_sum3A_24 [1, 2] : vector<1x256x128xi32> to vector<1xi32>
    %reduce_sum3A_26 = vector.shape_cast %reduce_sum3A_25 : vector<1xi32> to vector<1x1x1xi32>
    %reduce_sum3A_27 = vector.extract %reduce_sum3A_26[0, 0, 0] : i32 from vector<1x1x1xi32>
    %get3A_28 = arith.constant 0 : index
    %get3A_29 = memref.load %arg4[%get3A_28] : memref<2xi32, #tpu.memory_space<smem>>
    %get3A_30 = arith.constant 1 : index
    %get3A_31 = memref.load %arg4[%get3A_30] : memref<2xi32, #tpu.memory_space<smem>>
    %iota3A_32 = tpu.iota {dimensions = array<i32: 1>} : vector<1x16xi32>
    %eq3A_33 = arith.constant 0 : i32
    %eq3A_34 = vector.broadcast %eq3A_33 : i32 to vector<1x16xi32>
    %eq3A_35 = arith.cmpi eq, %iota3A_32, %eq3A_34 : vector<1x16xi32>
    %eq3A_36 = arith.constant 1 : i32
    %eq3A_37 = vector.broadcast %eq3A_36 : i32 to vector<1x16xi32>
    %eq3A_38 = arith.cmpi eq, %iota3A_32, %eq3A_37 : vector<1x16xi32>
    %jit3A = arith.constant 0 : i32
    %broadcast_in_dim3A = vector.broadcast %get3A_31 : i32 to vector<1x16xi32>
    %broadcast_in_dim3A_39 = vector.broadcast %jit3A : i32 to vector<1x16xi32>
    %select_n3A = arith.select %eq3A_38, %broadcast_in_dim3A, %broadcast_in_dim3A_39 : vector<1x16xi1>, vector<1x16xi32>
    %broadcast_in_dim3A_40 = vector.broadcast %get3A_29 : i32 to vector<1x16xi32>
    %select_n3A_41 = arith.select %eq3A_35, %broadcast_in_dim3A_40, %select_n3A : vector<1x16xi1>, vector<1x16xi32>
    %broadcast_in_dim3A_42 = vector.shape_cast %select_n3A_41 : vector<1x16xi32> to vector<1x1x16xi32>
    %swap3A = arith.constant 0 : index
    %swap3A_43 = arith.constant 0 : index
    %swap3A_44 = arith.constant 0 : index
    %swap3A_45 = vector.load %arg2[%swap3A, %swap3A_43, %swap3A_44] : memref<1x1x16xi32, #tpu.memory_space<vmem>>, vector<1x1x16xi32>
    tpu.vector_store %arg2[%swap3A, %swap3A_43, %swap3A_44], %broadcast_in_dim3A_42 {strides = array<i32>} : memref<1x1x16xi32, #tpu.memory_space<vmem>>, vector<1x1x16xi32>,
    %add3A = arith.addi %get3A_29, %reduce_sum3A_17 : i32
    %add3A_46 = arith.addi %get3A_31, %reduce_sum3A_27 : i32
    %sub3A = arith.constant 1048576 : i32
    %sub3A_47 = arith.subi %sub3A, %add3A : i32
    %sub3A_48 = arith.subi %sub3A_47, %add3A_46 : i32
    %eq3A_49 = arith.constant 0 : i32
    %eq3A_50 = vector.broadcast %eq3A_49 : i32 to vector<1x16xi32>
    %eq3A_51 = arith.cmpi eq, %iota3A_32, %eq3A_50 : vector<1x16xi32>
    %eq3A_52 = arith.constant 1 : i32
    %eq3A_53 = vector.broadcast %eq3A_52 : i32 to vector<1x16xi32>
    %eq3A_54 = arith.cmpi eq, %iota3A_32, %eq3A_53 : vector<1x16xi32>
    %add3A_55 = arith.addi %sub3A_48, %add3A : i32
    %jit3A_56 = arith.constant 0 : i32
    %broadcast_in_dim3A_57 = vector.broadcast %add3A_55 : i32 to vector<1x16xi32>
    %broadcast_in_dim3A_58 = vector.broadcast %jit3A_56 : i32 to vector<1x16xi32>
    %select_n3A_59 = arith.select %eq3A_54, %broadcast_in_dim3A_57, %broadcast_in_dim3A_58 : vector<1x16xi1>, vector<1x16xi32>
    %broadcast_in_dim3A_60 = vector.broadcast %sub3A_48 : i32 to vector<1x16xi32>
    %select_n3A_61 = arith.select %eq3A_51, %broadcast_in_dim3A_60, %select_n3A_59 : vector<1x16xi1>, vector<1x16xi32>
    %swap3A_62 = arith.constant 0 : index
    %swap3A_63 = arith.constant 0 : index
    %swap3A_64 = vector.load %arg3[%swap3A_62, %swap3A_63] : memref<1x16xi32, #tpu.memory_space<vmem>>, vector<1x16xi32>
    tpu.vector_store %arg3[%swap3A_62, %swap3A_63], %select_n3A_61 {strides = array<i32>} : memref<1x16xi32, #tpu.memory_space<vmem>>, vector<1x16xi32>,
    %swap3A_65 = arith.constant 0 : index
    %swap3A_66 = memref.load %arg4[%swap3A_65] : memref<2xi32, #tpu.memory_space<smem>>
    memref.store %add3A, %arg4[%swap3A_65] : memref<2xi32, #tpu.memory_space<smem>>
    %swap3A_67 = arith.constant 1 : index
    %swap3A_68 = memref.load %arg4[%swap3A_67] : memref<2xi32, #tpu.memory_space<smem>>
    memref.store %add3A_46, %arg4[%swap3A_67] : memref<2xi32, #tpu.memory_space<smem>>
    return
  }
  func.func @transform_0(%arg0: i32) -> (i32, i32) {
    %c0_i32 = arith.constant 0 : i32
    %c0_i32_0 = arith.constant 0 : i32
    return %arg0, %c0_i32 : i32, i32
  }
  func.func @transform_1(%arg0: i32) -> (i32, i32, i32) {
    %c0_i32 = arith.constant 0 : i32
    %c0_i32_0 = arith.constant 0 : i32
    %c0_i32_1 = arith.constant 0 : i32
    return %arg0, %c0_i32, %c0_i32_0 : i32, i32, i32
  }
  func.func @transform_2(%arg0: i32) -> (i32, i32) {
    %c0_i32 = arith.constant 0 : i32
    %c0_i32_0 = arith.constant 0 : i32
    %c0_i32_1 = arith.constant 0 : i32
    return %c0_i32, %c0_i32_0 : i32, i32
  }
}

</mosaic_0001>

<sc_bundles>
// kernel: kernel.5.cloned.1.call-start
scs
__scs_entry_jumppad:
0x0: {  	(pc) =	sbr.rel $0x88, $3  }
0x1: {  	(tag) =	ssettag $0x0;
	lr =	simm.s32 $0x1  }
0x2: {  	[smem:$0x3FA0] =	sst lr;
	_ =	strace $0xD0000000  }
0x3: {  	_ = 	snop  }
0x4: {  	_ = 	snop  }
0x5: {  	_ = 	snop  }
0x6: {  	_ = 	snop  }
0x7: {  	_ = 	snop  }
__scs_overlays_trampoline_lowered:
0x8: {  	[smem:$0x3FAF] =	sst s0  }
0x9: {  	[smem:$0x3FB0] =	sst s1  }
0xa: {  	[smem:$0x3FB1] =	sst s2  }
0xb: {  	[smem:$0x3FB2] =	sst s3  }
0xc: {  	[smem:$0x3FB3] =	sst s4  }
0xd: {  	[smem:$0x3FB4] =	sst s5  }
0xe: {  	[smem:$0x3FB5] =	sst s6  }
0xf: {  	[smem:$0x3FB6] =	sst s7  }
0x10: {  	[smem:$0x3FB7] =	sst s8  }
0x11: {  	[smem:$0x3FB8] =	sst s9;
	s0 =	simm.s32 @!p0 $0x0  }
0x12: {  	s1 =	sld [smem:$0x3F9E];
	s0 =	simm.s32 @p0 $0x1  }
0x13: {  	[smem:$0x3FB9] =	sst s0;
	s0 =	simm.s32 @!p1 $0x0  }
0x14: {  	s2 =	sld [smem:$0x3F9D];
	s0 =	simm.s32 @p1 $0x1  }
0x15: {  	[smem:$0x3FBA] =	sst s0;
	s0 =	simm.s32 @!p2 $0x0  }
0x16: {  	s3 =	sld [smem:$0x3FDB];
	s0 =	simm.s32 @p2 $0x1  }
0x17: {  	s4 =	simm.s32 $0x1BF5;
	[smem:$0x3FBC] =	sst s0  }
0x18: {  	s0 =	sld [smem:$0x3F9F];
	_ =	swait.ge [sflag:s4], $0x0  }
0x19: {  	s7 =	sld [smem:$0x3FA0]  }
0x1a: {  	s8 =	sadd.s32 $0xFFFFE003, lr  }
0x1b: {  	s9 =	sadd.s32 $0xFFFFFEF7, lr;
	s5 =	simm.s32 $0xFFFFFFFF;
	p2 =	slt.u32 s8, $0xFFFFF086  }
0x1c: {  	p1 =	slt.u32 s9, $0xF7A;
	s5 =	simm.s32 @!p2 $0x0  }
0x1d: {  	s5 =	simm.s32 @p1 $0x1;
	p0 =	seq.s32 s7, s2  }
0x1e: {  	s7 =	smul.u32 @!p0 $0xF7A, s2;
	p2 =	seq.s32 @!p0 s5, $0x0  }
0x1f: {  	s9 =	smul.u32 $0xF7A, s1;
	s8 =	simm.s32 @!p0 $0x1BF5;
	p2 =	por !p2, p0  }
0x20: {  	[sflag:s8] =	ssyncset.s32 @!p0 $0xFFFFF086;
	s6 =	sadd.s32 @!p0 s3, s7;
	s7 =	simm.s32 @!p0 $0x108  }
0x21: {  	s3 =	sadd.s32 s3, s9;
	s6 =	sadd.s32 @!p0 $0x88, s6;
	s7 =	simm.s32 @p2 $0x1082  }
0x22: {  	[simem:s7], [sflag:s8] =	dma.local @!p0 [hbm:s6], $0xF7A  }
0x23: {  	s9 =	sor.u32 $0xD0000000, s2;
	s6 =	simm.s32 $0x108;
	_ =	swait.ge @!p0 [sflag:s8], $0x0  }
0x24: {  	s3 =	sadd.s32 $0x88, s3;
	s6 =	simm.s32 @!p1 $0x1082;
	[sflag:s4] =	ssyncset.s32 $0xFFFFF086  }
0x25: {  	[simem:s6], [sflag:s4] =	dma.local [hbm:s3], $0xF7A  }
0x26: {  	[smem:$0x3FA0] =	sst s1;
	(tag) =	ssettag s2;
	_ =	strace s9  }
0x27: {  	s1 =	sld [smem:$0x3FB0]  }
0x28: {  	s2 =	sld [smem:$0x3FB1]  }
0x29: {  	s4 =	sld [smem:$0x3FB3]  }
0x2a: {  	p0 =	seq.s32 s5, $0x0;
	s5 =	sld [smem:$0x3FB4]  }
0x2b: {  	s6 =	sld [smem:$0x3FB5]  }
0x2c: {  	s7 =	sld [smem:$0x3FB6]  }
0x2d: {  	s3 =	simm.s32 $0x108;
	s8 =	sld [smem:$0x3FB7]  }
0x2e: {  	s3 =	simm.s32 @!p0 $0x1082;
	s9 =	sld [smem:$0x3FB8]  }
0x2f: {  	lr =	sadd.s32 s0, s3;
	s0 =	sld [smem:$0x3FAF]  }
0x30: {  	s3 =	sld [smem:$0x3FB2]  }
0x31: {  	[smem:$0x3FBB] =	sst s10  }
0x32: {  	s10 =	sld [smem:$0x3FB9];
	_ =	sdelay $0x3  }
0x33: {  	p0 =	seq.s32 s10, $0x1;
	s10 =	sld [smem:$0x3FBB];
	_ =	sdelay $0x3  }
0x34: {  	[smem:$0x3FBB] =	sst s10  }
0x35: {  	s10 =	sld [smem:$0x3FBA];
	_ =	sdelay $0x3  }
0x36: {  	p1 =	seq.s32 s10, $0x1;
	s10 =	sld [smem:$0x3FBB];
	_ =	sdelay $0x3  }
0x37: {  	[smem:$0x3FBB] =	sst s10  }
0x38: {  	s10 =	sld [smem:$0x3FBC]  }
0x39: {  	_ = 	snop;
	(pc) =	sbr.ind lr, $3  }
0x3a: {  	_ = 	snop  }
0x3b: {  	_ = 	snop  }
0x3c: {  	p2 =	seq.s32 s10, $0x1;
	s10 =	sld [smem:$0x3FBB]  }
0x3d: {  	_ =	shalt  }
0x3e: {  	_ =	shalt  }
0x3f: {  	_ =	shalt  }
0x40: {  	_ =	shalt  }
0x41: {  	_ =	shalt  }
0x42: {  	_ =	shalt  }
0x43: {  	_ =	shalt  }
0x44: {  	_ =	shalt  }
0x45: {  	_ =	shalt  }
0x46: {  	_ =	shalt  }
0x47: {  	_ =	shalt  }
0x48: {  	_ =	shalt  }
0x49: {  	_ =	shalt  }
0x4a: {  	_ =	shalt  }
0x4b: {  	_ =	shalt  }
0x4c: {  	_ =	shalt  }
0x4d: {  	_ =	shalt  }
0x4e: {  	_ =	shalt  }
0x4f: {  	_ =	shalt  }
0x50: {  	_ =	shalt  }
0x51: {  	_ =	shalt  }
0x52: {  	_ =	shalt  }
0x53: {  	_ =	shalt  }
0x54: {  	_ =	shalt  }
0x55: {  	_ =	shalt  }
0x56: {  	_ =	shalt  }
0x57: {  	_ =	shalt  }
0x58: {  	_ =	shalt  }
0x59: {  	_ =	shalt  }
0x5a: {  	_ =	shalt  }
0x5b: {  	_ =	shalt  }
0x5c: {  	_ =	shalt  }
0x5d: {  	_ =	shalt  }
0x5e: {  	_ =	shalt  }
0x5f: {  	_ =	shalt  }
0x60: {  	_ =	shalt  }
0x61: {  	_ =	shalt  }
0x62: {  	_ =	shalt  }
0x63: {  	_ =	shalt  }
0x64: {  	_ =	shalt  }
0x65: {  	_ =	shalt  }
0x66: {  	_ =	shalt  }
0x67: {  	_ =	shalt  }
0x68: {  	_ =	shalt  }
0x69: {  	_ =	shalt  }
0x6a: {  	_ =	shalt  }
0x6b: {  	_ =	shalt  }
0x6c: {  	_ =	shalt  }
0x6d: {  	_ =	shalt  }
0x6e: {  	_ =	shalt  }
0x6f: {  	_ =	shalt  }
0x70: {  	_ =	shalt  }
0x71: {  	_ =	shalt  }
0x72: {  	_ =	shalt  }
0x73: {  	_ =	shalt  }
0x74: {  	_ =	shalt  }
0x75: {  	_ =	shalt  }
0x76: {  	_ =	shalt  }
0x77: {  	_ =	shalt  }
0x78: {  	_ =	shalt  }
0x79: {  	_ =	shalt  }
0x7a: {  	_ =	shalt  }
0x7b: {  	_ =	shalt  }
0x7c: {  	_ =	shalt  }
0x7d: {  	_ =	shalt  }
0x7e: {  	_ =	shalt  }
0x7f: {  	_ =	shalt  }
0x80: {  	_ =	shalt  }
0x81: {  	_ =	shalt  }
0x82: {  	_ =	shalt  }
0x83: {  	_ =	shalt  }
0x84: {  	_ =	shalt  }
0x85: {  	_ =	shalt  }
0x86: {  	_ =	shalt  }
0x87: {  	_ =	shalt  }
.Lfunc_end0:
.L_simem_size_0:
called_computation.1_lowered:
.L_overlay_start_0:
0x88: {  	s2 =	sld [smem:$0x3FD9]  }
0x89: {  	s3 =	sld [smem:$0x3FFE];
	_ =	sdelay $0x1  }
0x8a: {  	s1 =	srdreg.scid  }
0x8b: {  	s0 =	sand.u32 $0x1, s1  }
0x8c: {  	s17 =	sshll.u32 s0, $0xA;
	s2 =	sadd.s32 s3, s2  }
0x8d: {  	s2 =	sadd.s32 s2, s17  }
0x8e: {  	[smem:$0x3FC7] =	sst s2  }
0x8f: {  	_ = 	snop  }
0x90: {  	s2 =	sld [smem:$0x3FD0];
	(tm) =	ssettm $0x1  }
0x91: {  	s18 =	sld [smem:$0x3FFB];
	_ =	sdelay $0x3  }
0x92: {  	_ =	strace s18  }
0x93: {  	s3 =	sld [smem:$0x3FFC];
	_ =	sdelay $0x3  }
0x94: {  	_ =	strace s3  }
0x95: {  	s3 =	sld [smem:$0x3FFD];
	_ =	sdelay $0x3  }
0x96: {  	_ =	strace s3  }
0x97: {  	_ =	strace $0x8FFFFFFF  }
0x98: {  	s19 =	sld [smem:$0x3FDB];
	_ =	sdelay $0x1  }
0x99: {  	s4 =	simm.s32 $_scs_section_size  }
0x9a: {  	s5 =	simm.s32 $_size__tile_overlayer_lowered;
	s6 =	simm.s32 $_tile_overlayer_lowered  }
0x9b: {  	s22 =	simm.s32 $0x1BFF;
	s21 =	sshll.u32 s6, $0x1;
	s3 =	sadd.s32 s4, s19  }
0x9c: {  	s7 =	simm.s32 $0x0;
	s20 =	sshll.u32 s5, $0x1;
	s5 =	sadd.s32 s21, s3  }
0x9d: {  	[timem:s7], [sflag:s22] =	dma.local [hbm:s5], s20  }
0x9e: {  	_ =	swait.ge [sflag:s22], s20  }
0x9f: {  	s4 =	ssub.s32 $0x0, s20;
	[sflag:s22] =	ssyncset.done $0x0  }
0xa0: {  	[sflag:s22] =	ssyncadd.s32 s4;
	_ =	sdelay $0x1  }
0xa1: {  	s23 =	simm.s32 $0x1B8B  }
0xa2: {  	_ =	swait.ge [sflag:s23], $0x1  }
0xa3: {  	[sflag:s23] =	ssyncset.done $0x0  }
0xa4: {  	s25 =	simm.s32 $0x1B8E;
	s24 =	sld [smem:$0x3FFE];
	[sflag:s23] =	ssyncadd.s32 $0xFFFFFFFF  }
0xa5: {  	s26 =	simm.s32 $execute0_lowered;
	[smem:$0x3FD2] =	sst s25  }
0xa6: {  	s5 =	sshll.u32 s26, $0x1;
	_ =	strace $0x80000046;
	[dreg:$0x1] =	wrdreg $0xFFFFFFFF  }
0xa7: {  	s28 =	simm.s32 $_size_execute0_lowered;
	s3 =	sadd.s32 s3, s5;
	[dreg:$0x0] =	wrdreg $0x0  }
0xa8: {  	s5 =	sshll.u32 s28, $0x1;
	[dreg:$0x2] =	wrdreg s3  }
0xa9: {  	[dreg:$0x3] =	wrdreg s5  }
0xaa: {  	[dreg:$0x4] =	wrdreg $0xC0  }
0xab: {  	_ =	task [dreg:s7], $0x5FFFF  }
0xac: {  	[dreg:$0x1] =	wrdreg $0xFFFFFFFF  }
0xad: {  	[dreg:$0x0] =	wrdreg $0x60  }
0xae: {  	[dreg:$0x2] =	wrdreg s2  }
0xaf: {  	[dreg:$0x3] =	wrdreg s24  }
0xb0: {  	[dreg:$0x4] =	wrdreg $0x9  }
0xb1: {  	_ =	task.clear_ibuf [dreg:s7], $0x5FFFF;
	_ =	strace $0x90000046  }
0xb2: {  	s29 =	simm.s32 $0x9;
	_ =	strace $0x80000048  }
0xb3: {  	_ =	swait.ge [sflag:s29], $0x1  }
0xb4: {  	[sflag:s29] =	ssyncadd.s32 $0xFFFFFFFF  }
0xb5: {  	_ =	strace $0x90000048  }
0xb6: {  	_ =	sfence  }
0xb7: {  	s30 =	sld [smem:$0x0];
	_ =	sdelay $0x2  }
0xb8: {  	s31 =	sshll.u32 s1, $0xD;
	s1 =	sshrl.u32 s1, $0x2  }
0xb9: {  	s3 =	sand.u32 $0x4000, s31;
	s1 =	sadd.s32 s1, s30  }
0xba: {  	s0 =	sor.u32 s3, s0;
	s1 =	sshll.u32 s1, $0x11  }
0xbb: {  	s0 =	sor.u32 s1, s0  }
0xbc: {  	s0 =	sadd.s32 $0x8F2B, s0  }
0xbd: {  	[sflag:s0] =	ssyncadd.remote.s32 $0x1  }
0xbe: {  	_ =	sfence.sel $0xFFFF  }
0xbf: {  	[dreg:$0x0] =	wrdreg $0xFFFFFFFF;
	(pc) =	sbr.abs _section_cstart, $3  }
0xc0: {  	[dreg:$0x1] =	wrdreg $0xFFFFFFFF  }
0xc1: {  	_ =	task.clear_ibuf [dreg:s7], $0x2FFFF;
	_ =	strace $0x9FFFFFFF  }
0xc2: {  	(tm) =	ssettm $0x7FFFFFFF  }
0xc3: {  	_ =	shalt  }
tec
execute0_lowered:
.L_overlay_start_1:
0x0: {  	(tag) =	ssettag $0x1  }
0x1: {  	s0 =	rddreg [dreg:$0x0]  }
0x2: {  	s1 =	rddreg [dreg:$0x1]  }
0x3: {  	s3 =	srdreg.scid;
	s4 =	stileid.u32  }
0x4: {  	s2 =	simm.s32 $0x0;
	s10 =	simm.s32 $0x2;
	s12 =	simm.s32 $0x1A300  }
0x5: {  	s13 =	simm.s32 $0x80;
	s16 =	simm.s32 $0x1;
	s18 =	simm.s32 $0xA100  }
0x6: {  	s19 =	simm.s32 $0x1A480;
	s20 =	simm.s32 $0x1A500;
	s21 =	simm.s32 $0x12200  }
0x7: {  	s22 =	simm.s32 $0x1A580;
	s3 =	sand.u32 $0x1, s3;
	s4 =	sshll.u32 s4, $0x1  }
0x8: {  	s23 =	simm.s32 $0x0;
	[smem:$0x7FF] =	sst s2;
	s5 =	sor.u32 s3, s4  }
0x9: {  	v0 =	vlaneseq.u32;
	vm0 =	vmmov $0x1;
	vm1 =	vcmask $0x308;
	_ =	strace $0x80000047;
	s6 =	ssub.s32 $0x2, s3;
	s3 =	sadd.s32 $0x2200, s1  }
0xa: {  	v3 =	vimm.s32 $0x0;
	v1 =	vmul.u32 $0x8, v0;
	v4 =	vor.u32 $0x100000, v0;
	s4 =	sshll.u32 s5, $0x7;
	s8 =	sshrl.u32 s6, $0x1;
	s5 =	sshll.u32 s5, $0xF  }
0xb: {  	v5 =	vor.u32 $0x80, v0;
	v6 =	vor.u32 $0x100, v0;
	v7 =	vor.u32 $0x180, v0;
	s7 =	sadd.s32 s4, s1;
	s4 =	sadd.s32 $0x2400, s1;
	s31 =	ssub.s32 s6, s8  }
0xc: {  	v8 =	vor.u32 $0x200, v0;
	v9 =	vor.u32 $0x280, v0;
	v2 =	vor.u32 $0x2, v1;
	s6 =	sadd.s32 $0x1200, s7;
	s7 =	sadd.s32 s0, s5;
	s8 =	smax.u32 s31, $0x1  }
.LBB2_1:
0xd: {  	s0 =	simm.s32 $0x1A700  }
0xe: {  	[tilespmem:s0], [sflag:$0x2] =	stream.linear.gather [hbm4b:s6+s2], $0x80, $0x38;
	[tilespmem:$0x1A800] =	vst v63  }
0xf: {  	_ =	swait.ge [sflag:s10], $0x80  }
0x10: {  	[sflag:s10] =	ssyncset.done $0x0  }
0x11: {  	s25 =	simm.s32 $0x1A780;
	[sflag:s10] =	ssyncadd.s32 $0xFFFFFF80  }
0x12: {  	[tilespmem:s25], [sflag:$0x2] =	stream.linear.gather [hbm4b:s3+s2], $0x80, $0x38;
	[tilespmem:$0x1A800] =	vst v63  }
0x13: {  	_ =	swait.ge [sflag:s10], $0x80  }
0x14: {  	[sflag:s10] =	ssyncset.done $0x0  }
0x15: {  	[sflag:s10] =	ssyncadd.s32 $0xFFFFFF80  }
0x16: {  	v10 =	vld [tilespmem:$0x1A700];
	_ =	sdelay $0x1  }
0x17: {  	v11 =	vld [tilespmem:$0x1A780];
	_ =	sdelay $0x2  }
0x18: {  	v12 =	vnsel vm0, $0x0, v10  }
0x19: {  	v10 =	vsel vm1, $0x0, v10;
	(xrf0) =	vadd.scan.msk.s32 $0xffff, v12  }
0x1a: {  	(xrf0) =	vadd.scan.msk.s32 $0xffff, v10;
	v10 =	vnsel vm0, $0x0, v11  }
0x1b: {  	(xrf0) =	vadd.scan.msk.s32 $0xffff, v10;
	v10 =	vsel vm1, $0x0, v11  }
0x1c: {  	(xrf0) =	vadd.scan.msk.s32 $0xffff, v10;
	_ =	sdelay $0x2  }
0x1d: {  	v10, _, _ =	vpop (xrf0)  }
0x1e: {  	v11, _, _ =	vpop (xrf0);
	(v2sf) =	vpush v10, $0xF  }
0x1f: {  	v10, _, _ =	vpop (xrf0);
	(v2sf) =	vpush v11, $0xF  }
0x20: {  	(v2sf) =	vpush v10, $0xF;
	v10, _, _ =	vpop (xrf0)  }
0x21: {  	(v2sf) =	vpush v10, $0xF;
	_ =	sdelay $0xb  }
0x22: {  	s26 =	spop (v2sf)  }
0x23: {  	s1 =	spop (v2sf)  }
0x24: {  	s9 =	spop (v2sf);
	s14 =	sadd.s32 s26, s1  }
0x25: {  	s11 =	spop (v2sf);
	s31 =	ssub.s32 s5, s14  }
0x26: {  	s28 =	sadd.s32 s26, s9;
	s24 =	sadd.s32 s1, s11;
	s9 =	sand.u32 $0x7F, s31  }
0x27: {  	s29 =	sand.u32 $0x7F, s28;
	s1 =	simm.s32 $0x0;
	s25 =	sand.u32 $0x7F, s24  }
0x28: {  	s30 =	smov.u32 s29;
	s0 =	smov.u32 s9;
	s26 =	smov.u32 s25  }
.LBB2_2:
0x29: {  	s11 =	sshll.u32 s1, $0xA;
	s14 =	simm.s32 $0x0  }
0x2a: {  	s15 =	simm.s32 $0x0;
	s11 =	sadd.s32 s11, s7;
	v10 =	vor.u32 s14, v2  }
0x2b: {  	[tilespmem:s15], [sflag:$0x2] =	stream.linear.gather [hbm4b:s11+s15], $0x2000, $0x38;
	[tilespmem:$0x1A800] =	vst v63  }
0x2c: {  	_ =	swait.ge [sflag:s10], $0x2000  }
0x2d: {  	[sflag:s10] =	ssyncset.done $0x0  }
0x2e: {  	[sflag:s10] =	ssyncadd.s32 $0xFFFFE000  }
0x2f: {  	v10 =	vld.idx.msk [tilespmem:v10+s2+$0x0], $0xffff;
	_ =	sdelay $0x3  }
0x30: {  	v11 =	vor.u32 s14, v1  }
0x31: {  	vm2 =	veq.f32 v10, $1.000000000e+00  }
0x32: {  	vm3 =	veq.f32 v10, $2.000000000e+00;
	v12 =	vsel vm2, $0x1, v3  }
0x33: {  	v13 =	vsel vm3, $0x1, v3;
	(xrf0) =	vadd.scan.msk.s32 $0xffff, v12  }
0x34: {  	(xrf0) =	vadd.scan.msk.s32 $0xffff, v13  }
0x35: {  	v11 =	vld.idx.msk [tilespmem:v11+s2+$0x0], $0xffff;
	_ =	sdelay $0x1  }
0x36: {  	s15 =	simm.s32 $0x80  }
0x37: {  	v13 =	vor.u32 s15, v2  }
0x38: {  	vm4 =	veq.f32 v10, $0.0e+00;
	v12, _, _ =	vpop (xrf0)  }
0x39: {  	[tilespmem:s0+$0x2000] =	vst.msk vm4, v11;
	(v2sf) =	vpush v12, $0xF;
	v12, _, _ =	vpop (xrf0)  }
0x3a: {  	[tilespmem:s30+$0xA100] =	vst.msk vm2, v11;
	(v2sf) =	vpush v12, $0xF  }
0x3b: {  	[tilespmem:s26+$0x12200] =	vst.msk vm3, v11  }
0x3c: {  	v11 =	vld.idx.msk [tilespmem:v13+s2+$0x0], $0xffff;
	_ =	sdelay $0x4  }
0x3d: {  	vm2 =	veq.f32 v11, $1.000000000e+00  }
0x3e: {  	v10 =	vsel vm2, $0x1, v3  }
0x3f: {  	(xrf0) =	vadd.scan.msk.s32 $0xffff, v10;
	v10 =	vor.u32 s15, v1  }
0x40: {  	vm3 =	veq.f32 v11, $2.000000000e+00  }
0x41: {  	v12 =	vsel vm3, $0x1, v3  }
0x42: {  	(xrf0) =	vadd.scan.msk.s32 $0xffff, v12;
	_ =	sdelay $0x1  }
0x43: {  	v10 =	vld.idx.msk [tilespmem:v10+s2+$0x0], $0xffff;
	s17 =	spop (v2sf)  }
0x44: {  	s15 =	spop (v2sf)  }
0x45: {  	s14 =	simm.s32 $0x100;
	s30 =	sadd.s32 s30, s17;
	s17 =	sadd.s32 s17, s15  }
0x46: {  	s11 =	simm.s32 $0x3;
	vm4 =	veq.f32 v11, $0.0e+00;
	v11 =	vor.u32 s14, v2;
	v12, _, _ =	vpop (xrf0);
	s26 =	sadd.s32 s26, s15;
	s0 =	ssub.s32 s0, s17  }
.LBB2_3:
0x47: {  	p0 =	sne.s32 s11, $0x3F;
	v13 =	vor.u32 s14, v1;
	(v2sf) =	vpush v12, $0xF;
	v12, _, _ =	vpop (xrf0);
	s0 =	sadd.s32 $0x10, s0  }
0x48: {  	[tilespmem:s0+$0x2000] =	vst.msk vm4, v10;
	(v2sf) =	vpush v12, $0xF  }
0x49: {  	[tilespmem:s30+$0xA100] =	vst.msk vm2, v10  }
0x4a: {  	[tilespmem:s26+$0x12200] =	vst.msk vm3, v10  }
0x4b: {  	v11 =	vld.idx.msk [tilespmem:v11+s2+$0x0], $0xffff  }
0x4c: {  	v10 =	vld.idx.msk [tilespmem:v13+s2+$0x0], $0xffff;
	_ =	sdelay $0x4  }
0x4d: {  	vm2 =	veq.f32 v11, $1.000000000e+00;
	vm4 =	veq.f32 v11, $0.0e+00  }
0x4e: {  	vm3 =	veq.f32 v11, $2.000000000e+00;
	v11 =	vsel vm2, $0x1, v3  }
0x4f: {  	v12 =	vsel vm3, $0x1, v3;
	(xrf0) =	vadd.scan.msk.s32 $0xffff, v11  }
0x50: {  	(xrf0) =	vadd.scan.msk.s32 $0xffff, v12  }
.Ltmp0:
0x51: {  	(pc) =	sbr.rel @p0 .LBB2_3-.Ltmp0, $4  }
0x52: {  	s15 =	spop (v2sf)  }
0x53: {  	s30 =	sadd.s32 s30, s15;
	s17 =	spop (v2sf)  }
0x54: {  	s14 =	sshll.u32 s11, $0x7;
	s15 =	sadd.s32 s15, s17;
	s26 =	sadd.s32 s26, s17  }
0x55: {  	s11 =	sadd.s32 $0x1, s11;
	v11 =	vor.u32 s14, v2;
	v12, _, _ =	vpop (xrf0);
	s0 =	ssub.s32 s0, s15  }
0x56: {  	s0 =	sadd.s32 $0x10, s0  }
0x57: {  	[tilespmem:s0+$0x2000] =	vst.msk vm4, v10  }
0x58: {  	[tilespmem:s30+$0xA100] =	vst.msk vm2, v10  }
0x59: {  	[tilespmem:s26+$0x12200] =	vst.msk vm3, v10  }
0x5a: {  	v10 =	vld.idx.msk [tilespmem:v11+s2+$0x0], $0xffff;
	_ =	sdelay $0x4  }
0x5b: {  	vm2 =	veq.f32 v10, $1.000000000e+00  }
0x5c: {  	vm3 =	veq.f32 v10, $2.000000000e+00;
	v11 =	vsel vm2, $0x1, v3  }
0x5d: {  	v13 =	vsel vm3, $0x1, v3;
	(xrf0) =	vadd.scan.msk.s32 $0xffff, v11  }
0x5e: {  	(xrf0) =	vadd.scan.msk.s32 $0xffff, v13;
	_ =	sdelay $0x2  }
0x5f: {  	(v2sf) =	vpush v12, $0xF;
	v11, _, _ =	vpop (xrf0)  }
0x60: {  	(v2sf) =	vpush v11, $0xF  }
0x61: {  	v11, _, _ =	vpop (xrf0)  }
0x62: {  	(v2sf) =	vpush v11, $0xF;
	v11, _, _ =	vpop (xrf0)  }
0x63: {  	(v2sf) =	vpush v11, $0xF;
	_ =	sdelay $0x5  }
0x64: {  	v11 =	vor.u32 s14, v1;
	_ =	sdelay $0x4  }
0x65: {  	s11 =	spop (v2sf);
	v11 =	vld.idx.msk [tilespmem:v11+s2+$0x0], $0xffff  }
0x66: {  	s1 =	sadd.s32 $0x1, s1;
	s14 =	spop (v2sf)  }
0x67: {  	p0 =	sne.s32 s1, $0x20;
	s15 =	sadd.s32 s11, s14  }
.Ltmp1:
0x68: {  	s0 =	ssub.s32 s0, s15;
	s15 =	spop (v2sf);
	(pc) =	sbr.rel @p0 .LBB2_2-.Ltmp1, $4  }
0x69: {  	vm15 =	veq.f32 v10, $0.0e+00;
	s0 =	sadd.s32 $0x10, s0;
	s17 =	spop (v2sf)  }
0x6a: {  	s11 =	sadd.s32 s30, s11;
	[tilespmem:s0+$0x2000] =	vst.msk vm15, v11;
	s30 =	sadd.s32 s15, s17  }
0x6b: {  	s14 =	sadd.s32 s26, s14;
	[tilespmem:s11+$0xA100] =	vst.msk vm2, v11;
	s0 =	ssub.s32 s0, s30  }
0x6c: {  	[tilespmem:s14+$0x12200] =	vst.msk vm3, v11;
	s26 =	sadd.s32 s14, s17;
	s30 =	sadd.s32 s11, s15;
	s0 =	sadd.s32 $0x10, s0  }
0x6d: {  	p0 =	slt.s32 s0, $0x80;
	s1 =	smov.u32 s0;
	s11 =	simm.s32 $0x0  }
0x6e: {  	s1 =	simm.s32 @!p0 $0x80;
	v10 =	vor.u32 s11, v0  }
0x6f: {  	v11 =	vmov s9;
	s31 =	sand.u32 $0xFFFFFF80, s31;
	v12 =	vmov s1  }
0x70: {  	v13 =	vmov s31;
	vm2 =	vge.u32 v10, v11;
	vm3 =	vlt.s32 v10, v12  }
0x71: {  	v15 =	vor.u32 s11, v4;
	v14 =	vor.u32 v13, v10;
	vm2 =	vmand vm2, vm3  }
0x72: {  	s1 =	simm.s32 $0x10;
	v14 =	vsel vm2, v14, v15  }
.LBB2_6:
0x73: {  	p0 =	sne.s32 s1, $0x70;
	[tilespmem:v10+s12+$0x0] =	vst.idx.msk $0xffff, v14;
	s9 =	smov.u32 s1;
	s1 =	sadd.s32 $0x10, s1  }
.Ltmp2:
0x74: {  	v10 =	vor.u32 s9, v0;
	(pc) =	sbr.rel @p0 .LBB2_6-.Ltmp2, $4  }
0x75: {  	vm2 =	vge.u32 v10, v11;
	vm3 =	vlt.s32 v10, v12  }
0x76: {  	vm2 =	vmand vm2, vm3  }
0x77: {  	v15 =	vor.u32 s9, v4;
	v14 =	vor.u32 v13, v10  }
0x78: {  	v14 =	vsel vm2, v14, v15  }
0x79: {  	_ =	sdelay $0x1  }
0x7a: {  	s1 =	sshra.s32 s0, $0x7;
	s9 =	sand.u32 $0xFFFFFF80, s0;
	s11 =	simm.s32 $0x0  }
0x7b: {  	s0 =	sand.u32 $0x7F, s0;
	s14 =	simm.s32 $0x0;
	p0 =	sgt.s32 s1, $0x0  }
0x7c: {  	[tilespmem:v10+s12+$0x0] =	vst.idx.msk $0xffff, v14;
	v10 =	vor.u32 s14, v5;
	s11 =	simm.s32 @!p0 $0x80;
	s0 =	simm.s32 @!p0 $0x0  }
0x7d: {  	s15 =	sadd.s32 s31, s9;
	v15 =	vor.u32 s14, v0;
	v11 =	vmov s11;
	v12 =	vmov s0  }
0x7e: {  	v13 =	vmov s15;
	vm2 =	vge.u32 v15, v11;
	vm3 =	vlt.u32 v15, v12  }
0x7f: {  	v16 =	vor.u32 s14, v4;
	v15 =	vor.u32 v13, v15;
	vm2 =	vmand vm2, vm3  }
0x80: {  	s0 =	simm.s32 $0x10;
	v14 =	vsel vm2, v15, v16  }
.LBB2_8:
0x81: {  	p0 =	sne.s32 s0, $0x70;
	[tilespmem:v10+s12+$0x0] =	vst.idx.msk $0xffff, v14;
	s11 =	smov.u32 s0;
	s0 =	sadd.s32 $0x10, s0  }
.Ltmp3:
0x82: {  	v10 =	vor.u32 s11, v5;
	(pc) =	sbr.rel @p0 .LBB2_8-.Ltmp3, $4  }
0x83: {  	v14 =	vor.u32 s11, v0  }
0x84: {  	vm2 =	vge.u32 v14, v11;
	vm3 =	vlt.u32 v14, v12  }
0x85: {  	v15 =	vor.u32 s11, v4;
	v14 =	vor.u32 v13, v14;
	vm2 =	vmand vm2, vm3  }
0x86: {  	v14 =	vsel vm2, v14, v15  }
0x87: {  	_ =	sdelay $0x3  }
0x88: {  	[tilespmem:v10+s12+$0x0] =	vst.idx.msk $0xffff, v14;
	s0 =	simm.s32 $0x2000  }
0x89: {  	[hbm4b:s4+s13] =	stream.indirect.scatter [tilespmem:s0], [sflag:$0x1], $0x1, s12, s13, $0xb8;
	[tilespmem:$0x1A800] =	vst v63  }
0x8a: {  	s15 =	sadd.s32 $0x2000, s9;
	s17 =	simm.s32 $0x1A380  }
0x8b: {  	[hbm4b:s4+s13] =	stream.indirect.scatter [tilespmem:s15], [sflag:$0x1], $0x1, s17, s13, $0xb8;
	[tilespmem:$0x1A800] =	vst v63  }
0x8c: {  	_ =	swait.ge [sflag:s16], $0x80  }
0x8d: {  	[sflag:s16] =	ssyncset.done $0x0  }
0x8e: {  	p0 =	slt.s32 s1, $0x81;
	[sflag:s16] =	ssyncadd.s32 $0xFFFFFF80  }
0x8f: {  	p1 =	sgt.s32 s1, $0x1;
	s0 =	sadd.s32 @!p0 $0x80, s31;
	_ =	swait.ge [sflag:s16], $0x80  }
0x90: {  	s9 =	simm.s32 @!p0 $0x0;
	s0 =	sshrl.u32 @!p0 s0, $0x3;
	[sflag:s16] =	ssyncset.done $0x0  }
0x91: {  	s11 =	simm.s32 @!p0 $0x2080;
	s0 =	sadd.s32 @!p0 s4, s0;
	[sflag:s16] =	ssyncadd.s32 $0xFFFFFF80  }
0x92: {  	[hbm4b:s0+s9] =	stream.linear.scatter @!p0 [tilespmem:s11], [sflag:$0x1], $0x4000, $0x38;
	[tilespmem:$0x1A800] =	vst v63  }
0x93: {  	s1 =	simm.s32 @!p1 $0x1;
	s9 =	simm.s32 @!p0 $0xFFFFBF80  }
0x94: {  	s1 =	sshll.u32 s1, $0x7;
	s9 =	simm.s32 @p0 $0xFFFFFF80  }
0x95: {  	s11 =	simm.s32 @!p0 $0x1;
	s0 =	simm.s32 @!p0 $0x4080;
	s1 =	sadd.s32 s1, s9  }
0x96: {  	_ =	swait.ge @!p0 [sflag:s11], $0x4000;
	s0 =	simm.s32 @p0 $0x80;
	p1 =	slt.s32 s1, $0x4000  }
0x97: {  	[sflag:s11] =	ssyncset.done @!p0 $0x0;
	s9 =	sadd.s32 @!p1 s31, s0  }
0x98: {  	[sflag:s11] =	ssyncadd.s32 @!p0 $0xFFFFC000;
	s9 =	sshrl.u32 @!p1 s9, $0x3  }
0x99: {  	s11 =	sadd.s32 @!p1 $0x2000, s0;
	s14 =	simm.s32 @!p1 $0x0;
	s9 =	sadd.s32 @!p1 s4, s9  }
0x9a: {  	[hbm4b:s9+s14] =	stream.linear.scatter @!p1 [tilespmem:s11], [sflag:$0x1], $0x4000, $0x38;
	[tilespmem:$0x1A800] =	vst v63  }
0x9b: {  	p0 =	sgt.s32 s1, $0x3FFF;
	s9 =	sadd.s32 $0xFFFFC000, s1  }
0x9c: {  	s11 =	simm.s32 @!p1 $0x1;
	s14 =	sadd.s32 $0x4000, s0;
	s1 =	smov.u32 @p0 s9  }
0x9d: {  	_ =	swait.ge @!p1 [sflag:s11], $0x4000;
	s0 =	smov.u32 @p0 s14;
	p0 =	slt.s32 s1, $0x2000  }
0x9e: {  	[sflag:s11] =	ssyncset.done @!p1 $0x0;
	s9 =	sadd.s32 @!p0 s31, s0  }
0x9f: {  	[sflag:s11] =	ssyncadd.s32 @!p1 $0xFFFFC000;
	s9 =	sshrl.u32 @!p0 s9, $0x3  }
0xa0: {  	s11 =	sadd.s32 @!p0 $0x2000, s0;
	s14 =	simm.s32 @!p0 $0x0;
	s9 =	sadd.s32 @!p0 s4, s9  }
0xa1: {  	[hbm4b:s9+s14] =	stream.linear.scatter @!p0 [tilespmem:s11], [sflag:$0x1], $0x2000, $0x38;
	[tilespmem:$0x1A800] =	vst v63  }
0xa2: {  	p1 =	sgt.s32 s1, $0x1FFF;
	s9 =	sadd.s32 $0xFFFFE000, s1  }
0xa3: {  	s11 =	simm.s32 @!p0 $0x1;
	s14 =	sor.u32 $0x2000, s0;
	s1 =	smov.u32 @p1 s9  }
0xa4: {  	_ =	swait.ge @!p0 [sflag:s11], $0x2000;
	s0 =	smov.u32 @p1 s14;
	p1 =	slt.s32 s1, $0x1000  }
0xa5: {  	[sflag:s11] =	ssyncset.done @!p0 $0x0;
	s9 =	sadd.s32 @!p1 s31, s0  }
0xa6: {  	[sflag:s11] =	ssyncadd.s32 @!p0 $0xFFFFE000;
	s9 =	sshrl.u32 @!p1 s9, $0x3  }
0xa7: {  	s11 =	sadd.s32 @!p1 $0x2000, s0;
	s14 =	simm.s32 @!p1 $0x0;
	s9 =	sadd.s32 @!p1 s4, s9  }
0xa8: {  	[hbm4b:s9+s14] =	stream.linear.scatter @!p1 [tilespmem:s11], [sflag:$0x1], $0x1000, $0x38;
	[tilespmem:$0x1A800] =	vst v63  }
0xa9: {  	p0 =	sgt.s32 s1, $0xFFF;
	s9 =	sadd.s32 $0xFFFFF000, s1  }
0xaa: {  	s11 =	simm.s32 @!p1 $0x1;
	s14 =	sor.u32 $0x1000, s0;
	s1 =	smov.u32 @p0 s9  }
0xab: {  	_ =	swait.ge @!p1 [sflag:s11], $0x1000;
	s0 =	smov.u32 @p0 s14;
	p0 =	slt.s32 s1, $0x800  }
0xac: {  	[sflag:s11] =	ssyncset.done @!p1 $0x0;
	s9 =	sadd.s32 @!p0 s31, s0  }
0xad: {  	[sflag:s11] =	ssyncadd.s32 @!p1 $0xFFFFF000;
	s9 =	sshrl.u32 @!p0 s9, $0x3  }
0xae: {  	s11 =	sadd.s32 @!p0 $0x2000, s0;
	s14 =	simm.s32 @!p0 $0x0;
	s9 =	sadd.s32 @!p0 s4, s9  }
0xaf: {  	[hbm4b:s9+s14] =	stream.linear.scatter @!p0 [tilespmem:s11], [sflag:$0x1], $0x800, $0x38;
	[tilespmem:$0x1A800] =	vst v63  }
0xb0: {  	p1 =	sgt.s32 s1, $0x7FF;
	s9 =	sadd.s32 $0xFFFFF800, s1  }
0xb1: {  	s11 =	simm.s32 @!p0 $0x1;
	s14 =	sadd.s32 $0x800, s0;
	s1 =	smov.u32 @p1 s9  }
0xb2: {  	_ =	swait.ge @!p0 [sflag:s11], $0x800;
	s0 =	smov.u32 @p1 s14;
	p1 =	slt.s32 s1, $0x400  }
0xb3: {  	[sflag:s11] =	ssyncset.done @!p0 $0x0;
	s9 =	sadd.s32 @!p1 s31, s0  }
0xb4: {  	[sflag:s11] =	ssyncadd.s32 @!p0 $0xFFFFF800;
	s9 =	sshrl.u32 @!p1 s9, $0x3  }
0xb5: {  	s11 =	sadd.s32 @!p1 $0x2000, s0;
	s14 =	simm.s32 @!p1 $0x0;
	s9 =	sadd.s32 @!p1 s4, s9  }
0xb6: {  	[hbm4b:s9+s14] =	stream.linear.scatter @!p1 [tilespmem:s11], [sflag:$0x1], $0x400, $0x38;
	[tilespmem:$0x1A800] =	vst v63  }
0xb7: {  	p0 =	sgt.s32 s1, $0x3FF;
	s9 =	sadd.s32 $0xFFFFFC00, s1  }
0xb8: {  	s11 =	simm.s32 @!p1 $0x1;
	s14 =	sadd.s32 $0x400, s0;
	s1 =	smov.u32 @p0 s9  }
0xb9: {  	_ =	swait.ge @!p1 [sflag:s11], $0x400;
	s0 =	smov.u32 @p0 s14;
	p0 =	slt.s32 s1, $0x200  }
0xba: {  	[sflag:s11] =	ssyncset.done @!p1 $0x0;
	s9 =	sadd.s32 @!p0 s31, s0  }
0xbb: {  	[sflag:s11] =	ssyncadd.s32 @!p1 $0xFFFFFC00;
	s9 =	sshrl.u32 @!p0 s9, $0x3  }
0xbc: {  	s11 =	sadd.s32 @!p0 $0x2000, s0;
	s14 =	simm.s32 @!p0 $0x0;
	s9 =	sadd.s32 @!p0 s4, s9  }
0xbd: {  	[hbm4b:s9+s14] =	stream.linear.scatter @!p0 [tilespmem:s11], [sflag:$0x1], $0x200, $0x38;
	[tilespmem:$0x1A800] =	vst v63  }
0xbe: {  	p1 =	sgt.s32 s1, $0x1FF;
	s9 =	sadd.s32 $0xFFFFFE00, s1  }
0xbf: {  	s11 =	simm.s32 @!p0 $0x1;
	s14 =	sadd.s32 $0x200, s0;
	s1 =	smov.u32 @p1 s9  }
0xc0: {  	_ =	swait.ge @!p0 [sflag:s11], $0x200;
	s0 =	smov.u32 @p1 s14;
	p1 =	slt.s32 s1, $0x100  }
0xc1: {  	[sflag:s11] =	ssyncset.done @!p0 $0x0;
	s9 =	sadd.s32 @!p1 s31, s0  }
0xc2: {  	[sflag:s11] =	ssyncadd.s32 @!p0 $0xFFFFFE00;
	s9 =	sshrl.u32 @!p1 s9, $0x3  }
0xc3: {  	s11 =	sadd.s32 @!p1 $0x2000, s0;
	s14 =	simm.s32 @!p1 $0x0;
	s9 =	sadd.s32 @!p1 s4, s9  }
0xc4: {  	[hbm4b:s9+s14] =	stream.linear.scatter @!p1 [tilespmem:s11], [sflag:$0x1], $0x100, $0x38;
	[tilespmem:$0x1A800] =	vst v63  }
0xc5: {  	p0 =	sgt.s32 s1, $0xFF;
	s9 =	sadd.s32 $0xFFFFFF00, s1;
	s11 =	smov.u32 s1  }
0xc6: {  	s11 =	smov.u32 @p0 s9  }
0xc7: {  	p0 =	slt.s32 s11, $0x80  }
0xc8: {  	p2 =	sgt.s32 @!p0 s1, $0xFF  }
0xc9: {  	s1 =	simm.s32 @!p1 $0x1;
	s9 =	sadd.s32 @!p0 $0x100, s0;
	p2 =	por !p2, p0  }
0xca: {  	_ =	swait.ge @!p1 [sflag:s1], $0x100;
	s9 =	smov.u32 @p2 s0  }
0xcb: {  	[sflag:s1] =	ssyncset.done @!p1 $0x0;
	s0 =	sadd.s32 @!p0 s31, s9  }
0xcc: {  	[sflag:s1] =	ssyncadd.s32 @!p1 $0xFFFFFF00;
	s0 =	sshrl.u32 @!p0 s0, $0x3  }
0xcd: {  	s1 =	sadd.s32 @!p0 $0x2000, s9;
	s9 =	simm.s32 @!p0 $0x0;
	s0 =	sadd.s32 @!p0 s4, s0  }
0xce: {  	[hbm4b:s0+s9] =	stream.linear.scatter @!p0 [tilespmem:s1], [sflag:$0x1], $0x80, $0x38;
	[tilespmem:$0x1A800] =	vst v63  }
0xcf: {  	p1 =	slt.s32 s30, $0x80;
	s31 =	simm.s32 $0x0;
	s0 =	smov.u32 s30  }
0xd0: {  	s28 =	sand.u32 $0xFFFFFF80, s28;
	v11 =	vmov s29;
	v10 =	vor.u32 s31, v0;
	s0 =	simm.s32 @!p1 $0x80  }
0xd1: {  	v13 =	vmov s28;
	vm2 =	vge.u32 v10, v11;
	v12 =	vmov s0  }
0xd2: {  	v14 =	vor.u32 v13, v10;
	vm3 =	vlt.s32 v10, v12;
	v10 =	vor.u32 s31, v6  }
0xd3: {  	s9 =	simm.s32 @!p0 $0x1  }
0xd4: {  	_ =	swait.ge @!p0 [sflag:s9], $0x80  }
0xd5: {  	v15 =	vor.u32 s31, v4;
	[sflag:s9] =	ssyncset.done @!p0 $0x0;
	vm2 =	vmand vm2, vm3  }
0xd6: {  	s0 =	simm.s32 $0x10;
	[sflag:s9] =	ssyncadd.s32 @!p0 $0xFFFFFF80;
	v14 =	vsel vm2, v14, v15  }
.LBB2_10:
0xd7: {  	p0 =	sne.s32 s0, $0x70;
	[tilespmem:v10+s12+$0x0] =	vst.idx.msk $0xffff, v14;
	s1 =	smov.u32 s0;
	s0 =	sadd.s32 $0x10, s0  }
.Ltmp4:
0xd8: {  	v10 =	vor.u32 s1, v6;
	(pc) =	sbr.rel @p0 .LBB2_10-.Ltmp4, $4  }
0xd9: {  	v14 =	vor.u32 s1, v0  }
0xda: {  	vm2 =	vge.u32 v14, v11;
	vm3 =	vlt.s32 v14, v12  }
0xdb: {  	v15 =	vor.u32 s1, v4;
	v14 =	vor.u32 v13, v14;
	vm2 =	vmand vm2, vm3  }
0xdc: {  	v14 =	vsel vm2, v14, v15  }
0xdd: {  	_ =	sdelay $0x1  }
0xde: {  	s0 =	sshra.s32 s30, $0x7;
	s9 =	simm.s32 $0x0  }
0xdf: {  	s11 =	sand.u32 $0x7F, s30;
	s14 =	simm.s32 $0x0;
	p0 =	sgt.s32 s0, $0x0  }
0xe0: {  	s1 =	sand.u32 $0xFFFFFF80, s30;
	[tilespmem:v10+s12+$0x0] =	vst.idx.msk $0xffff, v14;
	v10 =	vor.u32 s14, v7;
	s9 =	simm.s32 @!p0 $0x80;
	s11 =	simm.s32 @!p0 $0x0  }
0xe1: {  	s15 =	sadd.s32 s28, s1;
	v15 =	vor.u32 s14, v0;
	v11 =	vmov s9;
	v12 =	vmov s11  }
0xe2: {  	v13 =	vmov s15;
	vm2 =	vge.u32 v15, v11;
	vm3 =	vlt.u32 v15, v12  }
0xe3: {  	v16 =	vor.u32 s14, v4;
	v15 =	vor.u32 v13, v15;
	vm2 =	vmand vm2, vm3  }
0xe4: {  	s9 =	simm.s32 $0x10;
	v14 =	vsel vm2, v15, v16  }
.LBB2_12:
0xe5: {  	p0 =	sne.s32 s9, $0x70;
	[tilespmem:v10+s12+$0x0] =	vst.idx.msk $0xffff, v14;
	s11 =	smov.u32 s9;
	s9 =	sadd.s32 $0x10, s9  }
.Ltmp5:
0xe6: {  	v10 =	vor.u32 s11, v7;
	(pc) =	sbr.rel @p0 .LBB2_12-.Ltmp5, $4  }
0xe7: {  	v14 =	vor.u32 s11, v0  }
0xe8: {  	vm2 =	vge.u32 v14, v11;
	vm3 =	vlt.u32 v14, v12  }
0xe9: {  	v15 =	vor.u32 s11, v4;
	v14 =	vor.u32 v13, v14;
	vm2 =	vmand vm2, vm3  }
0xea: {  	v14 =	vsel vm2, v14, v15  }
0xeb: {  	_ =	sdelay $0x3  }
0xec: {  	[tilespmem:v10+s12+$0x0] =	vst.idx.msk $0xffff, v14;
	s9 =	simm.s32 $0x1A400  }
0xed: {  	[hbm4b:s4+s13] =	stream.indirect.scatter [tilespmem:s18], [sflag:$0x1], $0x1, s9, s13, $0xb8;
	[tilespmem:$0x1A800] =	vst v63  }
0xee: {  	s1 =	sadd.s32 $0xA100, s1  }
0xef: {  	[hbm4b:s4+s13] =	stream.indirect.scatter [tilespmem:s1], [sflag:$0x1], $0x1, s19, s13, $0xb8;
	[tilespmem:$0x1A800] =	vst v63  }
0xf0: {  	_ =	swait.ge [sflag:s16], $0x80  }
0xf1: {  	[sflag:s16] =	ssyncset.done $0x0  }
0xf2: {  	p0 =	slt.s32 s0, $0x81;
	[sflag:s16] =	ssyncadd.s32 $0xFFFFFF80  }
0xf3: {  	p1 =	sgt.s32 s0, $0x1;
	s1 =	sadd.s32 @!p0 $0x80, s28;
	_ =	swait.ge [sflag:s16], $0x80  }
0xf4: {  	s9 =	simm.s32 @!p0 $0x0;
	s1 =	sshrl.u32 @!p0 s1, $0x3;
	[sflag:s16] =	ssyncset.done $0x0  }
0xf5: {  	s11 =	simm.s32 @!p0 $0xA180;
	s1 =	sadd.s32 @!p0 s4, s1;
	[sflag:s16] =	ssyncadd.s32 $0xFFFFFF80  }
0xf6: {  	[hbm4b:s1+s9] =	stream.linear.scatter @!p0 [tilespmem:s11], [sflag:$0x1], $0x4000, $0x38;
	[tilespmem:$0x1A800] =	vst v63  }
0xf7: {  	s0 =	simm.s32 @!p1 $0x1;
	s1 =	simm.s32 @!p0 $0xFFFFBF80  }
0xf8: {  	s30 =	sshll.u32 s0, $0x7;
	s1 =	simm.s32 @p0 $0xFFFFFF80  }
0xf9: {  	s0 =	simm.s32 @!p0 $0x4080;
	s11 =	simm.s32 @!p0 $0x1;
	s1 =	sadd.s32 s30, s1  }
0xfa: {  	s0 =	simm.s32 @p0 $0x80;
	_ =	swait.ge @!p0 [sflag:s11], $0x4000;
	p1 =	slt.s32 s1, $0x4000  }
0xfb: {  	[sflag:s11] =	ssyncset.done @!p0 $0x0;
	s9 =	sadd.s32 @!p1 s28, s0  }
0xfc: {  	[sflag:s11] =	ssyncadd.s32 @!p0 $0xFFFFC000;
	s9 =	sshrl.u32 @!p1 s9, $0x3  }
0xfd: {  	s11 =	sadd.s32 @!p1 $0xA100, s0;
	s14 =	simm.s32 @!p1 $0x0;
	s9 =	sadd.s32 @!p1 s4, s9  }
0xfe: {  	[hbm4b:s9+s14] =	stream.linear.scatter @!p1 [tilespmem:s11], [sflag:$0x1], $0x4000, $0x38;
	[tilespmem:$0x1A800] =	vst v63  }
0xff: {  	p0 =	sgt.s32 s1, $0x3FFF;
	s9 =	sadd.s32 $0xFFFFC000, s1  }
0x100: {  	s11 =	simm.s32 @!p1 $0x1;
	s14 =	sadd.s32 $0x4000, s0;
	s1 =	smov.u32 @p0 s9  }
0x101: {  	_ =	swait.ge @!p1 [sflag:s11], $0x4000;
	s0 =	smov.u32 @p0 s14;
	p0 =	slt.s32 s1, $0x2000  }
0x102: {  	[sflag:s11] =	ssyncset.done @!p1 $0x0;
	s9 =	sadd.s32 @!p0 s28, s0  }
0x103: {  	[sflag:s11] =	ssyncadd.s32 @!p1 $0xFFFFC000;
	s9 =	sshrl.u32 @!p0 s9, $0x3  }
0x104: {  	s11 =	sadd.s32 @!p0 $0xA100, s0;
	s14 =	simm.s32 @!p0 $0x0;
	s9 =	sadd.s32 @!p0 s4, s9  }
0x105: {  	[hbm4b:s9+s14] =	stream.linear.scatter @!p0 [tilespmem:s11], [sflag:$0x1], $0x2000, $0x38;
	[tilespmem:$0x1A800] =	vst v63  }
0x106: {  	p1 =	sgt.s32 s1, $0x1FFF;
	s9 =	sadd.s32 $0xFFFFE000, s1  }
0x107: {  	s11 =	simm.s32 @!p0 $0x1;
	s14 =	sor.u32 $0x2000, s0;
	s1 =	smov.u32 @p1 s9  }
0x108: {  	_ =	swait.ge @!p0 [sflag:s11], $0x2000;
	s0 =	smov.u32 @p1 s14;
	p1 =	slt.s32 s1, $0x1000  }
0x109: {  	[sflag:s11] =	ssyncset.done @!p0 $0x0;
	s9 =	sadd.s32 @!p1 s28, s0  }
0x10a: {  	[sflag:s11] =	ssyncadd.s32 @!p0 $0xFFFFE000;
	s9 =	sshrl.u32 @!p1 s9, $0x3  }
0x10b: {  	s11 =	sadd.s32 @!p1 $0xA100, s0;
	s14 =	simm.s32 @!p1 $0x0;
	s9 =	sadd.s32 @!p1 s4, s9  }
0x10c: {  	[hbm4b:s9+s14] =	stream.linear.scatter @!p1 [tilespmem:s11], [sflag:$0x1], $0x1000, $0x38;
	[tilespmem:$0x1A800] =	vst v63  }
0x10d: {  	p0 =	sgt.s32 s1, $0xFFF;
	s9 =	sadd.s32 $0xFFFFF000, s1  }
0x10e: {  	s11 =	simm.s32 @!p1 $0x1;
	s14 =	sor.u32 $0x1000, s0;
	s1 =	smov.u32 @p0 s9  }
0x10f: {  	_ =	swait.ge @!p1 [sflag:s11], $0x1000;
	s0 =	smov.u32 @p0 s14;
	p0 =	slt.s32 s1, $0x800  }
0x110: {  	[sflag:s11] =	ssyncset.done @!p1 $0x0;
	s9 =	sadd.s32 @!p0 s28, s0  }
0x111: {  	[sflag:s11] =	ssyncadd.s32 @!p1 $0xFFFFF000;
	s9 =	sshrl.u32 @!p0 s9, $0x3  }
0x112: {  	s11 =	sadd.s32 @!p0 $0xA100, s0;
	s14 =	simm.s32 @!p0 $0x0;
	s9 =	sadd.s32 @!p0 s4, s9  }
0x113: {  	[hbm4b:s9+s14] =	stream.linear.scatter @!p0 [tilespmem:s11], [sflag:$0x1], $0x800, $0x38;
	[tilespmem:$0x1A800] =	vst v63  }
0x114: {  	p1 =	sgt.s32 s1, $0x7FF;
	s9 =	sadd.s32 $0xFFFFF800, s1  }
0x115: {  	s11 =	simm.s32 @!p0 $0x1;
	s14 =	sadd.s32 $0x800, s0;
	s1 =	smov.u32 @p1 s9  }
0x116: {  	_ =	swait.ge @!p0 [sflag:s11], $0x800;
	s0 =	smov.u32 @p1 s14;
	p1 =	slt.s32 s1, $0x400  }
0x117: {  	[sflag:s11] =	ssyncset.done @!p0 $0x0;
	s9 =	sadd.s32 @!p1 s28, s0  }
0x118: {  	[sflag:s11] =	ssyncadd.s32 @!p0 $0xFFFFF800;
	s9 =	sshrl.u32 @!p1 s9, $0x3  }
0x119: {  	s11 =	sadd.s32 @!p1 $0xA100, s0;
	s14 =	simm.s32 @!p1 $0x0;
	s9 =	sadd.s32 @!p1 s4, s9  }
0x11a: {  	[hbm4b:s9+s14] =	stream.linear.scatter @!p1 [tilespmem:s11], [sflag:$0x1], $0x400, $0x38;
	[tilespmem:$0x1A800] =	vst v63  }
0x11b: {  	p0 =	sgt.s32 s1, $0x3FF;
	s9 =	sadd.s32 $0xFFFFFC00, s1  }
0x11c: {  	s11 =	simm.s32 @!p1 $0x1;
	s14 =	sadd.s32 $0x400, s0;
	s1 =	smov.u32 @p0 s9  }
0x11d: {  	_ =	swait.ge @!p1 [sflag:s11], $0x400;
	s0 =	smov.u32 @p0 s14;
	p0 =	slt.s32 s1, $0x200  }
0x11e: {  	[sflag:s11] =	ssyncset.done @!p1 $0x0;
	s9 =	sadd.s32 @!p0 s28, s0  }
0x11f: {  	[sflag:s11] =	ssyncadd.s32 @!p1 $0xFFFFFC00;
	s9 =	sshrl.u32 @!p0 s9, $0x3  }
0x120: {  	s11 =	sadd.s32 @!p0 $0xA100, s0;
	s14 =	simm.s32 @!p0 $0x0;
	s9 =	sadd.s32 @!p0 s4, s9  }
0x121: {  	[hbm4b:s9+s14] =	stream.linear.scatter @!p0 [tilespmem:s11], [sflag:$0x1], $0x200, $0x38;
	[tilespmem:$0x1A800] =	vst v63  }
0x122: {  	p1 =	sgt.s32 s1, $0x1FF;
	s9 =	sadd.s32 $0xFFFFFE00, s1  }
0x123: {  	s11 =	simm.s32 @!p0 $0x1;
	s14 =	sadd.s32 $0x200, s0;
	s1 =	smov.u32 @p1 s9  }
0x124: {  	_ =	swait.ge @!p0 [sflag:s11], $0x200;
	s0 =	smov.u32 @p1 s14;
	p1 =	slt.s32 s1, $0x100  }
0x125: {  	[sflag:s11] =	ssyncset.done @!p0 $0x0;
	s9 =	sadd.s32 @!p1 s28, s0  }
0x126: {  	[sflag:s11] =	ssyncadd.s32 @!p0 $0xFFFFFE00;
	s9 =	sshrl.u32 @!p1 s9, $0x3  }
0x127: {  	s11 =	sadd.s32 @!p1 $0xA100, s0;
	s14 =	simm.s32 @!p1 $0x0;
	s9 =	sadd.s32 @!p1 s4, s9  }
0x128: {  	[hbm4b:s9+s14] =	stream.linear.scatter @!p1 [tilespmem:s11], [sflag:$0x1], $0x100, $0x38;
	[tilespmem:$0x1A800] =	vst v63  }
0x129: {  	p0 =	sgt.s32 s1, $0xFF;
	s9 =	sadd.s32 $0xFFFFFF00, s1;
	s11 =	smov.u32 s1  }
0x12a: {  	s11 =	smov.u32 @p0 s9  }
0x12b: {  	p0 =	slt.s32 s11, $0x80  }
0x12c: {  	p2 =	sgt.s32 @!p0 s1, $0xFF  }
0x12d: {  	s1 =	simm.s32 @!p1 $0x1;
	s9 =	sadd.s32 @!p0 $0x100, s0;
	p2 =	por !p2, p0  }
0x12e: {  	_ =	swait.ge @!p1 [sflag:s1], $0x100;
	s9 =	smov.u32 @p2 s0  }
0x12f: {  	[sflag:s1] =	ssyncset.done @!p1 $0x0;
	s0 =	sadd.s32 @!p0 s28, s9  }
0x130: {  	[sflag:s1] =	ssyncadd.s32 @!p1 $0xFFFFFF00;
	s0 =	sshrl.u32 @!p0 s0, $0x3  }
0x131: {  	s1 =	sadd.s32 @!p0 $0xA100, s9;
	s9 =	simm.s32 @!p0 $0x0;
	s0 =	sadd.s32 @!p0 s4, s0  }
0x132: {  	[hbm4b:s0+s9] =	stream.linear.scatter @!p0 [tilespmem:s1], [sflag:$0x1], $0x80, $0x38;
	[tilespmem:$0x1A800] =	vst v63  }
0x133: {  	s31 =	simm.s32 $0x0;
	p1 =	slt.s32 s26, $0x80;
	s0 =	smov.u32 s26  }
0x134: {  	s24 =	sand.u32 $0xFFFFFF80, s24;
	v11 =	vmov s25;
	v10 =	vor.u32 s31, v0;
	s0 =	simm.s32 @!p1 $0x80  }
0x135: {  	v13 =	vmov s24;
	vm2 =	vge.u32 v10, v11;
	v12 =	vmov s0  }
0x136: {  	v14 =	vor.u32 v13, v10;
	vm3 =	vlt.s32 v10, v12;
	v10 =	vor.u32 s31, v8  }
0x137: {  	s9 =	simm.s32 @!p0 $0x1  }
0x138: {  	_ =	swait.ge @!p0 [sflag:s9], $0x80  }
0x139: {  	v15 =	vor.u32 s31, v4;
	[sflag:s9] =	ssyncset.done @!p0 $0x0;
	vm2 =	vmand vm2, vm3  }
0x13a: {  	s0 =	simm.s32 $0x10;
	[sflag:s9] =	ssyncadd.s32 @!p0 $0xFFFFFF80;
	v14 =	vsel vm2, v14, v15  }
.LBB2_14:
0x13b: {  	p0 =	sne.s32 s0, $0x70;
	[tilespmem:v10+s12+$0x0] =	vst.idx.msk $0xffff, v14;
	s1 =	smov.u32 s0;
	s0 =	sadd.s32 $0x10, s0  }
.Ltmp6:
0x13c: {  	v10 =	vor.u32 s1, v8;
	(pc) =	sbr.rel @p0 .LBB2_14-.Ltmp6, $4  }
0x13d: {  	v14 =	vor.u32 s1, v0  }
0x13e: {  	vm2 =	vge.u32 v14, v11;
	vm3 =	vlt.s32 v14, v12  }
0x13f: {  	v15 =	vor.u32 s1, v4;
	v14 =	vor.u32 v13, v14;
	vm2 =	vmand vm2, vm3  }
0x140: {  	v14 =	vsel vm2, v14, v15  }
0x141: {  	_ =	sdelay $0x1  }
0x142: {  	s0 =	sshra.s32 s26, $0x7;
	s9 =	simm.s32 $0x0  }
0x143: {  	s11 =	sand.u32 $0x7F, s26;
	s14 =	simm.s32 $0x0;
	p0 =	sgt.s32 s0, $0x0  }
0x144: {  	s1 =	sand.u32 $0xFFFFFF80, s26;
	[tilespmem:v10+s12+$0x0] =	vst.idx.msk $0xffff, v14;
	v10 =	vor.u32 s14, v9;
	s9 =	simm.s32 @!p0 $0x80;
	s11 =	simm.s32 @!p0 $0x0  }
0x145: {  	s15 =	sadd.s32 s24, s1;
	v15 =	vor.u32 s14, v0;
	v11 =	vmov s9;
	v12 =	vmov s11  }
0x146: {  	v13 =	vmov s15;
	vm2 =	vge.u32 v15, v11;
	vm3 =	vlt.u32 v15, v12  }
0x147: {  	v16 =	vor.u32 s14, v4;
	v15 =	vor.u32 v13, v15;
	vm2 =	vmand vm2, vm3  }
0x148: {  	s9 =	simm.s32 $0x10;
	v14 =	vsel vm2, v15, v16  }
.LBB2_16:
0x149: {  	p0 =	sne.s32 s9, $0x70;
	[tilespmem:v10+s12+$0x0] =	vst.idx.msk $0xffff, v14;
	s11 =	smov.u32 s9;
	s9 =	sadd.s32 $0x10, s9  }
.Ltmp7:
0x14a: {  	v10 =	vor.u32 s11, v9;
	(pc) =	sbr.rel @p0 .LBB2_16-.Ltmp7, $4  }
0x14b: {  	v14 =	vor.u32 s11, v0  }
0x14c: {  	vm2 =	vge.u32 v14, v11;
	vm3 =	vlt.u32 v14, v12  }
0x14d: {  	v15 =	vor.u32 s11, v4;
	v14 =	vor.u32 v13, v14;
	vm2 =	vmand vm2, vm3  }
0x14e: {  	v14 =	vsel vm2, v14, v15  }
0x14f: {  	_ =	sdelay $0x3  }
0x150: {  	[tilespmem:v10+s12+$0x0] =	vst.idx.msk $0xffff, v14  }
0x151: {  	[hbm4b:s4+s13] =	stream.indirect.scatter [tilespmem:s21], [sflag:$0x1], $0x1, s20, s13, $0xb8;
	[tilespmem:$0x1A800] =	vst v63  }
0x152: {  	s1 =	sadd.s32 $0x12200, s1  }
0x153: {  	[hbm4b:s4+s13] =	stream.indirect.scatter [tilespmem:s1], [sflag:$0x1], $0x1, s22, s13, $0xb8;
	[tilespmem:$0x1A800] =	vst v63  }
0x154: {  	_ =	swait.ge [sflag:s16], $0x80  }
0x155: {  	[sflag:s16] =	ssyncset.done $0x0  }
0x156: {  	p0 =	slt.s32 s0, $0x81;
	[sflag:s16] =	ssyncadd.s32 $0xFFFFFF80  }
0x157: {  	p1 =	sgt.s32 s0, $0x1;
	s1 =	sadd.s32 @!p0 $0x80, s24;
	_ =	swait.ge [sflag:s16], $0x80  }
0x158: {  	s9 =	simm.s32 @!p0 $0x0;
	s1 =	sshrl.u32 @!p0 s1, $0x3;
	[sflag:s16] =	ssyncset.done $0x0  }
0x159: {  	s11 =	simm.s32 @!p0 $0x12280;
	s1 =	sadd.s32 @!p0 s4, s1;
	[sflag:s16] =	ssyncadd.s32 $0xFFFFFF80  }
0x15a: {  	[hbm4b:s1+s9] =	stream.linear.scatter @!p0 [tilespmem:s11], [sflag:$0x1], $0x4000, $0x38;
	[tilespmem:$0x1A800] =	vst v63  }
0x15b: {  	s0 =	simm.s32 @!p1 $0x1;
	s1 =	simm.s32 @!p0 $0xFFFFBF80  }
0x15c: {  	s31 =	sshll.u32 s0, $0x7;
	s1 =	simm.s32 @p0 $0xFFFFFF80  }
0x15d: {  	s0 =	simm.s32 @!p0 $0x4080;
	s11 =	simm.s32 @!p0 $0x1;
	s1 =	sadd.s32 s31, s1  }
0x15e: {  	s0 =	simm.s32 @p0 $0x80;
	_ =	swait.ge @!p0 [sflag:s11], $0x4000;
	p1 =	slt.s32 s1, $0x4000  }
0x15f: {  	[sflag:s11] =	ssyncset.done @!p0 $0x0;
	s9 =	sadd.s32 @!p1 s24, s0  }
0x160: {  	[sflag:s11] =	ssyncadd.s32 @!p0 $0xFFFFC000;
	s9 =	sshrl.u32 @!p1 s9, $0x3  }
0x161: {  	s11 =	sadd.s32 @!p1 $0x12200, s0;
	s14 =	simm.s32 @!p1 $0x0;
	s9 =	sadd.s32 @!p1 s4, s9  }
0x162: {  	[hbm4b:s9+s14] =	stream.linear.scatter @!p1 [tilespmem:s11], [sflag:$0x1], $0x4000, $0x38;
	[tilespmem:$0x1A800] =	vst v63  }
0x163: {  	p0 =	sgt.s32 s1, $0x3FFF;
	s9 =	sadd.s32 $0xFFFFC000, s1  }
0x164: {  	s11 =	simm.s32 @!p1 $0x1;
	s14 =	sadd.s32 $0x4000, s0;
	s1 =	smov.u32 @p0 s9  }
0x165: {  	_ =	swait.ge @!p1 [sflag:s11], $0x4000;
	s0 =	smov.u32 @p0 s14;
	p0 =	slt.s32 s1, $0x2000  }
0x166: {  	[sflag:s11] =	ssyncset.done @!p1 $0x0;
	s9 =	sadd.s32 @!p0 s24, s0  }
0x167: {  	[sflag:s11] =	ssyncadd.s32 @!p1 $0xFFFFC000;
	s9 =	sshrl.u32 @!p0 s9, $0x3  }
0x168: {  	s11 =	sadd.s32 @!p0 $0x12200, s0;
	s14 =	simm.s32 @!p0 $0x0;
	s9 =	sadd.s32 @!p0 s4, s9  }
0x169: {  	[hbm4b:s9+s14] =	stream.linear.scatter @!p0 [tilespmem:s11], [sflag:$0x1], $0x2000, $0x38;
	[tilespmem:$0x1A800] =	vst v63  }
0x16a: {  	p1 =	sgt.s32 s1, $0x1FFF;
	s9 =	sadd.s32 $0xFFFFE000, s1  }
0x16b: {  	s11 =	simm.s32 @!p0 $0x1;
	s14 =	sor.u32 $0x2000, s0;
	s1 =	smov.u32 @p1 s9  }
0x16c: {  	_ =	swait.ge @!p0 [sflag:s11], $0x2000;
	s0 =	smov.u32 @p1 s14;
	p1 =	slt.s32 s1, $0x1000  }
0x16d: {  	[sflag:s11] =	ssyncset.done @!p0 $0x0;
	s9 =	sadd.s32 @!p1 s24, s0  }
0x16e: {  	[sflag:s11] =	ssyncadd.s32 @!p0 $0xFFFFE000;
	s9 =	sshrl.u32 @!p1 s9, $0x3  }
0x16f: {  	s11 =	sadd.s32 @!p1 $0x12200, s0;
	s14 =	simm.s32 @!p1 $0x0;
	s9 =	sadd.s32 @!p1 s4, s9  }
0x170: {  	[hbm4b:s9+s14] =	stream.linear.scatter @!p1 [tilespmem:s11], [sflag:$0x1], $0x1000, $0x38;
	[tilespmem:$0x1A800] =	vst v63  }
0x171: {  	p0 =	sgt.s32 s1, $0xFFF;
	s9 =	sadd.s32 $0xFFFFF000, s1  }
0x172: {  	s11 =	simm.s32 @!p1 $0x1;
	s14 =	sor.u32 $0x1000, s0;
	s1 =	smov.u32 @p0 s9  }
0x173: {  	_ =	swait.ge @!p1 [sflag:s11], $0x1000;
	s0 =	smov.u32 @p0 s14;
	p0 =	slt.s32 s1, $0x800  }
0x174: {  	[sflag:s11] =	ssyncset.done @!p1 $0x0;
	s9 =	sadd.s32 @!p0 s24, s0  }
0x175: {  	[sflag:s11] =	ssyncadd.s32 @!p1 $0xFFFFF000;
	s9 =	sshrl.u32 @!p0 s9, $0x3  }
0x176: {  	s11 =	sadd.s32 @!p0 $0x12200, s0;
	s14 =	simm.s32 @!p0 $0x0;
	s9 =	sadd.s32 @!p0 s4, s9  }
0x177: {  	[hbm4b:s9+s14] =	stream.linear.scatter @!p0 [tilespmem:s11], [sflag:$0x1], $0x800, $0x38;
	[tilespmem:$0x1A800] =	vst v63  }
0x178: {  	p1 =	sgt.s32 s1, $0x7FF;
	s9 =	sadd.s32 $0xFFFFF800, s1  }
0x179: {  	s11 =	simm.s32 @!p0 $0x1;
	s14 =	sadd.s32 $0x800, s0;
	s1 =	smov.u32 @p1 s9  }
0x17a: {  	_ =	swait.ge @!p0 [sflag:s11], $0x800;
	s0 =	smov.u32 @p1 s14;
	p1 =	slt.s32 s1, $0x400  }
0x17b: {  	[sflag:s11] =	ssyncset.done @!p0 $0x0;
	s9 =	sadd.s32 @!p1 s24, s0  }
0x17c: {  	[sflag:s11] =	ssyncadd.s32 @!p0 $0xFFFFF800;
	s9 =	sshrl.u32 @!p1 s9, $0x3  }
0x17d: {  	s11 =	sadd.s32 @!p1 $0x12200, s0;
	s14 =	simm.s32 @!p1 $0x0;
	s9 =	sadd.s32 @!p1 s4, s9  }
0x17e: {  	[hbm4b:s9+s14] =	stream.linear.scatter @!p1 [tilespmem:s11], [sflag:$0x1], $0x400, $0x38;
	[tilespmem:$0x1A800] =	vst v63  }
0x17f: {  	p0 =	sgt.s32 s1, $0x3FF;
	s9 =	sadd.s32 $0xFFFFFC00, s1  }
0x180: {  	s11 =	simm.s32 @!p1 $0x1;
	s14 =	sadd.s32 $0x400, s0;
	s1 =	smov.u32 @p0 s9  }
0x181: {  	_ =	swait.ge @!p1 [sflag:s11], $0x400;
	s0 =	smov.u32 @p0 s14;
	p2 =	slt.s32 s1, $0x200  }
0x182: {  	[sflag:s11] =	ssyncset.done @!p1 $0x0;
	s9 =	sadd.s32 @!p2 s24, s0  }
0x183: {  	[sflag:s11] =	ssyncadd.s32 @!p1 $0xFFFFFC00;
	s9 =	sshrl.u32 @!p2 s9, $0x3  }
0x184: {  	s11 =	sadd.s32 @!p2 $0x12200, s0;
	s14 =	simm.s32 @!p2 $0x0;
	s9 =	sadd.s32 @!p2 s4, s9  }
0x185: {  	[hbm4b:s9+s14] =	stream.linear.scatter @!p2 [tilespmem:s11], [sflag:$0x1], $0x200, $0x38;
	[tilespmem:$0x1A800] =	vst v63  }
0x186: {  	p0 =	sgt.s32 s1, $0x1FF;
	s9 =	sadd.s32 $0xFFFFFE00, s1  }
0x187: {  	s11 =	simm.s32 @!p2 $0x1;
	s14 =	sadd.s32 $0x200, s0;
	s1 =	smov.u32 @p0 s9  }
0x188: {  	_ =	swait.ge @!p2 [sflag:s11], $0x200;
	s0 =	smov.u32 @p0 s14;
	p0 =	slt.s32 s1, $0x100  }
0x189: {  	[sflag:s11] =	ssyncset.done @!p2 $0x0;
	s9 =	sadd.s32 @!p0 s24, s0  }
0x18a: {  	[sflag:s11] =	ssyncadd.s32 @!p2 $0xFFFFFE00;
	s9 =	sshrl.u32 @!p0 s9, $0x3  }
0x18b: {  	s11 =	sadd.s32 @!p0 $0x12200, s0;
	s14 =	simm.s32 @!p0 $0x0;
	s9 =	sadd.s32 @!p0 s4, s9  }
0x18c: {  	[hbm4b:s9+s14] =	stream.linear.scatter @!p0 [tilespmem:s11], [sflag:$0x1], $0x100, $0x38;
	[tilespmem:$0x1A800] =	vst v63  }
0x18d: {  	p1 =	sgt.s32 s1, $0xFF;
	s9 =	sadd.s32 $0xFFFFFF00, s1;
	s11 =	smov.u32 s1  }
0x18e: {  	s11 =	smov.u32 @p1 s9  }
0x18f: {  	p1 =	slt.s32 s11, $0x80  }
0x190: {  	p2 =	sgt.s32 @!p1 s1, $0xFF  }
0x191: {  	s1 =	simm.s32 @!p0 $0x1;
	s9 =	sadd.s32 @!p1 $0x100, s0;
	p2 =	por !p2, p1  }
0x192: {  	_ =	swait.ge @!p0 [sflag:s1], $0x100;
	s9 =	smov.u32 @p2 s0  }
0x193: {  	s23 =	sadd.s32 $0x1, s23;
	[sflag:s1] =	ssyncset.done @!p0 $0x0;
	s0 =	sadd.s32 @!p1 s24, s9  }
0x194: {  	[sflag:s1] =	ssyncadd.s32 @!p0 $0xFFFFFF00;
	s1 =	sadd.s32 @!p1 $0x12200, s9;
	s0 =	sshrl.u32 @!p1 s0, $0x3  }
0x195: {  	s9 =	simm.s32 @!p1 $0x0;
	p0 =	sne.s32 s23, s8;
	s0 =	sadd.s32 @!p1 s4, s0  }
0x196: {  	[hbm4b:s0+s9] =	stream.linear.scatter @!p1 [tilespmem:s1], [sflag:$0x1], $0x80, $0x38;
	[tilespmem:$0x1A800] =	vst v63  }
.Ltmp8:
0x197: {  	_ = 	snop;
	(pc) =	sbr.rel @p0 .LBB2_1-.Ltmp8, $4  }
0x198: {  	s0 =	simm.s32 @!p1 $0x1  }
0x199: {  	_ =	swait.ge @!p1 [sflag:s0], $0x80  }
0x19a: {  	[sflag:s0] =	ssyncset.done @!p1 $0x0  }
0x19b: {  	[sflag:s0] =	ssyncadd.s32 @!p1 $0xFFFFFF80  }
0x19c: {  	_ =	sfence.sel $0x180000  }
0x19d: {  	[bflag:$0x0] =	sbarrier.arrive $0xFFFF  }
0x19e: {  	_ =	strace $0x90000047  }
0x19f: {  	s0 =	stileid.u32;
	[bflag:$0x2] =	sbarrier.arrive $0xFFFF  }
0x1a0: {  	p0 =	sne.s32 s0, $0x0;
	s0 =	rddreg [dreg:$0x2]  }
0x1a1: {  	s0 =	sadd.s32 @!p0 $0x100000, s0  }
0x1a2: {  	[sflag:s0] =	ssyncadd.tile.s32 @!p0 $0x1;
	_ =	shalt  }
.Lfunc_end2:
_tile_overlayer_lowered:
.L_overlay_start_2:
0x1a3: {  	(tag) =	ssettag $0x2  }
0x1a4: {  	s0 =	rddreg [dreg:$0x0];
	s2 =	stileid.u32  }
0x1a5: {  	s1 =	rddreg [dreg:$0x1];
	p0 =	sne.s32 s2, $0x0  }
0x1a6: {  	s3 =	rddreg [dreg:$0x2];
	[bflag:$0x3] =	sbarrier.arrive $0xFFFF;
	s2 =	simm.s32 @!p0 $0x1C02  }
0x1a7: {  	[timem:s3], [sflag:s2] =	dma.local @!p0 [hbm:s0], s1  }
0x1a8: {  	s0 =	simm.s32 @!p0 $0x2  }
0x1a9: {  	_ =	swait.ge @!p0 [sflag:s0], s1  }
0x1aa: {  	s1 =	ssub.s32 @!p0 $0x0, s1;
	[sflag:s0] =	ssyncset.done @!p0 $0x0  }
0x1ab: {  	[sflag:s0] =	ssyncadd.s32 @!p0 s1  }
0x1ac: {  	[bflag:$0x3] =	sbarrier.arrive $0xFFFF  }
0x1ad: {  	_ =	shalt  }

// kernel: kernel.8.cloned.1.call-start
scs
__scs_entry_jumppad:
0x0: {  	(pc) =	sbr.rel $0x88, $3  }
0x1: {  	(tag) =	ssettag $0x0;
	lr =	simm.s32 $0x1  }
0x2: {  	[smem:$0x3FA0] =	sst lr;
	_ =	strace $0xD0000000  }
0x3: {  	_ = 	snop  }
0x4: {  	_ = 	snop  }
0x5: {  	_ = 	snop  }
0x6: {  	_ = 	snop  }
0x7: {  	_ = 	snop  }
__scs_overlays_trampoline_lowered:
0x8: {  	[smem:$0x3FAF] =	sst s0  }
0x9: {  	[smem:$0x3FB0] =	sst s1  }
0xa: {  	[smem:$0x3FB1] =	sst s2  }
0xb: {  	[smem:$0x3FB2] =	sst s3  }
0xc: {  	[smem:$0x3FB3] =	sst s4  }
0xd: {  	[smem:$0x3FB4] =	sst s5  }
0xe: {  	[smem:$0x3FB5] =	sst s6  }
0xf: {  	[smem:$0x3FB6] =	sst s7  }
0x10: {  	[smem:$0x3FB7] =	sst s8  }
0x11: {  	[smem:$0x3FB8] =	sst s9;
	s0 =	simm.s32 @!p0 $0x0  }
0x12: {  	s1 =	sld [smem:$0x3F9E];
	s0 =	simm.s32 @p0 $0x1  }
0x13: {  	[smem:$0x3FB9] =	sst s0;
	s0 =	simm.s32 @!p1 $0x0  }
0x14: {  	s2 =	sld [smem:$0x3F9D];
	s0 =	simm.s32 @p1 $0x1  }
0x15: {  	[smem:$0x3FBA] =	sst s0;
	s0 =	simm.s32 @!p2 $0x0  }
0x16: {  	s3 =	sld [smem:$0x3FDB];
	s0 =	simm.s32 @p2 $0x1  }
0x17: {  	s4 =	simm.s32 $0x1BF5;
	[smem:$0x3FBC] =	sst s0  }
0x18: {  	s0 =	sld [smem:$0x3F9F];
	_ =	swait.ge [sflag:s4], $0x0  }
0x19: {  	s7 =	sld [smem:$0x3FA0]  }
0x1a: {  	s8 =	sadd.s32 $0xFFFFE003, lr  }
0x1b: {  	s9 =	sadd.s32 $0xFFFFFEF7, lr;
	s5 =	simm.s32 $0xFFFFFFFF;
	p2 =	slt.u32 s8, $0xFFFFF086  }
0x1c: {  	p1 =	slt.u32 s9, $0xF7A;
	s5 =	simm.s32 @!p2 $0x0  }
0x1d: {  	s5 =	simm.s32 @p1 $0x1;
	p0 =	seq.s32 s7, s2  }
0x1e: {  	s7 =	smul.u32 @!p0 $0xF7A, s2;
	p2 =	seq.s32 @!p0 s5, $0x0  }
0x1f: {  	s9 =	smul.u32 $0xF7A, s1;
	s8 =	simm.s32 @!p0 $0x1BF5;
	p2 =	por !p2, p0  }
0x20: {  	[sflag:s8] =	ssyncset.s32 @!p0 $0xFFFFF086;
	s6 =	sadd.s32 @!p0 s3, s7;
	s7 =	simm.s32 @!p0 $0x108  }
0x21: {  	s3 =	sadd.s32 s3, s9;
	s6 =	sadd.s32 @!p0 $0x88, s6;
	s7 =	simm.s32 @p2 $0x1082  }
0x22: {  	[simem:s7], [sflag:s8] =	dma.local @!p0 [hbm:s6], $0xF7A  }
0x23: {  	s9 =	sor.u32 $0xD0000000, s2;
	s6 =	simm.s32 $0x108;
	_ =	swait.ge @!p0 [sflag:s8], $0x0  }
0x24: {  	s3 =	sadd.s32 $0x88, s3;
	s6 =	simm.s32 @!p1 $0x1082;
	[sflag:s4] =	ssyncset.s32 $0xFFFFF086  }
0x25: {  	[simem:s6], [sflag:s4] =	dma.local [hbm:s3], $0xF7A  }
0x26: {  	[smem:$0x3FA0] =	sst s1;
	(tag) =	ssettag s2;
	_ =	strace s9  }
0x27: {  	s1 =	sld [smem:$0x3FB0]  }
0x28: {  	s2 =	sld [smem:$0x3FB1]  }
0x29: {  	s4 =	sld [smem:$0x3FB3]  }
0x2a: {  	p0 =	seq.s32 s5, $0x0;
	s5 =	sld [smem:$0x3FB4]  }
0x2b: {  	s6 =	sld [smem:$0x3FB5]  }
0x2c: {  	s7 =	sld [smem:$0x3FB6]  }
0x2d: {  	s3 =	simm.s32 $0x108;
	s8 =	sld [smem:$0x3FB7]  }
0x2e: {  	s3 =	simm.s32 @!p0 $0x1082;
	s9 =	sld [smem:$0x3FB8]  }
0x2f: {  	lr =	sadd.s32 s0, s3;
	s0 =	sld [smem:$0x3FAF]  }
0x30: {  	s3 =	sld [smem:$0x3FB2]  }
0x31: {  	[smem:$0x3FBB] =	sst s10  }
0x32: {  	s10 =	sld [smem:$0x3FB9];
	_ =	sdelay $0x3  }
0x33: {  	p0 =	seq.s32 s10, $0x1;
	s10 =	sld [smem:$0x3FBB];
	_ =	sdelay $0x3  }
0x34: {  	[smem:$0x3FBB] =	sst s10  }
0x35: {  	s10 =	sld [smem:$0x3FBA];
	_ =	sdelay $0x3  }
0x36: {  	p1 =	seq.s32 s10, $0x1;
	s10 =	sld [smem:$0x3FBB];
	_ =	sdelay $0x3  }
0x37: {  	[smem:$0x3FBB] =	sst s10  }
0x38: {  	s10 =	sld [smem:$0x3FBC]  }
0x39: {  	_ = 	snop;
	(pc) =	sbr.ind lr, $3  }
0x3a: {  	_ = 	snop  }
0x3b: {  	_ = 	snop  }
0x3c: {  	p2 =	seq.s32 s10, $0x1;
	s10 =	sld [smem:$0x3FBB]  }
0x3d: {  	_ =	shalt  }
0x3e: {  	_ =	shalt  }
0x3f: {  	_ =	shalt  }
0x40: {  	_ =	shalt  }
0x41: {  	_ =	shalt  }
0x42: {  	_ =	shalt  }
0x43: {  	_ =	shalt  }
0x44: {  	_ =	shalt  }
0x45: {  	_ =	shalt  }
0x46: {  	_ =	shalt  }
0x47: {  	_ =	shalt  }
0x48: {  	_ =	shalt  }
0x49: {  	_ =	shalt  }
0x4a: {  	_ =	shalt  }
0x4b: {  	_ =	shalt  }
0x4c: {  	_ =	shalt  }
0x4d: {  	_ =	shalt  }
0x4e: {  	_ =	shalt  }
0x4f: {  	_ =	shalt  }
0x50: {  	_ =	shalt  }
0x51: {  	_ =	shalt  }
0x52: {  	_ =	shalt  }
0x53: {  	_ =	shalt  }
0x54: {  	_ =	shalt  }
0x55: {  	_ =	shalt  }
0x56: {  	_ =	shalt  }
0x57: {  	_ =	shalt  }
0x58: {  	_ =	shalt  }
0x59: {  	_ =	shalt  }
0x5a: {  	_ =	shalt  }
0x5b: {  	_ =	shalt  }
0x5c: {  	_ =	shalt  }
0x5d: {  	_ =	shalt  }
0x5e: {  	_ =	shalt  }
0x5f: {  	_ =	shalt  }
0x60: {  	_ =	shalt  }
0x61: {  	_ =	shalt  }
0x62: {  	_ =	shalt  }
0x63: {  	_ =	shalt  }
0x64: {  	_ =	shalt  }
0x65: {  	_ =	shalt  }
0x66: {  	_ =	shalt  }
0x67: {  	_ =	shalt  }
0x68: {  	_ =	shalt  }
0x69: {  	_ =	shalt  }
0x6a: {  	_ =	shalt  }
0x6b: {  	_ =	shalt  }
0x6c: {  	_ =	shalt  }
0x6d: {  	_ =	shalt  }
0x6e: {  	_ =	shalt  }
0x6f: {  	_ =	shalt  }
0x70: {  	_ =	shalt  }
0x71: {  	_ =	shalt  }
0x72: {  	_ =	shalt  }
0x73: {  	_ =	shalt  }
0x74: {  	_ =	shalt  }
0x75: {  	_ =	shalt  }
0x76: {  	_ =	shalt  }
0x77: {  	_ =	shalt  }
0x78: {  	_ =	shalt  }
0x79: {  	_ =	shalt  }
0x7a: {  	_ =	shalt  }
0x7b: {  	_ =	shalt  }
0x7c: {  	_ =	shalt  }
0x7d: {  	_ =	shalt  }
0x7e: {  	_ =	shalt  }
0x7f: {  	_ =	shalt  }
0x80: {  	_ =	shalt  }
0x81: {  	_ =	shalt  }
0x82: {  	_ =	shalt  }
0x83: {  	_ =	shalt  }
0x84: {  	_ =	shalt  }
0x85: {  	_ =	shalt  }
0x86: {  	_ =	shalt  }
0x87: {  	_ =	shalt  }
.Lfunc_end0:
.L_simem_size_0:
called_computation.2_lowered:
.L_overlay_start_0:
0x88: {  	s2 =	sld [smem:$0x3FD9]  }
0x89: {  	s3 =	sld [smem:$0x3FFE];
	_ =	sdelay $0x1  }
0x8a: {  	s1 =	srdreg.scid  }
0x8b: {  	s0 =	sand.u32 $0x1, s1  }
0x8c: {  	s17 =	sshll.u32 s0, $0xA;
	s2 =	sadd.s32 s3, s2  }
0x8d: {  	s2 =	sadd.s32 s2, s17  }
0x8e: {  	[smem:$0x3FC7] =	sst s2  }
0x8f: {  	_ = 	snop  }
0x90: {  	s2 =	sld [smem:$0x3FD0];
	(tm) =	ssettm $0x1  }
0x91: {  	s18 =	sld [smem:$0x3FFB];
	_ =	sdelay $0x3  }
0x92: {  	_ =	strace s18  }
0x93: {  	s3 =	sld [smem:$0x3FFC];
	_ =	sdelay $0x3  }
0x94: {  	_ =	strace s3  }
0x95: {  	s3 =	sld [smem:$0x3FFD];
	_ =	sdelay $0x3  }
0x96: {  	_ =	strace s3  }
0x97: {  	_ =	strace $0x8FFFFFFF  }
0x98: {  	s19 =	sld [smem:$0x3FDB];
	_ =	sdelay $0x1  }
0x99: {  	s4 =	simm.s32 $_scs_section_size  }
0x9a: {  	s5 =	simm.s32 $_size__tile_overlayer_lowered;
	s6 =	simm.s32 $_tile_overlayer_lowered  }
0x9b: {  	s22 =	simm.s32 $0x1BFF;
	s21 =	sshll.u32 s6, $0x1;
	s3 =	sadd.s32 s4, s19  }
0x9c: {  	s7 =	simm.s32 $0x0;
	s20 =	sshll.u32 s5, $0x1;
	s5 =	sadd.s32 s21, s3  }
0x9d: {  	[timem:s7], [sflag:s22] =	dma.local [hbm:s5], s20  }
0x9e: {  	_ =	swait.ge [sflag:s22], s20  }
0x9f: {  	s4 =	ssub.s32 $0x0, s20;
	[sflag:s22] =	ssyncset.done $0x0  }
0xa0: {  	[sflag:s22] =	ssyncadd.s32 s4;
	_ =	sdelay $0x1  }
0xa1: {  	s23 =	simm.s32 $0x1B8B  }
0xa2: {  	_ =	swait.ge [sflag:s23], $0x1  }
0xa3: {  	[sflag:s23] =	ssyncset.done $0x0  }
0xa4: {  	s25 =	simm.s32 $0x1B8E;
	s24 =	sld [smem:$0x3FFE];
	[sflag:s23] =	ssyncadd.s32 $0xFFFFFFFF  }
0xa5: {  	s26 =	simm.s32 $execute0_lowered;
	[smem:$0x3FD2] =	sst s25  }
0xa6: {  	s5 =	sshll.u32 s26, $0x1;
	_ =	strace $0x80000049;
	[dreg:$0x1] =	wrdreg $0xFFFFFFFF  }
0xa7: {  	s28 =	simm.s32 $_size_execute0_lowered;
	s3 =	sadd.s32 s3, s5;
	[dreg:$0x0] =	wrdreg $0x0  }
0xa8: {  	s5 =	sshll.u32 s28, $0x1;
	[dreg:$0x2] =	wrdreg s3  }
0xa9: {  	[dreg:$0x3] =	wrdreg s5  }
0xaa: {  	[dreg:$0x4] =	wrdreg $0xC0  }
0xab: {  	_ =	task [dreg:s7], $0x5FFFF  }
0xac: {  	[dreg:$0x1] =	wrdreg $0xFFFFFFFF  }
0xad: {  	[dreg:$0x0] =	wrdreg $0x60  }
0xae: {  	[dreg:$0x2] =	wrdreg s2  }
0xaf: {  	[dreg:$0x3] =	wrdreg s24  }
0xb0: {  	[dreg:$0x4] =	wrdreg $0x9  }
0xb1: {  	_ =	task.clear_ibuf [dreg:s7], $0x5FFFF;
	_ =	strace $0x90000049  }
0xb2: {  	s29 =	simm.s32 $0x9;
	_ =	strace $0x8000004B  }
0xb3: {  	_ =	swait.ge [sflag:s29], $0x1  }
0xb4: {  	[sflag:s29] =	ssyncadd.s32 $0xFFFFFFFF  }
0xb5: {  	_ =	strace $0x9000004B  }
0xb6: {  	_ =	sfence  }
0xb7: {  	s30 =	sld [smem:$0x0];
	_ =	sdelay $0x2  }
0xb8: {  	s31 =	sshll.u32 s1, $0xD;
	s1 =	sshrl.u32 s1, $0x2  }
0xb9: {  	s3 =	sand.u32 $0x4000, s31;
	s1 =	sadd.s32 s1, s30  }
0xba: {  	s0 =	sor.u32 s3, s0;
	s1 =	sshll.u32 s1, $0x11  }
0xbb: {  	s0 =	sor.u32 s1, s0  }
0xbc: {  	s0 =	sadd.s32 $0x8F2B, s0  }
0xbd: {  	[sflag:s0] =	ssyncadd.remote.s32 $0x1  }
0xbe: {  	_ =	sfence.sel $0xFFFF  }
0xbf: {  	[dreg:$0x0] =	wrdreg $0xFFFFFFFF;
	(pc) =	sbr.abs _section_cstart, $3  }
0xc0: {  	[dreg:$0x1] =	wrdreg $0xFFFFFFFF  }
0xc1: {  	_ =	task.clear_ibuf [dreg:s7], $0x2FFFF;
	_ =	strace $0x9FFFFFFF  }
0xc2: {  	(tm) =	ssettm $0x7FFFFFFF  }
0xc3: {  	_ =	shalt  }
tec
execute0_lowered:
.L_overlay_start_1:
0x0: {  	(tag) =	ssettag $0x1  }
0x1: {  	s1 =	rddreg [dreg:$0x0]  }
0x2: {  	s4 =	rddreg [dreg:$0x1];
	s2 =	simm.s32 $0x0  }
0x3: {  	[smem:$0x7FF] =	sst s2  }
0x4: {  	s0 =	rddreg [dreg:$0x2];
	v0 =	vimm.f32 $2.000000000e+01;
	_ =	strace $0x8000004A  }
0x5: {  	(erf) = vrcp.f32 v0;
	_ =	sdelay $0x3  }
0x6: {  	s3 =	srdreg.scid;
	s10 =	simm.s32 $0x1;
	v0 =	vlaneseq.u32  }
0x7: {  	s11 =	simm.s32 $0x2400;
	s12 =	simm.s32 $0x0;
	s7 =	sand.u32 $0x1, s3;
	v1 =	vmul.u32 $0x8, v0  }
0x8: {  	vm0 =	vmmov $0x1;
	vm1 =	vcmask $0x308;
	s3 =	sadd.s32 $0x2400, s4;
	s5 =	sadd.s32 $0x2200, s4;
	s8 =	ssub.s32 $0x2, s7  }
0x9: {  	v2 =	vimm.f32 $0.0e+00;
	v6 =	vimm.f32 $3.333333430e-01;
	s6 =	sadd.s32 $0x22600, s4;
	s4 =	stileid.u32;
	s9 =	sshrl.u32 s8, $0x1;
	v3 =	vor.u32 $0x1, v1  }
0xa: {  	s31 =	sshll.u32 s4, $0x10;
	s7 =	sshll.u32 s7, $0xF;
	s8 =	ssub.s32 s8, s9;
	v4 =	vor.u32 $0x2, v1;
	v5 =	vor.u32 $0x3, v1;
	v7 =	vor.u32 $0x4, v1  }
0xb: {  	s7 =	sor.u32 s7, s31;
	s9 =	simm.s32 $0x4400;
	s8 =	smax.u32 s8, $0x1;
	v9 =	vor.u32 $0x5, v1;
	v10 =	vor.u32 $0x6, v1;
	v11 =	vor.u32 $0x7, v1;
	v8 =	vpop (erf)  }
.LBB2_1:
0xc: {  	[tilespmem:s9], [sflag:$0x1] =	stream.linear.gather [hbm4b:s5+s2], $0x80, $0x38;
	[tilespmem:$0x4480] =	vst v63  }
0xd: {  	_ =	swait.ge [sflag:s10], $0x80  }
0xe: {  	[sflag:s10] =	ssyncset.done $0x0  }
0xf: {  	[sflag:s10] =	ssyncadd.s32 $0xFFFFFF80  }
0x10: {  	v12 =	vld [tilespmem:$0x4400];
	_ =	sdelay $0x4  }
0x11: {  	v13 =	vnsel vm0, $0x0, v12  }
0x12: {  	v12 =	vsel vm1, $0x0, v12;
	(xrf0) =	vadd.scan.msk.s32 $0xffff, v13  }
0x13: {  	(xrf0) =	vadd.scan.msk.s32 $0xffff, v12;
	_ =	sdelay $0x4  }
0x14: {  	v12, _, _ =	vpop (xrf0)  }
0x15: {  	v13, _, _ =	vpop (xrf0)  }
0x16: {  	s13 =	smov.u32 s7;
	s14 =	simm.s32 $0x0;
	v12 =	vbroadcast v12, $0xF;
	v13 =	vbroadcast v13, $0xF  }
.LBB2_2:
0x17: {  	s15 =	sshll.u32 s14, $0xA  }
0x18: {  	s15 =	sadd.s32 s7, s15  }
0x19: {  	s16 =	simm.s32 $0x0;
	s17 =	sadd.s32 s1, s15  }
0x1a: {  	[tilespmem:s16], [sflag:$0x1] =	stream.linear.gather [hbm4b:s17+s16], $0x2000, $0x38;
	[tilespmem:$0x4480] =	vst v63  }
0x1b: {  	_ =	swait.ge [sflag:s10], $0x2000  }
0x1c: {  	s30 =	sshrl.u32 s15, $0x3;
	[sflag:s10] =	ssyncset.done $0x0  }
0x1d: {  	s18 =	simm.s32 $0x2000;
	s17 =	sadd.s32 s3, s30;
	[sflag:s10] =	ssyncadd.s32 $0xFFFFE000  }
0x1e: {  	[tilespmem:s18], [sflag:$0x1] =	stream.linear.gather [hbm4b:s17+s16], $0x400, $0x38;
	[tilespmem:$0x4480] =	vst v63  }
0x1f: {  	_ =	swait.ge [sflag:s10], $0x400  }
0x20: {  	[sflag:s10] =	ssyncset.done $0x0  }
0x21: {  	[sflag:s10] =	ssyncadd.s32 $0xFFFFFC00  }
0x22: {  	s31 =	simm.s32 $0x0;
	v14 =	vld [tilespmem:s18+$0x0]  }
0x23: {  	v15 =	vor.u32 s31, v1;
	_ =	sdelay $0x2  }
0x24: {  	v16 =	vor.u32 s16, v1  }
0x25: {  	v17 =	vor.u32 s13, v0;
	v19 =	vor.u32 s16, v3;
	v18 =	vmul.f32 $3.465000090e-01, v14  }
0x26: {  	vm2 =	vlt.s32 v17, v13;
	v20 =	vor.u32 s16, v4;
	v15 =	vld.idx.msk [tilespmem:v15+s2+$0x0], $0xffff  }
0x27: {  	vm3 =	vlt.s32 v17, v12;
	v62 =	vor.u32 s16, v5;
	v17 =	vnsel vm2, $0x3F000000, v18  }
0x28: {  	v21 =	vor.u32 s16, v7;
	v17 =	vsel vm3, $0x0, v17  }
0x29: {  	v14 =	vsel vm3, $0x0, v14;
	[tilespmem:v16+s11+$0x0] =	vst.idx.msk $0xffff, v17;
	v16 =	vor.u32 s16, v9  }
0x2a: {  	v17 =	vor.u32 s16, v10;
	[tilespmem:v19+s11+$0x0] =	vst.idx.msk $0xffff, v14  }
0x2b: {  	v14 =	vmul.f32 v15, v8;
	[tilespmem:v20+s11+$0x0] =	vst.idx.msk $0xffff, v2  }
0x2c: {  	v63 =	vmul.f32 $5.000000070e-02, v15;
	v15 =	vor.u32 s16, v11;
	[tilespmem:v62+s11+$0x0] =	vst.idx.msk $0xffff, v6  }
0x2d: {  	[tilespmem:v21+s11+$0x0] =	vst.idx.msk $0xffff, v14  }
0x2e: {  	s20 =	simm.s32 $0x2;
	[tilespmem:v16+s11+$0x0] =	vst.idx.msk $0xffff, v63  }
0x2f: {  	s19 =	simm.s32 $0x2010;
	s17 =	sadd.s32 $0x10, s13;
	s18 =	simm.s32 $0x1;
	[tilespmem:v17+s11+$0x0] =	vst.idx.msk $0xffff, v63  }
.LBB2_3:
0x30: {  	s21 =	sshll.u32 s18, $0x7  }
0x31: {  	[tilespmem:v15+s11+$0x0] =	vst.idx.msk $0xffff, v14;
	s16 =	sadd.s32 $0x80, s16;
	s18 =	smov.u32 s20;
	s22 =	sadd.s32 $0x1, s20  }
0x32: {  	p0 =	sne.s32 s20, $0x3F;
	v14 =	vor.u32 s21, v1;
	v15 =	vld [tilespmem:s19+$0x0];
	_ =	sdelay $0x3  }
0x33: {  	v16 =	vor.u32 s16, v1  }
0x34: {  	v19 =	vor.u32 s16, v3;
	v17 =	vld.idx.msk [tilespmem:v14+s2+$0x0], $0xffff;
	v14 =	vor.u32 s17, v0;
	v18 =	vmul.f32 $3.465000090e-01, v15  }
0x35: {  	v20 =	vor.u32 s16, v4;
	vm2 =	vlt.s32 v14, v13  }
0x36: {  	vm3 =	vlt.s32 v14, v12;
	v14 =	vnsel vm2, $0x3F000000, v18;
	v18 =	vor.u32 s16, v5  }
0x37: {  	v21 =	vor.u32 s16, v7;
	v14 =	vsel vm3, $0x0, v14  }
0x38: {  	v15 =	vsel vm3, $0x0, v15;
	[tilespmem:v16+s11+$0x0] =	vst.idx.msk $0xffff, v14;
	v16 =	vor.u32 s16, v9  }
0x39: {  	[tilespmem:v19+s11+$0x0] =	vst.idx.msk $0xffff, v15;
	v19 =	vor.u32 s16, v10  }
.Ltmp0:
0x3a: {  	v14 =	vmul.f32 v17, v8;
	v15 =	vor.u32 s16, v11;
	[tilespmem:v20+s11+$0x0] =	vst.idx.msk $0xffff, v2;
	(pc) =	sbr.rel @p0 .LBB2_3-.Ltmp0, $4  }
0x3b: {  	v17 =	vmul.f32 $5.000000070e-02, v17;
	[tilespmem:v18+s11+$0x0] =	vst.idx.msk $0xffff, v6  }
0x3c: {  	[tilespmem:v21+s11+$0x0] =	vst.idx.msk $0xffff, v14  }
0x3d: {  	[tilespmem:v16+s11+$0x0] =	vst.idx.msk $0xffff, v17  }
0x3e: {  	s19 =	sadd.s32 $0x10, s19;
	s20 =	smov.u32 s22;
	s17 =	sadd.s32 $0x10, s17;
	[tilespmem:v19+s11+$0x0] =	vst.idx.msk $0xffff, v17  }
0x3f: {  	_ =	sdelay $0x3  }
0x40: {  	[tilespmem:v15+s11+$0x0] =	vst.idx.msk $0xffff, v14  }
0x41: {  	s18 =	sshll.u32 s18, $0x7;
	v14 =	vld [tilespmem:s19+$0x0]  }
0x42: {  	v15 =	vor.u32 s18, v1;
	_ =	sdelay $0x1  }
0x43: {  	s16 =	sadd.s32 $0x80, s16  }
0x44: {  	v16 =	vor.u32 s16, v1  }
0x45: {  	v17 =	vor.u32 s17, v0;
	v19 =	vor.u32 s16, v3;
	v18 =	vmul.f32 $3.465000090e-01, v14  }
0x46: {  	vm2 =	vlt.s32 v17, v13;
	v20 =	vor.u32 s16, v4;
	v15 =	vld.idx.msk [tilespmem:v15+s2+$0x0], $0xffff  }
0x47: {  	vm3 =	vlt.s32 v17, v12;
	v60 =	vor.u32 s16, v5;
	v59 =	vnsel vm2, $0x3F000000, v18  }
0x48: {  	v21 =	vor.u32 s16, v7;
	v17 =	vsel vm3, $0x0, v59  }
0x49: {  	v61 =	vor.u32 s16, v9;
	v14 =	vsel vm3, $0x0, v14;
	[tilespmem:v16+s11+$0x0] =	vst.idx.msk $0xffff, v17  }
0x4a: {  	[tilespmem:v19+s11+$0x0] =	vst.idx.msk $0xffff, v14;
	v14 =	vor.u32 s16, v10  }
0x4b: {  	v63 =	vor.u32 s16, v11;
	v62 =	vmul.f32 v15, v8;
	[tilespmem:v20+s11+$0x0] =	vst.idx.msk $0xffff, v2  }
0x4c: {  	v15 =	vmul.f32 $5.000000070e-02, v15;
	[tilespmem:v60+s11+$0x0] =	vst.idx.msk $0xffff, v6  }
0x4d: {  	[tilespmem:v21+s11+$0x0] =	vst.idx.msk $0xffff, v62  }
0x4e: {  	s14 =	sadd.s32 $0x1, s14;
	[tilespmem:v61+s11+$0x0] =	vst.idx.msk $0xffff, v15  }
0x4f: {  	p0 =	sne.s32 s14, $0x20;
	[tilespmem:v14+s11+$0x0] =	vst.idx.msk $0xffff, v15  }
.Ltmp1:
0x50: {  	s15 =	sadd.s32 s6, s15;
	[tilespmem:v63+s11+$0x0] =	vst.idx.msk $0xffff, v62;
	(pc) =	sbr.rel @p0 .LBB2_2-.Ltmp1, $4  }
0x51: {  	[hbm4b:s15+s2] =	stream.linear.scatter [tilespmem:s11], [sflag:$0x1], $0x2000, $0x38;
	[tilespmem:$0x4480] =	vst v63  }
0x52: {  	_ =	swait.ge [sflag:s10], $0x2000  }
0x53: {  	[sflag:s10] =	ssyncset.done $0x0  }
0x54: {  	s13 =	sadd.s32 $0x400, s13;
	[sflag:s10] =	ssyncadd.s32 $0xFFFFE000  }
0x55: {  	s12 =	sadd.s32 $0x1, s12  }
0x56: {  	p0 =	sne.s32 s12, s8  }
.Ltmp2:
0x57: {  	_ = 	snop;
	(pc) =	sbr.rel @p0 .LBB2_1-.Ltmp2, $1  }
0x58: {  	_ =	sdelay $0x3  }
0x59: {  	_ =	sfence.sel $0x180000  }
0x5a: {  	[bflag:$0x0] =	sbarrier.arrive $0xFFFF  }
0x5b: {  	p0 =	sne.s32 s4, $0x0;
	_ =	strace $0x9000004A  }
0x5c: {  	s0 =	sadd.s32 @!p0 $0x100000, s0;
	[bflag:$0x2] =	sbarrier.arrive $0xFFFF  }
0x5d: {  	[sflag:s0] =	ssyncadd.tile.s32 @!p0 $0x1;
	_ =	shalt  }
.Lfunc_end2:
_tile_overlayer_lowered:
.L_overlay_start_2:
0x5e: {  	(tag) =	ssettag $0x2  }
0x5f: {  	s0 =	rddreg [dreg:$0x0];
	s2 =	stileid.u32  }
0x60: {  	s1 =	rddreg [dreg:$0x1];
	p0 =	sne.s32 s2, $0x0  }
0x61: {  	s3 =	rddreg [dreg:$0x2];
	[bflag:$0x3] =	sbarrier.arrive $0xFFFF;
	s2 =	simm.s32 @!p0 $0x1C01  }
0x62: {  	[timem:s3], [sflag:s2] =	dma.local @!p0 [hbm:s0], s1  }
0x63: {  	s0 =	simm.s32 @!p0 $0x1  }
0x64: {  	_ =	swait.ge @!p0 [sflag:s0], s1  }
0x65: {  	s1 =	ssub.s32 @!p0 $0x0, s1;
	[sflag:s0] =	ssyncset.done @!p0 $0x0  }
0x66: {  	[sflag:s0] =	ssyncadd.s32 @!p0 s1  }
0x67: {  	[bflag:$0x3] =	sbarrier.arrive $0xFFFF  }
0x68: {  	_ =	shalt  }

// kernel: sparse-core-data-format-call.cloned.1.call-start
scs
called_computation_lowered:
.L_overlay_start_0:
0x0: {  	s2 =	sld [smem:$0x3FD9]  }
0x1: {  	s3 =	sld [smem:$0x3FFE];
	_ =	sdelay $0x1  }
0x2: {  	s1 =	srdreg.scid  }
0x3: {  	s0 =	sand.u32 $0x1, s1  }
0x4: {  	s18 =	sshll.u32 s0, $0xA;
	s2 =	sadd.s32 s3, s2  }
0x5: {  	s2 =	sadd.s32 s2, s18  }
0x6: {  	[smem:$0x3FC7] =	sst s2  }
0x7: {  	_ = 	snop  }
0x8: {  	s2 =	sld [smem:$0x3FD0];
	(tm) =	ssettm $0x1  }
0x9: {  	s19 =	sld [smem:$0x3FFB];
	_ =	sdelay $0x3  }
0xa: {  	_ =	strace s19  }
0xb: {  	s3 =	sld [smem:$0x3FFC];
	_ =	sdelay $0x3  }
0xc: {  	_ =	strace s3  }
0xd: {  	s3 =	sld [smem:$0x3FFD];
	_ =	sdelay $0x3  }
0xe: {  	_ =	strace s3  }
0xf: {  	_ =	strace $0x8FFFFFFF  }
0x10: {  	s20 =	sld [smem:$0x3FDB];
	_ =	sdelay $0x1  }
0x11: {  	s4 =	simm.s32 $_scs_section_size  }
0x12: {  	s5 =	simm.s32 $_size__tile_overlayer_lowered;
	s6 =	simm.s32 $_tile_overlayer_lowered  }
0x13: {  	s23 =	simm.s32 $0x1BFF;
	s22 =	sshll.u32 s6, $0x1;
	s3 =	sadd.s32 s4, s20  }
0x14: {  	s7 =	simm.s32 $0x0;
	s21 =	sshll.u32 s5, $0x1;
	s5 =	sadd.s32 s22, s3  }
0x15: {  	[timem:s7], [sflag:s23] =	dma.local [hbm:s5], s21  }
0x16: {  	_ =	swait.ge [sflag:s23], s21  }
0x17: {  	s4 =	ssub.s32 $0x0, s21;
	[sflag:s23] =	ssyncset.done $0x0  }
0x18: {  	[sflag:s23] =	ssyncadd.s32 s4;
	_ =	sdelay $0x1  }
0x19: {  	s24 =	simm.s32 $0x1B8B  }
0x1a: {  	_ =	swait.ge [sflag:s24], $0x1  }
0x1b: {  	[sflag:s24] =	ssyncset.done $0x0  }
0x1c: {  	s26 =	simm.s32 $0x1B8E;
	s25 =	sld [smem:$0x3FFE];
	[sflag:s24] =	ssyncadd.s32 $0xFFFFFFFF  }
0x1d: {  	s27 =	simm.s32 $execute0_lowered;
	[smem:$0x3FD2] =	sst s26  }
0x1e: {  	s5 =	sshll.u32 s27, $0x1;
	_ =	strace $0x8000004C;
	[dreg:$0x1] =	wrdreg $0xFFFFFFFF  }
0x1f: {  	s28 =	simm.s32 $_size_execute0_lowered;
	s3 =	sadd.s32 s3, s5;
	[dreg:$0x0] =	wrdreg $0x0  }
0x20: {  	s5 =	sshll.u32 s28, $0x1;
	[dreg:$0x2] =	wrdreg s3  }
0x21: {  	[dreg:$0x3] =	wrdreg s5  }
0x22: {  	[dreg:$0x4] =	wrdreg $0xC0  }
0x23: {  	_ =	task [dreg:s7], $0x5FFFF  }
0x24: {  	[dreg:$0x1] =	wrdreg $0xFFFFFFFF  }
0x25: {  	[dreg:$0x0] =	wrdreg $0x60  }
0x26: {  	[dreg:$0x2] =	wrdreg s25  }
0x27: {  	[dreg:$0x3] =	wrdreg s2  }
0x28: {  	[dreg:$0x4] =	wrdreg $0x9  }
0x29: {  	_ =	task.clear_ibuf [dreg:s7], $0x5FFFF;
	_ =	strace $0x9000004C  }
0x2a: {  	s29 =	simm.s32 $0x9;
	_ =	strace $0x8000004E  }
0x2b: {  	_ =	swait.ge [sflag:s29], $0x1  }
0x2c: {  	[sflag:s29] =	ssyncadd.s32 $0xFFFFFFFF  }
0x2d: {  	_ =	strace $0x9000004E  }
0x2e: {  	_ =	sfence  }
0x2f: {  	s30 =	sld [smem:$0x0];
	_ =	sdelay $0x2  }
0x30: {  	s31 =	sshll.u32 s1, $0xD;
	s1 =	sshrl.u32 s1, $0x2  }
0x31: {  	s3 =	sand.u32 $0x4000, s31;
	s1 =	sadd.s32 s1, s30  }
0x32: {  	s0 =	sor.u32 s3, s0;
	s1 =	sshll.u32 s1, $0x11  }
0x33: {  	s0 =	sor.u32 s1, s0  }
0x34: {  	s0 =	sadd.s32 $0x8F2B, s0  }
0x35: {  	[sflag:s0] =	ssyncadd.remote.s32 $0x1  }
0x36: {  	_ =	sfence.sel $0xFFFF  }
0x37: {  	[dreg:$0x0] =	wrdreg $0xFFFFFFFF;
	(pc) =	sbr.abs _section_cstart, $3  }
0x38: {  	[dreg:$0x1] =	wrdreg $0xFFFFFFFF  }
0x39: {  	_ =	task.clear_ibuf [dreg:s7], $0x2FFFF;
	_ =	strace $0x9FFFFFFF  }
0x3a: {  	(tm) =	ssettm $0x7FFFFFFF  }
0x3b: {  	_ =	shalt  }
tec
execute0_lowered:
.L_overlay_start_1:
0x0: {  	(tag) =	ssettag $0x1  }
0x1: {  	s0 =	srdreg.scid  }
0x2: {  	s1 =	sshll.u32 s0, $0x4  }
0x3: {  	s6 =	rddreg [dreg:$0x0];
	s0 =	stileid.u32;
	s1 =	sand.u32 $0x10, s1  }
0x4: {  	s3 =	rddreg [dreg:$0x1];
	s1 =	sor.u32 s0, s1  }
0x5: {  	s7 =	simm.s32 $0x1;
	s8 =	simm.s32 $0x2;
	s2 =	sshll.u32 s1, $0x7  }
0x6: {  	s10 =	simm.s32 $0x0;
	s9 =	simm.s32 $0x0;
	s5 =	ssub.s32 $0x100000, s2  }
.Ltmp0:
0x7: {  	s6 =	sadd.s32 $0x122600, s6;
	s4 =	sand.u32 $0xF80, s5;
	(pc) =	sbr.rel .LBB1_1-.Ltmp0, $4  }
0x8: {  	s1 =	rddreg [dreg:$0x2];
	_ =	strace $0x8000004D;
	p0 =	sne.s32 s4, $0x0  }
0x9: {  	s5 =	sshrl.u32 s5, $0xC;
	s4 =	simm.s32 $0x1;
	s7 =	simm.s32 @!p0 $0x0  }
0xa: {  	[sflag:s4] =	ssyncpa.u1 $0x0;
	p0 =	por $0x0, $0x0;
	s5 =	sadd.s32 s7, s5  }
0xb: {  	[sflag:s8] =	ssyncpa.u1 $0x0;
	s8 =	smov.u32 s2;
	s7 =	sadd.s32 $0x1, s5  }
.LBB1_4:
0xc: {  	[tilespmem:s20+$0xFFFFFFFA ss:$0x81] =	vst.msk $0xff, v4  }
0xd: {  	v4 =	vld.msk [tilespmem:s21+$0xFFFFFFF0], $0xff;
	_ =	sdelay $0x3  }
0xe: {  	[tilespmem:s18+$0xFFFFFFFB ss:$0x81] =	vst.msk $0xff, v3  }
0xf: {  	v3 =	vld.msk [tilespmem:s19+$0xFFFFFFF8], $0xff;
	[tilespmem:s20+$0xFFFFFFFB ss:$0x81] =	vst.msk $0xff, v4  }
0x10: {  	v4 =	vld.msk [tilespmem:s21+$0xFFFFFFF8], $0xff;
	_ =	sdelay $0x3  }
0x11: {  	v5 =	vld.msk [tilespmem:s17+$0x0], $0xff;
	[tilespmem:s18+$0xFFFFFFFC ss:$0x81] =	vst.msk $0xff, v3  }
0x12: {  	v3 =	vld.msk [tilespmem:s19+$0x0], $0xff;
	[tilespmem:s20+$0xFFFFFFFC ss:$0x81] =	vst.msk $0xff, v4  }
0x13: {  	v4 =	vld.msk [tilespmem:s21+$0x0], $0xff;
	_ =	sdelay $0x2  }
0x14: {  	[tilespmem:s16+$0xFFFFFFFD ss:$0x81] =	vst.msk $0xff, v5  }
0x15: {  	v5 =	vld.msk [tilespmem:s17+$0x8], $0xff;
	[tilespmem:s18+$0xFFFFFFFD ss:$0x81] =	vst.msk $0xff, v3  }
0x16: {  	v3 =	vld.msk [tilespmem:s19+$0x8], $0xff;
	[tilespmem:s20+$0xFFFFFFFD ss:$0x81] =	vst.msk $0xff, v4  }
0x17: {  	v4 =	vld.msk [tilespmem:s21+$0x8], $0xff;
	_ =	sdelay $0x1  }
0x18: {  	[tilespmem:s14+$0xFFFFFFFE ss:$0x81] =	vst.msk $0xff, v2  }
0x19: {  	v2 =	vld.msk [tilespmem:s15+$0x10], $0xff;
	[tilespmem:s16+$0xFFFFFFFE ss:$0x81] =	vst.msk $0xff, v5  }
0x1a: {  	v5 =	vld.msk [tilespmem:s17+$0x10], $0xff;
	[tilespmem:s18+$0xFFFFFFFE ss:$0x81] =	vst.msk $0xff, v3  }
0x1b: {  	v3 =	vld.msk [tilespmem:s19+$0x10], $0xff;
	[tilespmem:s20+$0xFFFFFFFE ss:$0x81] =	vst.msk $0xff, v4  }
0x1c: {  	v4 =	vld.msk [tilespmem:s21+$0x10], $0xff  }
0x1d: {  	[tilespmem:s12+$0xFFFFFFFF ss:$0x81] =	vst.msk $0xff, v1  }
0x1e: {  	v1 =	vld.msk [tilespmem:s13+$0x18], $0xff;
	[tilespmem:s14+$0xFFFFFFFF ss:$0x81] =	vst.msk $0xff, v2  }
0x1f: {  	v2 =	vld.msk [tilespmem:s15+$0x18], $0xff;
	[tilespmem:s16+$0xFFFFFFFF ss:$0x81] =	vst.msk $0xff, v5  }
0x20: {  	v61 =	vld.msk [tilespmem:s17+$0x18], $0xff;
	[tilespmem:s18+$0xFFFFFFFF ss:$0x81] =	vst.msk $0xff, v3  }
0x21: {  	v62 =	vld.msk [tilespmem:s19+$0x18], $0xff;
	[tilespmem:s20+$0xFFFFFFFF ss:$0x81] =	vst.msk $0xff, v4  }
0x22: {  	[tilespmem:s11+$0x0 ss:$0x81] =	vst.msk $0xff, v0;
	v63 =	vld.msk [tilespmem:s21+$0x18], $0xff  }
0x23: {  	s28 =	sshll.u32 s10, $0x3;
	[tilespmem:s12+$0x0 ss:$0x81] =	vst.msk $0xff, v1  }
0x24: {  	s29 =	sand.u32 $0x78, s10;
	s11 =	sand.u32 $0xFFC00, s28;
	[tilespmem:s14+$0x0 ss:$0x81] =	vst.msk $0xff, v2  }
0x25: {  	s30 =	sand.u32 $0xE0000, s10;
	s11 =	sor.u32 s29, s11;
	[tilespmem:s16+$0x0 ss:$0x81] =	vst.msk $0xff, v61  }
0x26: {  	s11 =	sshrl.u32 s11, $0x3;
	s12 =	sadd.s32 s3, s30;
	[tilespmem:s18+$0x0 ss:$0x81] =	vst.msk $0xff, v62  }
0x27: {  	s31 =	sand.u32 $0x7, s10;
	s11 =	sadd.s32 s11, s12;
	[tilespmem:s20+$0x0 ss:$0x81] =	vst.msk $0xff, v63  }
0x28: {  	[hbm4b:s11+s31] =	stream.linear.scatter [tilespmem:s22], [sflag:$0x2], $0x400, $0x20;
	[tilespmem:$0x1010] =	vst v63  }
.LBB1_5:
0x29: {  	s12 =	sadd.s32 $0x1000, s8  }
0x2a: {  	p2 =	sgt.s32 s12, $0xFFFFF  }
0x2b: {  	s12 =	smov.u32 @p2 s2;
	p2 =	sne.s32 s9, s7  }
.Ltmp1:
0x2c: {  	p1 =	slt.u32 s9, $0x2;
	(pc) =	sbr.rel @!p2 .LBB1_6-.Ltmp1, $4  }
0x2d: {  	s11 =	simm.s32 @!p1 $0x2  }
0x2e: {  	s13 =	sadd.s32 $0x1, s9;
	_ =	swait.ge @!p1 [sflag:s11], $0x400  }
0x2f: {  	s10 =	smov.u32 s8;
	p0 =	por !p0, !p0;
	[sflag:s11] =	ssyncset.done @!p1 $0x0  }
0x30: {  	s9 =	smov.u32 s13;
	s8 =	smov.u32 s12;
	[sflag:s11] =	ssyncadd.s32 @!p1 $0xFFFFFC00  }
.LBB1_1:
0x31: {  	p1 =	sge.u32 s9, s5  }
0x32: {  	s31 =	sadd.s32 $0xFFFFFFFF, s9;
	s11 =	sxor.u32 @!p1 $0xFFFFFFFF, s9;
	s12 =	sshll.u32 @!p1 s8, $0x4  }
0x33: {  	s13 =	simm.s32 @!p1 $0x8;
	s11 =	sshll.u32 @!p1 s11, $0xA;
	s12 =	sand.u32 @!p1 $0xFFFFF0, s12  }
0x34: {  	s14 =	simm.s32 @!p1 $0x80;
	s11 =	sand.u32 @!p1 $0x400, s11;
	s12 =	sadd.s32 @!p1 s6, s12  }
0x35: {  	[tilespmem:s11], [sflag:$0x1] =	stream.strided.gather @!p1 [hbm4b:s12+s13], $0x400, s14, s13, $0x38;
	[tilespmem:$0x1010] =	vst v63  }
0x36: {  	p1 =	sge.u32 s31, s5  }
.Ltmp2:
0x37: {  	_ = 	snop;
	(pc) =	sbr.rel @p1 .LBB1_5-.Ltmp2, $1  }
0x38: {  	_ =	sdelay $0x3  }
0x39: {  	s11 =	simm.s32 $0x1  }
0x3a: {  	_ =	swait.ge [sflag:s4], $0x400;
	s11 =	simm.s32 @!p0 $0x0  }
0x3b: {  	[sflag:s4] =	ssyncset.done $0x0;
	s12 =	sshll.u32 s11, $0xA  }
0x3c: {  	[sflag:s4] =	ssyncadd.s32 $0xFFFFFC00;
	s20 =	sor.u32 $0x20, s12  }
0x3d: {  	v0 =	vld.msk [tilespmem:s20+$0xFFFFFFE0], $0xff  }
0x3e: {  	s11 =	smul.u32 $0x1020, s11;
	_ =	sdelay $0x1  }
0x3f: {  	s11 =	sshrl.u32 s11, $0x2  }
0x40: {  	s11 =	sor.u32 $0x807, s11  }
0x41: {  	[tilespmem:s11+$0xFFFFFFF9 ss:$0x81] =	vst.msk $0xff, v0  }
0x42: {  	v0 =	vld.msk [tilespmem:s20+$0xFFFFFFE8], $0xff  }
0x43: {  	s13 =	sadd.s32 $0x40, s20  }
0x44: {  	v1 =	vld.msk [tilespmem:s13+$0xFFFFFFE0], $0xff;
	_ =	sdelay $0x2  }
0x45: {  	[tilespmem:s11+$0xFFFFFFFA ss:$0x81] =	vst.msk $0xff, v0  }
0x46: {  	s12 =	sadd.s32 $0x8, s11;
	v0 =	vld.msk [tilespmem:s20+$0xFFFFFFF0], $0xff  }
0x47: {  	[tilespmem:s12+$0xFFFFFFF9 ss:$0x81] =	vst.msk $0xff, v1  }
0x48: {  	v1 =	vld.msk [tilespmem:s13+$0xFFFFFFE8], $0xff  }
0x49: {  	s15 =	sadd.s32 $0x40, s13  }
0x4a: {  	v2 =	vld.msk [tilespmem:s15+$0xFFFFFFE0], $0xff  }
0x4b: {  	[tilespmem:s11+$0xFFFFFFFB ss:$0x81] =	vst.msk $0xff, v0  }
0x4c: {  	v0 =	vld.msk [tilespmem:s20+$0xFFFFFFF8], $0xff  }
0x4d: {  	[tilespmem:s12+$0xFFFFFFFA ss:$0x81] =	vst.msk $0xff, v1  }
0x4e: {  	s14 =	sadd.s32 $0x8, s12;
	v1 =	vld.msk [tilespmem:s13+$0xFFFFFFF0], $0xff  }
0x4f: {  	[tilespmem:s14+$0xFFFFFFF9 ss:$0x81] =	vst.msk $0xff, v2  }
0x50: {  	s17 =	sadd.s32 $0x40, s15;
	v2 =	vld.msk [tilespmem:s15+$0xFFFFFFE8], $0xff  }
0x51: {  	[tilespmem:s11+$0xFFFFFFFC ss:$0x81] =	vst.msk $0xff, v0;
	v0 =	vld.msk [tilespmem:s17+$0xFFFFFFE0], $0xff  }
0x52: {  	v3 =	vld.msk [tilespmem:s20+$0x0], $0xff  }
0x53: {  	[tilespmem:s12+$0xFFFFFFFB ss:$0x81] =	vst.msk $0xff, v1  }
0x54: {  	v1 =	vld.msk [tilespmem:s13+$0xFFFFFFF8], $0xff  }
0x55: {  	s16 =	sadd.s32 $0x8, s14;
	[tilespmem:s14+$0xFFFFFFFA ss:$0x81] =	vst.msk $0xff, v2  }
0x56: {  	v2 =	vld.msk [tilespmem:s15+$0xFFFFFFF0], $0xff;
	[tilespmem:s16+$0xFFFFFFF9 ss:$0x81] =	vst.msk $0xff, v0  }
0x57: {  	v0 =	vld.msk [tilespmem:s17+$0xFFFFFFE8], $0xff;
	[tilespmem:s11+$0xFFFFFFFD ss:$0x81] =	vst.msk $0xff, v3  }
0x58: {  	s19 =	sadd.s32 $0x40, s17;
	v3 =	vld.msk [tilespmem:s20+$0x8], $0xff  }
0x59: {  	[tilespmem:s12+$0xFFFFFFFC ss:$0x81] =	vst.msk $0xff, v1;
	v1 =	vld.msk [tilespmem:s19+$0xFFFFFFE0], $0xff  }
0x5a: {  	v4 =	vld.msk [tilespmem:s13+$0x0], $0xff  }
0x5b: {  	[tilespmem:s14+$0xFFFFFFFB ss:$0x81] =	vst.msk $0xff, v2  }
0x5c: {  	v2 =	vld.msk [tilespmem:s15+$0xFFFFFFF8], $0xff;
	[tilespmem:s16+$0xFFFFFFFA ss:$0x81] =	vst.msk $0xff, v0  }
0x5d: {  	s18 =	sadd.s32 $0x8, s16;
	v0 =	vld.msk [tilespmem:s17+$0xFFFFFFF0], $0xff;
	[tilespmem:s11+$0xFFFFFFFE ss:$0x81] =	vst.msk $0xff, v3  }
0x5e: {  	[tilespmem:s18+$0xFFFFFFF9 ss:$0x81] =	vst.msk $0xff, v1;
	v1 =	vld.msk [tilespmem:s20+$0x10], $0xff  }
0x5f: {  	[tilespmem:s12+$0xFFFFFFFD ss:$0x81] =	vst.msk $0xff, v4;
	v3 =	vld.msk [tilespmem:s19+$0xFFFFFFE8], $0xff  }
0x60: {  	s21 =	sadd.s32 $0x40, s19;
	v4 =	vld.msk [tilespmem:s13+$0x8], $0xff  }
0x61: {  	[tilespmem:s14+$0xFFFFFFFC ss:$0x81] =	vst.msk $0xff, v2;
	v2 =	vld.msk [tilespmem:s21+$0xFFFFFFE0], $0xff  }
0x62: {  	v5 =	vld.msk [tilespmem:s15+$0x0], $0xff;
	[tilespmem:s16+$0xFFFFFFFB ss:$0x81] =	vst.msk $0xff, v0  }
0x63: {  	v6 =	vld.msk [tilespmem:s17+$0xFFFFFFF8], $0xff;
	[tilespmem:s11+$0xFFFFFFFF ss:$0x81] =	vst.msk $0xff, v1  }
0x64: {  	s22 =	sand.u32 $0x1, s9;
	[tilespmem:s18+$0xFFFFFFFA ss:$0x81] =	vst.msk $0xff, v3;
	v0 =	vld.msk [tilespmem:s20+$0x18], $0xff  }
0x65: {  	s22 =	smul.u32 $0x1020, s22;
	[tilespmem:s12+$0xFFFFFFFE ss:$0x81] =	vst.msk $0xff, v4;
	v3 =	vld.msk [tilespmem:s19+$0xFFFFFFF0], $0xff;
	s20 =	sadd.s32 $0x8, s18  }
0x66: {  	v1 =	vld.msk [tilespmem:s13+$0x10], $0xff;
	[tilespmem:s20+$0xFFFFFFF9 ss:$0x81] =	vst.msk $0xff, v2  }
0x67: {  	s22 =	sshrl.u32 s22, $0x2;
	[tilespmem:s14+$0xFFFFFFFD ss:$0x81] =	vst.msk $0xff, v5;
	v4 =	vld.msk [tilespmem:s21+$0xFFFFFFE8], $0xff  }
0x68: {  	s23 =	simm.s32 $0x28;
	s22 =	sor.u32 $0x800, s22;
	s24 =	sadd.s32 $0x40, s21;
	v2 =	vld.msk [tilespmem:s15+$0x8], $0xff;
	[tilespmem:s16+$0xFFFFFFFC ss:$0x81] =	vst.msk $0xff, v6  }
.LBB1_3:
0x69: {  	v5 =	vld.msk [tilespmem:s24+$0xFFFFFFE0], $0xff;
	[tilespmem:s11+$0x0 ss:$0x81] =	vst.msk $0xff, v0;
	s11 =	smov.u32 s12;
	s12 =	smov.u32 s14;
	s14 =	smov.u32 s16  }
0x6a: {  	s23 =	sadd.s32 $0x8, s23;
	s16 =	smov.u32 s18;
	[tilespmem:s18+$0xFFFFFFFB ss:$0x81] =	vst.msk $0xff, v3;
	v6 =	vld.msk [tilespmem:s17+$0x0], $0xff;
	s18 =	smov.u32 s20  }
0x6b: {  	p1 =	slt.u32 s23, $0x78;
	v7 =	vld.msk [tilespmem:s19+$0xFFFFFFF8], $0xff;
	[tilespmem:s11+$0xFFFFFFFF ss:$0x81] =	vst.msk $0xff, v1  }
.Ltmp3:
0x6c: {  	[tilespmem:s20+$0xFFFFFFFA ss:$0x81] =	vst.msk $0xff, v4;
	v0 =	vld.msk [tilespmem:s13+$0x18], $0xff;
	s13 =	smov.u32 s15;
	s15 =	smov.u32 s17;
	(pc) =	sbr.rel @p1 .LBB1_3-.Ltmp3, $4  }
0x6d: {  	s20 =	sadd.s32 $0x8, s20;
	s17 =	smov.u32 s19;
	s19 =	smov.u32 s21;
	v3 =	vld.msk [tilespmem:s21+$0xFFFFFFF0], $0xff;
	[tilespmem:s12+$0xFFFFFFFE ss:$0x81] =	vst.msk $0xff, v2  }
0x6e: {  	s21 =	smov.u32 s24;
	[tilespmem:s20+$0xFFFFFFF9 ss:$0x81] =	vst.msk $0xff, v5;
	v1 =	vld.msk [tilespmem:s13+$0x10], $0xff  }
0x6f: {  	v4 =	vld.msk [tilespmem:s24+$0xFFFFFFE8], $0xff;
	[tilespmem:s14+$0xFFFFFFFD ss:$0x81] =	vst.msk $0xff, v6  }
0x70: {  	s24 =	sadd.s32 $0x40, s24;
	[tilespmem:s16+$0xFFFFFFFC ss:$0x81] =	vst.msk $0xff, v7;
	v2 =	vld.msk [tilespmem:s15+$0x8], $0xff  }
.Ltmp4:
0x71: {  	_ = 	snop;
	(pc) =	sbr.rel .LBB1_4-.Ltmp4, $1  }
0x72: {  	_ =	sdelay $0x3  }
.LBB1_6:
0x73: {  	_ =	sfence.sel $0x180000  }
0x74: {  	s2 =	simm.s32 $0x1;
	[bflag:$0x0] =	sbarrier.arrive $0xFFFF  }
0x75: {  	s31 =	simm.s32 $0x2;
	[sflag:s2] =	ssyncpa.u1 $0x1  }
0x76: {  	[sflag:s31] =	ssyncpa.u1 $0x1  }
0x77: {  	p0 =	sne.s32 s0, $0x0;
	_ =	strace $0x9000004D  }
0x78: {  	s0 =	sadd.s32 @!p0 $0x100000, s1;
	[bflag:$0x2] =	sbarrier.arrive $0xFFFF  }
0x79: {  	[sflag:s0] =	ssyncadd.tile.s32 @!p0 $0x1;
	_ =	shalt  }
.Lfunc_end1:
_tile_overlayer_lowered:
.L_overlay_start_2:
0x7a: {  	(tag) =	ssettag $0x2  }
0x7b: {  	s0 =	rddreg [dreg:$0x0];
	s2 =	stileid.u32  }
0x7c: {  	s1 =	rddreg [dreg:$0x1];
	p0 =	sne.s32 s2, $0x0  }
0x7d: {  	s3 =	rddreg [dreg:$0x2];
	[bflag:$0x3] =	sbarrier.arrive $0xFFFF;
	s2 =	simm.s32 @!p0 $0x1C01  }
0x7e: {  	[timem:s3], [sflag:s2] =	dma.local @!p0 [hbm:s0], s1  }
0x7f: {  	s0 =	simm.s32 @!p0 $0x1  }
0x80: {  	_ =	swait.ge @!p0 [sflag:s0], s1  }
0x81: {  	s1 =	ssub.s32 @!p0 $0x0, s1;
	[sflag:s0] =	ssyncset.done @!p0 $0x0  }
0x82: {  	[sflag:s0] =	ssyncadd.s32 @!p0 s1  }
0x83: {  	[bflag:$0x3] =	sbarrier.arrive $0xFFFF  }
0x84: {  	_ =	shalt  }

</sc_bundles>
